<compile_context>
chip_gen: v7x
topology: tpu7x:2x2x1
jax: 0.10.2.dev20260603
libtpu: 0.0.44.dev20260713+nightly
codegen_flags: <defaults>
</compile_context>

<pallas_src>
import functools

import jax
import jax.numpy as jnp
from jax import lax
from jax.experimental import pallas as pl
from jax.experimental.pallas import tpu as pltpu
from jax.experimental.pallas import tpu_sc as plsc

_CORES = 2
_SUBCORES = 16
_NW = _CORES * _SUBCORES
_CHUNK = 128


def _ln(x, g, b):
    m = jnp.mean(x, axis=-1, keepdims=True)
    v = jnp.mean((x - m) ** 2, axis=-1, keepdims=True)
    return (x - m) / jnp.sqrt(v + 1e-5) * g + b



def _hist_call(src2d, dst2d, n_pad):
    ch = (src2d.shape[0] * src2d.shape[1]) // (_NW * _CHUNK)
    subrows = n_pad // _SUBCORES
    mesh = plsc.VectorSubcoreMesh(core_axis_name="c", subcore_axis_name="s")

    @functools.partial(
        pl.kernel, mesh=mesh,
        out_type=jax.ShapeDtypeStruct((_CORES, n_pad, 128), jnp.float32),
        scratch_types=[
            pltpu.VMEM((8, _CHUNK), jnp.int32),
            pltpu.VMEM((_CHUNK, 128), jnp.float32),
            pltpu.VMEM_SHARED((n_pad, 128), jnp.float32),
        ])
    def k(src_hbm, dst_hbm, out_hbm, idxv, buf, acc):
        c = lax.axis_index("c")
        s = lax.axis_index("s")
        wid = s * _CORES + c
        one16 = jnp.ones((16,), jnp.float32)
        zero16 = jnp.zeros((16,), jnp.float32)

        def fill_zero(t, carry):
            buf[t // 8, pl.ds((t % 8) * 16, 16)] = zero16
            return carry
        lax.fori_loop(0, _CHUNK * 8, fill_zero, 0)

        base = s * subrows

        def zero_acc(t, carry):
            pltpu.sync_copy(buf, acc.at[pl.ds(base + t * _CHUNK, _CHUNK)])
            return carry
        lax.fori_loop(0, subrows // _CHUNK, zero_acc, 0)

        def fill_lo(t, carry):
            buf[t // 4, pl.ds((t % 4) * 16, 16)] = one16
            return carry
        lax.fori_loop(0, _CHUNK * 4, fill_lo, 0)
        plsc.subcore_barrier()

        def outer_src(jj, carry):
            pltpu.sync_copy(src_hbm.at[pl.ds(wid * ch + jj * 8, 8)], idxv)

            def body(j, carry2):
                pltpu.sync_copy(buf, acc.at[idxv.at[j]], add=True)
                return carry2
            lax.fori_loop(0, 8, body, 0)
            return carry
        lax.fori_loop(0, ch // 8, outer_src, 0)

        def fill_swap_lo(t, carry):
            buf[t // 4, pl.ds((t % 4) * 16, 16)] = zero16
            return carry
        lax.fori_loop(0, _CHUNK * 4, fill_swap_lo, 0)

        def fill_swap_hi(t, carry):
            buf[t // 4, pl.ds(64 + (t % 4) * 16, 16)] = one16
            return carry
        lax.fori_loop(0, _CHUNK * 4, fill_swap_hi, 0)

        def outer_dst(jj, carry):
            pltpu.sync_copy(dst_hbm.at[pl.ds(wid * ch + jj * 8, 8)], idxv)

            def body(j, carry2):
                pltpu.sync_copy(buf, acc.at[idxv.at[j]], add=True)
                return carry2
            lax.fori_loop(0, 8, body, 0)
            return carry
        lax.fori_loop(0, ch // 8, outer_dst, 0)
        plsc.subcore_barrier()

        pltpu.sync_copy(acc.at[pl.ds(base, subrows)],
                        out_hbm.at[c, pl.ds(base, subrows)])

    return k(src2d, dst2d)


def _segsum_call(table, src2d, dst2d, n_pad):
    h = table.shape[1]
    ch = (src2d.shape[0] * src2d.shape[1]) // (_NW * _CHUNK)
    subrows = n_pad // _SUBCORES
    mesh = plsc.VectorSubcoreMesh(core_axis_name="c", subcore_axis_name="s")

    @functools.partial(
        pl.kernel, mesh=mesh,
        out_type=jax.ShapeDtypeStruct((_CORES, n_pad, h), jnp.float32),
        scratch_types=[
            pltpu.VMEM((ch // 2, _CHUNK), jnp.int32),
            pltpu.VMEM((ch // 2, _CHUNK), jnp.int32),
            pltpu.VMEM((_CHUNK, h), jnp.float32),
            pltpu.VMEM((_CHUNK, h), jnp.float32),
            pltpu.VMEM_SHARED((n_pad, h), jnp.float32),
            pltpu.SemaphoreType.DMA,
            pltpu.SemaphoreType.DMA,
        ])
    def k(tab_hbm, src_hbm, dst_hbm, out_hbm, sidx, didx, rows_a, rows_b,
          acc, sem_a, sem_b):
        c = lax.axis_index("c")
        s = lax.axis_index("s")
        wid = s * _CORES + c
        zero16 = jnp.zeros((16,), jnp.float32)
        lanes = h // 16

        def fill_zero(t, carry):
            rows_a[t // lanes, pl.ds((t % lanes) * 16, 16)] = zero16
            return carry
        lax.fori_loop(0, _CHUNK * lanes, fill_zero, 0)

        base = s * subrows

        def zero_acc(t, carry):
            pltpu.sync_copy(rows_a, acc.at[pl.ds(base + t * _CHUNK, _CHUNK)])
            return carry
        lax.fori_loop(0, subrows // _CHUNK, zero_acc, 0)
        plsc.subcore_barrier()

        def gat(j, buf, sem):
            return pltpu.make_async_copy(tab_hbm.at[sidx.at[j]], buf, sem)

        def scat(j, buf):
            pltpu.sync_copy(buf, acc.at[didx.at[j]], add=True)

        bch = ch // 2
        for b in range(2):
            pltpu.sync_copy(src_hbm.at[pl.ds(wid * ch + b * bch, bch)], sidx)
            pltpu.sync_copy(dst_hbm.at[pl.ds(wid * ch + b * bch, bch)], didx)
            gat(0, rows_a, sem_a).start()

            def pair(p, carry):
                j = 2 * p
                gat(j + 1, rows_b, sem_b).start()
                gat(j, rows_a, sem_a).wait()
                scat(j, rows_a)
                gat(j + 2, rows_a, sem_a).start()
                gat(j + 1, rows_b, sem_b).wait()
                scat(j + 1, rows_b)
                return carry
            lax.fori_loop(0, bch // 2 - 1, pair, 0)

            je = bch - 2
            gat(je + 1, rows_b, sem_b).start()
            gat(je, rows_a, sem_a).wait()
            scat(je, rows_a)
            gat(je + 1, rows_b, sem_b).wait()
            scat(je + 1, rows_b)
        plsc.subcore_barrier()

        pltpu.sync_copy(acc.at[pl.ds(base, subrows)],
                        out_hbm.at[c, pl.ds(base, subrows)])

    return k(table, src2d, dst2d)



def _stats_call(hist, w1s, n, e, n_pad, h, npad_edges):
    import numpy as _np
    iters = max(int(e).bit_length(), 1)
    kneed = float((n - 1) // 2 + 1)
    mean_c = float(_np.float32(_np.float32(e / n) + _np.float32(1e-6)))

    def body(h_ref, w_ref, sw_ref, aux_ref):
        hsum = h_ref[0] + h_ref[1]
        rows = lax.broadcasted_iota(jnp.int32, (n_pad, 1), 0)
        deg = hsum[:, 0:1] - (rows < npad_edges).astype(jnp.float32)
        indeg = hsum[:, 64:65]
        mask = rows < n

        def bs(i, lohi):
            lo, hi = lohi
            mid = (lo + hi) // 2
            le = jnp.logical_and(mask, deg <= mid.astype(jnp.float32))
            cnt = jnp.sum(jnp.where(le, 1.0, 0.0))
            pred = cnt >= kneed
            return (jnp.where(pred, lo, mid + 1), jnp.where(pred, mid, hi))
        lo, _hi = lax.fori_loop(0, iters, bs, (jnp.int32(0), jnp.int32(e)))
        med = lo.astype(jnp.float32)

        deg = deg[:n]
        indeg = indeg[:n]
        s0 = deg / mean_c
        s1 = jnp.log(1.0 + deg)
        s2 = 1.0 / jnp.sqrt(jnp.maximum(deg, 1.0))
        s3 = (deg > med).astype(jnp.float32)
        w = w_ref[...]
        sw_ref[...] = (s0 * w[0:1, :] + s1 * w[1:2, :]
                       + s2 * w[2:3, :] + s3 * w[3:4, :])
        dis = 1.0 / jnp.sqrt(indeg + 1.0)
        invc = 1.0 / jnp.maximum(indeg, 1.0)
        aux_ref[...] = jnp.concatenate(
            [dis, invc, jnp.zeros((n, h - 2), jnp.float32)], axis=1)

    return pl.pallas_call(
        body,
        out_shape=[jax.ShapeDtypeStruct((n, h), jnp.float32)] * 2,
    )(hist, w1s)


def _bn_for(n):
    for b in (2048, 2000, 1600, 1280, 1000, 800, 512, 400, 200, 104, 8):
        if n % b == 0 and b % 8 == 0:
            return b
    return n


def _node_spec(bn, h):
    return pl.BlockSpec((bn, h), lambda i: (i, 0))


def _full_spec(a):
    return pl.BlockSpec(a.shape, lambda i: tuple(0 for _ in a.shape))


def _dense1_call(x_pad, sw, aux, w1x, b1, g1, be1, w2, b2, wg):
    n, d = x_pad.shape
    h = w2.shape[0]
    bn = _bn_for(n)

    def body(x_ref, sw_ref, aux_ref, w1x_ref, b1_ref, g1_ref, be1_ref,
             w2_ref, b2_ref, wg_ref, h1_ref, y_ref):
        xb = x_ref[...]
        nrm = jnp.sqrt(jnp.sum(xb * xb, axis=-1, keepdims=True))
        xn = xb / jnp.maximum(nrm, 1e-12)
        pre = (jnp.dot(xn, w1x_ref[...], preferred_element_type=jnp.float32)
               + sw_ref[...] + b1_ref[...])
        hh = jnp.maximum(_ln(pre, g1_ref[...], be1_ref[...]), 0.0)
        h1 = jnp.dot(hh, w2_ref[...], preferred_element_type=jnp.float32) + b2_ref[...]
        xw = jnp.dot(h1, wg_ref[...], preferred_element_type=jnp.float32)
        h1_ref[...] = h1
        y_ref[...] = xw * aux_ref[:, 0:1]

    return pl.pallas_call(
        body, grid=(n // bn,),
        in_specs=[_node_spec(bn, d), _node_spec(bn, h), _node_spec(bn, h),
                  _full_spec(w1x), _full_spec(b1), _full_spec(g1),
                  _full_spec(be1), _full_spec(w2), _full_spec(b2),
                  _full_spec(wg)],
        out_specs=[_node_spec(bn, h), _node_spec(bn, h)],
        out_shape=[jax.ShapeDtypeStruct((n, h), jnp.float32)] * 2,
    )(x_pad, sw, aux, w1x, b1, g1, be1, w2, b2, wg)


def _dense2_call(h1, y, p1, aux, bg, gn1, bn1, wsr, bsl):
    n, h = h1.shape
    bn = _bn_for(n)

    def body(h1_ref, y_ref, p_ref, aux_ref, bg_ref, gn1_ref, bn1_ref,
             wsr_ref, bsl_ref, h2_ref, hr_ref):
        ssum = p_ref[0] + p_ref[1] + y_ref[...]
        agg = ssum * aux_ref[:, 0:1] + bg_ref[...]
        hn = jnp.maximum(_ln(agg, gn1_ref[...], bn1_ref[...]), 0.0)
        h2 = h1_ref[...] + hn
        h2_ref[...] = h2
        hr_ref[...] = (jnp.dot(h2, wsr_ref[...], preferred_element_type=jnp.float32)
                       + bsl_ref[...])

    p_spec = pl.BlockSpec((_CORES, bn, h), lambda i: (0, i, 0))
    return pl.pallas_call(
        body, grid=(n // bn,),
        in_specs=[_node_spec(bn, h), _node_spec(bn, h), p_spec,
                  _node_spec(bn, h), _full_spec(bg), _full_spec(gn1),
                  _full_spec(bn1), _full_spec(wsr), _full_spec(bsl)],
        out_specs=[_node_spec(bn, h), _node_spec(bn, h)],
        out_shape=[jax.ShapeDtypeStruct((n, h), jnp.float32)] * 2,
    )(h1, y, p1, aux, bg, gn1, bn1, wsr, bsl)


def _dense3_call(h1, h2, hr, p2, aux, wsl, gn2, bn2, wjk1, wjk2, wjk3, bjk,
                 wc1, bc1, wc2p, bc2p):
    n, h = h1.shape
    c_out = wc2p.shape[1]
    bn = _bn_for(n)

    def body(h1_ref, h2_ref, hr_ref, p_ref, aux_ref, wsl_ref, gn2_ref,
             bn2_ref, wjk1_ref, wjk2_ref, wjk3_ref, bjk_ref, wc1_ref,
             bc1_ref, wc2_ref, bc2_ref, out_ref):
        mean = (p_ref[0] + p_ref[1]) * aux_ref[:, 1:2]
        hn = (jnp.dot(mean, wsl_ref[...], preferred_element_type=jnp.float32)
              + hr_ref[...])
        hn = jnp.maximum(_ln(hn, gn2_ref[...], bn2_ref[...]), 0.0)
        h2b = h2_ref[...]
        h3 = h2b + hn
        jk = (jnp.dot(h1_ref[...], wjk1_ref[...], preferred_element_type=jnp.float32)
              + jnp.dot(h2b, wjk2_ref[...], preferred_element_type=jnp.float32)
              + jnp.dot(h3, wjk3_ref[...], preferred_element_type=jnp.float32)
              + bjk_ref[...])
        z = jnp.maximum(
            jnp.dot(jk, wc1_ref[...], preferred_element_type=jnp.float32)
            + bc1_ref[...], 0.0)
        out_ref[...] = (jnp.dot(z, wc2_ref[...], preferred_element_type=jnp.float32)
                        + bc2_ref[...])

    p_spec = pl.BlockSpec((_CORES, bn, h), lambda i: (0, i, 0))
    return pl.pallas_call(
        body, grid=(n // bn,),
        in_specs=[_node_spec(bn, h), _node_spec(bn, h), _node_spec(bn, h),
                  p_spec, _node_spec(bn, h), _full_spec(wsl), _full_spec(gn2),
                  _full_spec(bn2), _full_spec(wjk1), _full_spec(wjk2),
                  _full_spec(wjk3), _full_spec(bjk), _full_spec(wc1),
                  _full_spec(bc1), _full_spec(wc2p), _full_spec(bc2p)],
        out_specs=pl.BlockSpec((bn, c_out), lambda i: (i, 0)),
        out_shape=jax.ShapeDtypeStruct((n, c_out), jnp.float32),
    )(h1, h2, hr, p2, aux, wsl, gn2, bn2, wjk1, wjk2, wjk3, bjk,
      wc1, bc1, wc2p, bc2p)



def kernel(x, edge_index, W1, b1, g1, be1, W2, b2, Wg, bg, gn1, bn1, Wsl,
           bsl, Wsr, gn2, bn2, Wjk, bjk, Wc1, bc1, Wc2, bc2):
    n, d = x.shape
    h = W2.shape[0]
    c_out = Wc2.shape[1]
    e = edge_index.shape[1]

    n_pad = -(-n // 2560) * 2560
    e_pad = -(-e // (_NW * _CHUNK * 8)) * (_NW * _CHUNK * 8)

    src = edge_index[0]
    dst = edge_index[1]
    pad = e_pad - e
    if pad:
        pad_dst = n + (jnp.arange(pad, dtype=jnp.int32) % (n_pad - n))
        pad_src = jnp.arange(pad, dtype=jnp.int32) % n
        srcg = jnp.concatenate([src, pad_src])
        dstp = jnp.concatenate([dst, pad_dst])
    else:
        srcg, dstp = src, dst
    srcg2d = srcg.reshape(e_pad // _CHUNK, _CHUNK)
    dst2d = dstp.reshape(e_pad // _CHUNK, _CHUNK)

    w1x = W1[:d]
    w1s = W1[d:]
    row = lambda v: v.reshape(1, -1)
    wjk1, wjk2, wjk3 = Wjk[:h], Wjk[h:2 * h], Wjk[2 * h:]
    wc2p = Wc2
    bc2p = bc2.reshape(1, -1)

    hist = _hist_call(srcg2d, dst2d, n_pad)
    sw, aux = _stats_call(hist, w1s, n, e, n_pad, h, e_pad - e)
    h1, y = _dense1_call(x, sw, aux, w1x, row(b1), row(g1), row(be1),
                         W2, row(b2), Wg)
    p1 = _segsum_call(y, srcg2d, dst2d, n_pad)
    h2, hr = _dense2_call(h1, y, p1, aux, row(bg), row(gn1), row(bn1),
                          Wsr, row(bsl))
    p2 = _segsum_call(h2, srcg2d, dst2d, n_pad)
    out = _dense3_call(h1, h2, hr, p2, aux, Wsl, row(gn2), row(bn2),
                       wjk1, wjk2, wjk3, row(bjk), Wc1, row(bc1), wc2p, bc2p)
    return out

# --- scband reference (transcript-rebuilt; emitter-appended) ---
"""Pipeline reference for scband-node-net-39170101740082 (READ-ONLY COPY).

The authoritative reference and input builder live on the scoring server;
editing this copy changes nothing except your own understanding.
"""

import jax, jax.numpy as jnp
import numpy as np

N = 10000
E = 320000
D = 128
H = 128
C = 64

def _ln(x, g, b):
    m = x.mean(-1, keepdims=True)
    v = ((x - m) ** 2).mean(-1, keepdims=True)
    return (x - m) / jnp.sqrt(v + 1e-5) * g + b

def setup_inputs(seed: int = 0):
    key = jax.random.key(seed)
    ks = jax.random.split(key, 16)
    def w(k, shp):
        return jax.random.normal(k, shp, dtype=jnp.float32) * (1.0 / np.sqrt(shp[0]))
    inp = {}
    inp['x'] = jax.random.normal(ks[0], (N, D), dtype=jnp.float32)
    inp['edge_index'] = jax.random.randint(ks[1], (2, E), 0, N).astype(jnp.int32)
    inp['W1'] = w(ks[2], (D + 4, H)); inp['b1'] = jnp.zeros((H,), jnp.float32)
    inp['g1'] = jnp.ones((H,), jnp.float32); inp['be1'] = jnp.zeros((H,), jnp.float32)
    inp['W2'] = w(ks[3], (H, H)); inp['b2'] = jnp.zeros((H,), jnp.float32)
    inp['Wg'] = w(ks[4], (H, H)); inp['bg'] = jnp.zeros((H,), jnp.float32)
    inp['gn1'] = jnp.ones((H,), jnp.float32); inp['bn1'] = jnp.zeros((H,), jnp.float32)
    inp['Wsl'] = w(ks[5], (H, H)); inp['bsl'] = jnp.zeros((H,), jnp.float32)
    inp['Wsr'] = w(ks[6], (H, H))
    inp['gn2'] = jnp.ones((H,), jnp.float32); inp['bn2'] = jnp.zeros((H,), jnp.float32)
    inp['Wjk'] = w(ks[7], (3 * H, H)); inp['bjk'] = jnp.zeros((H,), jnp.float32)
    inp['Wc1'] = w(ks[8], (H, H)); inp['bc1'] = jnp.zeros((H,), jnp.float32)
    inp['Wc2'] = w(ks[9], (H, C)); inp['bc2'] = jnp.zeros((C,), jnp.float32)
    return inp

def reference(x, edge_index, W1, b1, g1, be1, W2, b2, Wg, bg, gn1, bn1, Wsl, bsl, Wsr, gn2, bn2, Wjk, bjk, Wc1, bc1, Wc2, bc2):
    src = edge_index[0]
    dst = edge_index[1]
    # structural features (computed once from graph, eval mode)
    deg = jnp.zeros((N,), jnp.float32).at[src].add(1.0)
    med = jnp.sort(deg)[(N - 1) // 2]  # torch lower median
    struct = jnp.stack([
        deg / (deg.mean() + 1e-6),
        jnp.log1p(deg),
        1.0 / jnp.sqrt(jnp.maximum(deg, 1.0)),
        (deg > med).astype(jnp.float32),
    ], axis=1)
    xn = x / jnp.maximum(jnp.linalg.norm(x, axis=1, keepdims=True), 1e-12)
    xc = jnp.concatenate([xn, struct], axis=1)
    h = _ln(xc @ W1 + b1, g1, be1)
    h = jax.nn.relu(h)
    h = h @ W2 + b2
    outs = [h]
    # GCNConv layer: add self loops + symmetric normalization
    loop = jnp.arange(N, dtype=src.dtype)
    r2 = jnp.concatenate([src, loop])
    c2 = jnp.concatenate([dst, loop])
    dg = jnp.zeros((N,), jnp.float32).at[c2].add(1.0)
    dis = dg ** -0.5
    norm = dis[r2] * dis[c2]
    xw = h @ Wg
    agg = jnp.zeros((N, H), jnp.float32).at[c2].add(xw[r2] * norm[:, None])
    hn = agg + bg
    hn = jax.nn.relu(_ln(hn, gn1, bn1))
    h = h + hn
    outs.append(h)
    # SAGEConv layer: mean aggregation + root weight
    s = jnp.zeros((N, H), jnp.float32).at[dst].add(h[src])
    cnt = jnp.zeros((N,), jnp.float32).at[dst].add(1.0)
    mean = s / jnp.maximum(cnt, 1.0)[:, None]
    hn = mean @ Wsl + bsl + h @ Wsr
    hn = jax.nn.relu(_ln(hn, gn2, bn2))
    h = h + hn
    outs.append(h)
    # jumping knowledge + classifier (dropout is identity in eval)
    h = jnp.concatenate(outs, axis=1) @ Wjk + bjk
    z = jax.nn.relu(h @ Wc1 + bc1)
    return z @ Wc2 + bc2

if __name__ == "__main__":
    import jax
    _d = setup_inputs()
    print(jax.jit(kernel)(*tuple(_d.values())))

</pallas_src>

<mosaic_0001>
#map = affine_map<(d0, d1) -> (0, 0)>
#map1 = affine_map<(d0, d1) -> (0, 0, 0)>
module attributes {stable_mosaic.version = 14 : i64} {
  func.func @k(%arg0: i32, %arg1: i32, %arg2: memref<2560x128xi32, #tpu.memory_space<hbm>>, %arg3: memref<2560x128xi32, #tpu.memory_space<hbm>>, %arg4: memref<2x10240x128xf32, #tpu.memory_space<hbm>>, %arg5: memref<8x128xi32, #tpu.memory_space<vmem>>, %arg6: memref<128x128xf32, #tpu.memory_space<vmem>>, %arg7: memref<10240x128xf32, #tpu.memory_space<vmem_shared>>) attributes {dimension_semantics = [#tpu.dimension_semantics<core_parallel>, #tpu.dimension_semantics<subcore_parallel>], iteration_bounds = array<i64: 2, 16>, scalar_prefetch = 0 : i64, scratch_operands = 3 : i64, tpu.core_type = #tpu.core_type<sc_vector_subcore>, window_params = [{transform_indices = #map}, {transform_indices = #map}, {transform_indices = #map1}]} {
    %mul3A = arith.constant 2 : i32
    %mul3A_0 = arith.muli %arg1, %mul3A : i32
    %add3A = arith.addi %mul3A_0, %arg0 : i32
    %broadcast_in_dim3A = arith.constant 1.000000e+00 : f32
    %broadcast_in_dim3A_1 = vector.broadcast %broadcast_in_dim3A : f32 to vector<16xf32>
    %broadcast_in_dim3A_2 = arith.constant 0.000000e+00 : f32
    %broadcast_in_dim3A_3 = vector.broadcast %broadcast_in_dim3A_2 : f32 to vector<16xf32>
    %scan3A = arith.constant 0 : i32
    %scan3A_4 = arith.constant 0 : i32
    %scan3A_5 = arith.constant 1024 : i32
    %scan3A_6 = arith.addi %scan3A_4, %scan3A_5 : i32
    %scan3A_7 = arith.constant 1 : i32
    scf.for %scan3A_48 = %scan3A_4 to %scan3A_6 step %scan3A_7  : i32 {
      %jit3A = arith.constant 8 : i32
      %div3A = arith.divsi %scan3A_48, %jit3A : i32
      %sign3A = arith.constant 0 : i32
      %sign3A_49 = arith.cmpi sgt, %scan3A_48, %sign3A : i32
      %sign3A_50 = arith.extui %sign3A_49 : i1 to i32
      %sign3A_51 = arith.constant 0 : i32
      %sign3A_52 = arith.cmpi slt, %scan3A_48, %sign3A_51 : i32
      %sign3A_53 = arith.extui %sign3A_52 : i1 to i32
      %sign3A_54 = arith.subi %sign3A_50, %sign3A_53 : i32
      %sign3A_55 = arith.constant 0 : i32
      %sign3A_56 = arith.cmpi sgt, %jit3A, %sign3A_55 : i32
      %sign3A_57 = arith.extui %sign3A_56 : i1 to i32
      %sign3A_58 = arith.constant 0 : i32
      %sign3A_59 = arith.cmpi slt, %jit3A, %sign3A_58 : i32
      %sign3A_60 = arith.extui %sign3A_59 : i1 to i32
      %sign3A_61 = arith.subi %sign3A_57, %sign3A_60 : i32
      %ne3A = arith.cmpi ne, %sign3A_54, %sign3A_61 : i32
      %rem3A = arith.remsi %scan3A_48, %jit3A : i32
      %ne3A_62 = arith.constant 0 : i32
      %ne3A_63 = arith.cmpi ne, %rem3A, %ne3A_62 : i32
      %and3A = arith.andi %ne3A, %ne3A_63 : i1
      %sub3A = arith.constant 1 : i32
      %sub3A_64 = arith.subi %div3A, %sub3A : i32
      %select_n3A = arith.select %and3A, %sub3A_64, %div3A : i32
      %jit3A_65 = arith.constant 8 : i32
      %eq3A = arith.constant 0 : i32
      %eq3A_66 = arith.cmpi eq, %jit3A_65, %eq3A : i32
      %jit3A_67 = arith.constant 1 : i32
      %select_n3A_68 = arith.select %eq3A_66, %jit3A_67, %jit3A_65 : i32
      %rem3A_69 = arith.remsi %scan3A_48, %select_n3A_68 : i32
      %ne3A_70 = arith.constant 0 : i32
      %ne3A_71 = arith.cmpi ne, %rem3A_69, %ne3A_70 : i32
      %lt3A = arith.constant 0 : i32
      %lt3A_72 = arith.cmpi slt, %rem3A_69, %lt3A : i32
      %lt3A_73 = arith.constant 0 : i32
      %lt3A_74 = arith.cmpi slt, %select_n3A_68, %lt3A_73 : i32
      %ne3A_75 = arith.xori %lt3A_72, %lt3A_74 : i1
      %and3A_76 = arith.andi %ne3A_75, %ne3A_71 : i1
      %add3A_77 = arith.addi %rem3A_69, %select_n3A_68 : i32
      %select_n3A_78 = arith.select %and3A_76, %add3A_77, %rem3A_69 : i32
      %mul3A_79 = arith.constant 16 : i32
      %mul3A_80 = arith.muli %select_n3A_78, %mul3A_79 : i32
      %swap3A = arith.index_cast %select_n3A : i32 to index
      %swap3A_81 = arith.index_cast %mul3A_80 : i32 to index
      %swap3A_82 = tpu.vector_load %arg6[%swap3A, %swap3A_81] {strides = array<i32>} : memref<128x128xf32, #tpu.memory_space<vmem>>, vector<1x16xf32>,
      %swap3A_83 = vector.shape_cast %swap3A_82 : vector<1x16xf32> to vector<16xf32>
      %swap3A_84 = vector.shape_cast %broadcast_in_dim3A_3 : vector<16xf32> to vector<1x16xf32>
      tpu.vector_store %arg6[%swap3A, %swap3A_81], %swap3A_84 {strides = array<i32>} : memref<128x128xf32, #tpu.memory_space<vmem>>, vector<1x16xf32>,
    }
    %scan3A_8 = arith.constant 1024 : i32
    %mul3A_9 = arith.constant 640 : i32
    %mul3A_10 = arith.muli %arg1, %mul3A_9 : i32
    %scan3A_11 = arith.constant 0 : i32
    %scan3A_12 = arith.constant 0 : i32
    %scan3A_13 = arith.constant 5 : i32
    %scan3A_14 = arith.addi %scan3A_12, %scan3A_13 : i32
    %scan3A_15 = arith.constant 1 : i32
    scf.for %scan3A_48 = %scan3A_12 to %scan3A_14 step %scan3A_15  : i32 {
      %mul3A_49 = arith.constant 128 : i32
      %mul3A_50 = arith.muli %scan3A_48, %mul3A_49 : i32
      %add3A_51 = arith.addi %mul3A_10, %mul3A_50 : i32
      "tpu.region"() ({
        %run_scoped3A = tpu.sem_alloc : memref<!tpu.dma_semaphore, #tpu.memory_space<semaphore_mem>>
        %dma_start3A = arith.constant 0 : i32
        %dma_start3A_52 = tpu.memref_slice %arg7[%add3A_51, %dma_start3A] : memref<10240x128xf32, #tpu.memory_space<vmem_shared>> -> memref<128x128xf32, #tpu.memory_space<vmem_shared>>
        %dma_start3A_53 = arith.constant 0 : i32
        %dma_start3A_54 = tpu.memref_slice %arg7[%add3A_51, %dma_start3A_53] : memref<10240x128xf32, #tpu.memory_space<vmem_shared>> -> memref<128x128xf32, #tpu.memory_space<vmem_shared>>
        tpu.enqueue_dma source(%arg6 : memref<128x128xf32, #tpu.memory_space<vmem>>) target(%dma_start3A_54 : memref<128x128xf32, #tpu.memory_space<vmem_shared>>) target_semaphore(%run_scoped3A : memref<!tpu.dma_semaphore, #tpu.memory_space<semaphore_mem>>)
        %dma_wait3A = arith.constant 0 : i32
        %dma_wait3A_55 = tpu.memref_slice %arg7[%add3A_51, %dma_wait3A] : memref<10240x128xf32, #tpu.memory_space<vmem_shared>> -> memref<128x128xf32, #tpu.memory_space<vmem_shared>>
        %dma_wait3A_56 = arith.constant 0 : i32
        %dma_wait3A_57 = tpu.memref_slice %arg7[%add3A_51, %dma_wait3A_56] : memref<10240x128xf32, #tpu.memory_space<vmem_shared>> -> memref<128x128xf32, #tpu.memory_space<vmem_shared>>
        tpu.wait_dma2 semaphore(%run_scoped3A : memref<!tpu.dma_semaphore, #tpu.memory_space<semaphore_mem>>) src(%arg6 : memref<128x128xf32, #tpu.memory_space<vmem>>) dst(%dma_wait3A_57 : memref<128x128xf32, #tpu.memory_space<vmem_shared>>)
        tpu.yield
      }) : () -> ()
    }
    %scan3A_16 = arith.constant 5 : i32
    %scan3A_17 = arith.constant 0 : i32
    %scan3A_18 = arith.constant 0 : i32
    %scan3A_19 = arith.constant 512 : i32
    %scan3A_20 = arith.addi %scan3A_18, %scan3A_19 : i32
    %scan3A_21 = arith.constant 1 : i32
    scf.for %scan3A_48 = %scan3A_18 to %scan3A_20 step %scan3A_21  : i32 {
      %jit3A = arith.constant 4 : i32
      %div3A = arith.divsi %scan3A_48, %jit3A : i32
      %sign3A = arith.constant 0 : i32
      %sign3A_49 = arith.cmpi sgt, %scan3A_48, %sign3A : i32
      %sign3A_50 = arith.extui %sign3A_49 : i1 to i32
      %sign3A_51 = arith.constant 0 : i32
      %sign3A_52 = arith.cmpi slt, %scan3A_48, %sign3A_51 : i32
      %sign3A_53 = arith.extui %sign3A_52 : i1 to i32
      %sign3A_54 = arith.subi %sign3A_50, %sign3A_53 : i32
      %sign3A_55 = arith.constant 0 : i32
      %sign3A_56 = arith.cmpi sgt, %jit3A, %sign3A_55 : i32
      %sign3A_57 = arith.extui %sign3A_56 : i1 to i32
      %sign3A_58 = arith.constant 0 : i32
      %sign3A_59 = arith.cmpi slt, %jit3A, %sign3A_58 : i32
      %sign3A_60 = arith.extui %sign3A_59 : i1 to i32
      %sign3A_61 = arith.subi %sign3A_57, %sign3A_60 : i32
      %ne3A = arith.cmpi ne, %sign3A_54, %sign3A_61 : i32
      %rem3A = arith.remsi %scan3A_48, %jit3A : i32
      %ne3A_62 = arith.constant 0 : i32
      %ne3A_63 = arith.cmpi ne, %rem3A, %ne3A_62 : i32
      %and3A = arith.andi %ne3A, %ne3A_63 : i1
      %sub3A = arith.constant 1 : i32
      %sub3A_64 = arith.subi %div3A, %sub3A : i32
      %select_n3A = arith.select %and3A, %sub3A_64, %div3A : i32
      %jit3A_65 = arith.constant 4 : i32
      %eq3A = arith.constant 0 : i32
      %eq3A_66 = arith.cmpi eq, %jit3A_65, %eq3A : i32
      %jit3A_67 = arith.constant 1 : i32
      %select_n3A_68 = arith.select %eq3A_66, %jit3A_67, %jit3A_65 : i32
      %rem3A_69 = arith.remsi %scan3A_48, %select_n3A_68 : i32
      %ne3A_70 = arith.constant 0 : i32
      %ne3A_71 = arith.cmpi ne, %rem3A_69, %ne3A_70 : i32
      %lt3A = arith.constant 0 : i32
      %lt3A_72 = arith.cmpi slt, %rem3A_69, %lt3A : i32
      %lt3A_73 = arith.constant 0 : i32
      %lt3A_74 = arith.cmpi slt, %select_n3A_68, %lt3A_73 : i32
      %ne3A_75 = arith.xori %lt3A_72, %lt3A_74 : i1
      %and3A_76 = arith.andi %ne3A_75, %ne3A_71 : i1
      %add3A_77 = arith.addi %rem3A_69, %select_n3A_68 : i32
      %select_n3A_78 = arith.select %and3A_76, %add3A_77, %rem3A_69 : i32
      %mul3A_79 = arith.constant 16 : i32
      %mul3A_80 = arith.muli %select_n3A_78, %mul3A_79 : i32
      %swap3A = arith.index_cast %select_n3A : i32 to index
      %swap3A_81 = arith.index_cast %mul3A_80 : i32 to index
      %swap3A_82 = tpu.vector_load %arg6[%swap3A, %swap3A_81] {strides = array<i32>} : memref<128x128xf32, #tpu.memory_space<vmem>>, vector<1x16xf32>,
      %swap3A_83 = vector.shape_cast %swap3A_82 : vector<1x16xf32> to vector<16xf32>
      %swap3A_84 = vector.shape_cast %broadcast_in_dim3A_1 : vector<16xf32> to vector<1x16xf32>
      tpu.vector_store %arg6[%swap3A, %swap3A_81], %swap3A_84 {strides = array<i32>} : memref<128x128xf32, #tpu.memory_space<vmem>>, vector<1x16xf32>,
    }
    %scan3A_22 = arith.constant 512 : i32
    %barrier3A = arith.constant 0 : index
    tpu.barrier barrier_id(%barrier3A)
    %scan3A_23 = arith.constant 0 : i32
    %scan3A_24 = arith.constant 0 : i32
    %scan3A_25 = arith.constant 10 : i32
    %scan3A_26 = arith.addi %scan3A_24, %scan3A_25 : i32
    %scan3A_27 = arith.constant 1 : i32
    scf.for %scan3A_48 = %scan3A_24 to %scan3A_26 step %scan3A_27  : i32 {
      %mul3A_49 = arith.constant 80 : i32
      %mul3A_50 = arith.muli %add3A, %mul3A_49 : i32
      %mul3A_51 = arith.constant 8 : i32
      %mul3A_52 = arith.muli %scan3A_48, %mul3A_51 : i32
      %add3A_53 = arith.addi %mul3A_50, %mul3A_52 : i32
      "tpu.region"() ({
        %run_scoped3A = tpu.sem_alloc : memref<!tpu.dma_semaphore, #tpu.memory_space<semaphore_mem>>
        %dma_start3A = arith.constant 0 : i32
        %dma_start3A_60 = tpu.memref_slice %arg2[%add3A_53, %dma_start3A] : memref<2560x128xi32, #tpu.memory_space<hbm>> -> memref<8x128xi32, #tpu.memory_space<hbm>>
        %dma_start3A_61 = arith.constant 0 : i32
        %dma_start3A_62 = tpu.memref_slice %arg2[%add3A_53, %dma_start3A_61] : memref<2560x128xi32, #tpu.memory_space<hbm>> -> memref<8x128xi32, #tpu.memory_space<hbm>>
        tpu.enqueue_dma source(%dma_start3A_62 : memref<8x128xi32, #tpu.memory_space<hbm>>) target(%arg5 : memref<8x128xi32, #tpu.memory_space<vmem>>) target_semaphore(%run_scoped3A : memref<!tpu.dma_semaphore, #tpu.memory_space<semaphore_mem>>)
        %dma_wait3A = arith.constant 0 : i32
        %dma_wait3A_63 = tpu.memref_slice %arg2[%add3A_53, %dma_wait3A] : memref<2560x128xi32, #tpu.memory_space<hbm>> -> memref<8x128xi32, #tpu.memory_space<hbm>>
        %dma_wait3A_64 = arith.constant 0 : i32
        %dma_wait3A_65 = tpu.memref_slice %arg2[%add3A_53, %dma_wait3A_64] : memref<2560x128xi32, #tpu.memory_space<hbm>> -> memref<8x128xi32, #tpu.memory_space<hbm>>
        tpu.wait_dma2 semaphore(%run_scoped3A : memref<!tpu.dma_semaphore, #tpu.memory_space<semaphore_mem>>) src(%dma_wait3A_65 : memref<8x128xi32, #tpu.memory_space<hbm>>) dst(%arg5 : memref<8x128xi32, #tpu.memory_space<vmem>>)
        tpu.yield
      }) : () -> ()
      %scan3A_54 = arith.constant 0 : i32
      %scan3A_55 = arith.constant 0 : i32
      %scan3A_56 = arith.constant 8 : i32
      %scan3A_57 = arith.addi %scan3A_55, %scan3A_56 : i32
      %scan3A_58 = arith.constant 1 : i32
      scf.for %scan3A_60 = %scan3A_55 to %scan3A_57 step %scan3A_58  : i32 {
        "tpu.region"() ({
          %run_scoped3A = tpu.sem_alloc : memref<!tpu.dma_semaphore, #tpu.memory_space<semaphore_mem>>
          %dma_start3A = arith.constant 0 : i32
          %dma_start3A_61 = tpu.memref_slice %arg5[%scan3A_60, %dma_start3A] : memref<8x128xi32, #tpu.memory_space<vmem>> -> memref<1x128xi32, #tpu.memory_space<vmem>>
          %dma_start3A_62 = tpu.memref_squeeze %dma_start3A_61 : memref<1x128xi32, #tpu.memory_space<vmem>> -> memref<128xi32, #tpu.memory_space<vmem>>
          %dma_start3A_63 = arith.constant 0 : i32
          %dma_start3A_64 = arith.constant 0 : i32
          %dma_start3A_65 = tpu.memref_slice %arg7[%dma_start3A_63, %dma_start3A_64] : memref<10240x128xf32, #tpu.memory_space<vmem_shared>> -> memref<10240x128xf32, #tpu.memory_space<vmem_shared>>
          tpu.enqueue_indirect_dma source(%arg6 : memref<128x128xf32, #tpu.memory_space<vmem>>) target(%dma_start3A_65 : memref<10240x128xf32, #tpu.memory_space<vmem_shared>>) offsets(%dma_start3A_62 : memref<128xi32, #tpu.memory_space<vmem>>) semaphore(%run_scoped3A : memref<!tpu.dma_semaphore, #tpu.memory_space<semaphore_mem>>) {add = true}
          %dma_wait3A = arith.constant 0 : i32
          %dma_wait3A_66 = tpu.memref_slice %arg5[%scan3A_60, %dma_wait3A] : memref<8x128xi32, #tpu.memory_space<vmem>> -> memref<1x128xi32, #tpu.memory_space<vmem>>
          %dma_wait3A_67 = tpu.memref_squeeze %dma_wait3A_66 : memref<1x128xi32, #tpu.memory_space<vmem>> -> memref<128xi32, #tpu.memory_space<vmem>>
          %dma_wait3A_68 = arith.constant 0 : i32
          %dma_wait3A_69 = arith.constant 0 : i32
          %dma_wait3A_70 = tpu.memref_slice %arg7[%dma_wait3A_68, %dma_wait3A_69] : memref<10240x128xf32, #tpu.memory_space<vmem_shared>> -> memref<10240x128xf32, #tpu.memory_space<vmem_shared>>
          tpu.wait_indirect_dma semaphore(%run_scoped3A : memref<!tpu.dma_semaphore, #tpu.memory_space<semaphore_mem>>) src(%arg6 : memref<128x128xf32, #tpu.memory_space<vmem>>) dst(%dma_wait3A_70 : memref<10240x128xf32, #tpu.memory_space<vmem_shared>>)
          tpu.yield
        }) : () -> ()
      }
      %scan3A_59 = arith.constant 8 : i32
    }
    %scan3A_28 = arith.constant 10 : i32
    %scan3A_29 = arith.constant 0 : i32
    %scan3A_30 = arith.constant 0 : i32
    %scan3A_31 = arith.constant 512 : i32
    %scan3A_32 = arith.addi %scan3A_30, %scan3A_31 : i32
    %scan3A_33 = arith.constant 1 : i32
    scf.for %scan3A_48 = %scan3A_30 to %scan3A_32 step %scan3A_33  : i32 {
      %jit3A = arith.constant 4 : i32
      %div3A = arith.divsi %scan3A_48, %jit3A : i32
      %sign3A = arith.constant 0 : i32
      %sign3A_49 = arith.cmpi sgt, %scan3A_48, %sign3A : i32
      %sign3A_50 = arith.extui %sign3A_49 : i1 to i32
      %sign3A_51 = arith.constant 0 : i32
      %sign3A_52 = arith.cmpi slt, %scan3A_48, %sign3A_51 : i32
      %sign3A_53 = arith.extui %sign3A_52 : i1 to i32
      %sign3A_54 = arith.subi %sign3A_50, %sign3A_53 : i32
      %sign3A_55 = arith.constant 0 : i32
      %sign3A_56 = arith.cmpi sgt, %jit3A, %sign3A_55 : i32
      %sign3A_57 = arith.extui %sign3A_56 : i1 to i32
      %sign3A_58 = arith.constant 0 : i32
      %sign3A_59 = arith.cmpi slt, %jit3A, %sign3A_58 : i32
      %sign3A_60 = arith.extui %sign3A_59 : i1 to i32
      %sign3A_61 = arith.subi %sign3A_57, %sign3A_60 : i32
      %ne3A = arith.cmpi ne, %sign3A_54, %sign3A_61 : i32
      %rem3A = arith.remsi %scan3A_48, %jit3A : i32
      %ne3A_62 = arith.constant 0 : i32
      %ne3A_63 = arith.cmpi ne, %rem3A, %ne3A_62 : i32
      %and3A = arith.andi %ne3A, %ne3A_63 : i1
      %sub3A = arith.constant 1 : i32
      %sub3A_64 = arith.subi %div3A, %sub3A : i32
      %select_n3A = arith.select %and3A, %sub3A_64, %div3A : i32
      %jit3A_65 = arith.constant 4 : i32
      %eq3A = arith.constant 0 : i32
      %eq3A_66 = arith.cmpi eq, %jit3A_65, %eq3A : i32
      %jit3A_67 = arith.constant 1 : i32
      %select_n3A_68 = arith.select %eq3A_66, %jit3A_67, %jit3A_65 : i32
      %rem3A_69 = arith.remsi %scan3A_48, %select_n3A_68 : i32
      %ne3A_70 = arith.constant 0 : i32
      %ne3A_71 = arith.cmpi ne, %rem3A_69, %ne3A_70 : i32
      %lt3A = arith.constant 0 : i32
      %lt3A_72 = arith.cmpi slt, %rem3A_69, %lt3A : i32
      %lt3A_73 = arith.constant 0 : i32
      %lt3A_74 = arith.cmpi slt, %select_n3A_68, %lt3A_73 : i32
      %ne3A_75 = arith.xori %lt3A_72, %lt3A_74 : i1
      %and3A_76 = arith.andi %ne3A_75, %ne3A_71 : i1
      %add3A_77 = arith.addi %rem3A_69, %select_n3A_68 : i32
      %select_n3A_78 = arith.select %and3A_76, %add3A_77, %rem3A_69 : i32
      %mul3A_79 = arith.constant 16 : i32
      %mul3A_80 = arith.muli %select_n3A_78, %mul3A_79 : i32
      %swap3A = arith.index_cast %select_n3A : i32 to index
      %swap3A_81 = arith.index_cast %mul3A_80 : i32 to index
      %swap3A_82 = tpu.vector_load %arg6[%swap3A, %swap3A_81] {strides = array<i32>} : memref<128x128xf32, #tpu.memory_space<vmem>>, vector<1x16xf32>,
      %swap3A_83 = vector.shape_cast %swap3A_82 : vector<1x16xf32> to vector<16xf32>
      %swap3A_84 = vector.shape_cast %broadcast_in_dim3A_3 : vector<16xf32> to vector<1x16xf32>
      tpu.vector_store %arg6[%swap3A, %swap3A_81], %swap3A_84 {strides = array<i32>} : memref<128x128xf32, #tpu.memory_space<vmem>>, vector<1x16xf32>,
    }
    %scan3A_34 = arith.constant 512 : i32
    %scan3A_35 = arith.constant 0 : i32
    %scan3A_36 = arith.constant 0 : i32
    %scan3A_37 = arith.constant 512 : i32
    %scan3A_38 = arith.addi %scan3A_36, %scan3A_37 : i32
    %scan3A_39 = arith.constant 1 : i32
    scf.for %scan3A_48 = %scan3A_36 to %scan3A_38 step %scan3A_39  : i32 {
      %jit3A = arith.constant 4 : i32
      %div3A = arith.divsi %scan3A_48, %jit3A : i32
      %sign3A = arith.constant 0 : i32
      %sign3A_49 = arith.cmpi sgt, %scan3A_48, %sign3A : i32
      %sign3A_50 = arith.extui %sign3A_49 : i1 to i32
      %sign3A_51 = arith.constant 0 : i32
      %sign3A_52 = arith.cmpi slt, %scan3A_48, %sign3A_51 : i32
      %sign3A_53 = arith.extui %sign3A_52 : i1 to i32
      %sign3A_54 = arith.subi %sign3A_50, %sign3A_53 : i32
      %sign3A_55 = arith.constant 0 : i32
      %sign3A_56 = arith.cmpi sgt, %jit3A, %sign3A_55 : i32
      %sign3A_57 = arith.extui %sign3A_56 : i1 to i32
      %sign3A_58 = arith.constant 0 : i32
      %sign3A_59 = arith.cmpi slt, %jit3A, %sign3A_58 : i32
      %sign3A_60 = arith.extui %sign3A_59 : i1 to i32
      %sign3A_61 = arith.subi %sign3A_57, %sign3A_60 : i32
      %ne3A = arith.cmpi ne, %sign3A_54, %sign3A_61 : i32
      %rem3A = arith.remsi %scan3A_48, %jit3A : i32
      %ne3A_62 = arith.constant 0 : i32
      %ne3A_63 = arith.cmpi ne, %rem3A, %ne3A_62 : i32
      %and3A = arith.andi %ne3A, %ne3A_63 : i1
      %sub3A = arith.constant 1 : i32
      %sub3A_64 = arith.subi %div3A, %sub3A : i32
      %select_n3A = arith.select %and3A, %sub3A_64, %div3A : i32
      %jit3A_65 = arith.constant 4 : i32
      %eq3A = arith.constant 0 : i32
      %eq3A_66 = arith.cmpi eq, %jit3A_65, %eq3A : i32
      %jit3A_67 = arith.constant 1 : i32
      %select_n3A_68 = arith.select %eq3A_66, %jit3A_67, %jit3A_65 : i32
      %rem3A_69 = arith.remsi %scan3A_48, %select_n3A_68 : i32
      %ne3A_70 = arith.constant 0 : i32
      %ne3A_71 = arith.cmpi ne, %rem3A_69, %ne3A_70 : i32
      %lt3A = arith.constant 0 : i32
      %lt3A_72 = arith.cmpi slt, %rem3A_69, %lt3A : i32
      %lt3A_73 = arith.constant 0 : i32
      %lt3A_74 = arith.cmpi slt, %select_n3A_68, %lt3A_73 : i32
      %ne3A_75 = arith.xori %lt3A_72, %lt3A_74 : i1
      %and3A_76 = arith.andi %ne3A_75, %ne3A_71 : i1
      %add3A_77 = arith.addi %rem3A_69, %select_n3A_68 : i32
      %select_n3A_78 = arith.select %and3A_76, %add3A_77, %rem3A_69 : i32
      %mul3A_79 = arith.constant 16 : i32
      %mul3A_80 = arith.muli %select_n3A_78, %mul3A_79 : i32
      %add3A_81 = arith.constant 64 : i32
      %add3A_82 = arith.addi %add3A_81, %mul3A_80 : i32
      %swap3A = arith.index_cast %select_n3A : i32 to index
      %swap3A_83 = arith.index_cast %add3A_82 : i32 to index
      %swap3A_84 = tpu.vector_load %arg6[%swap3A, %swap3A_83] {strides = array<i32>} : memref<128x128xf32, #tpu.memory_space<vmem>>, vector<1x16xf32>,
      %swap3A_85 = vector.shape_cast %swap3A_84 : vector<1x16xf32> to vector<16xf32>
      %swap3A_86 = vector.shape_cast %broadcast_in_dim3A_1 : vector<16xf32> to vector<1x16xf32>
      tpu.vector_store %arg6[%swap3A, %swap3A_83], %swap3A_86 {strides = array<i32>} : memref<128x128xf32, #tpu.memory_space<vmem>>, vector<1x16xf32>,
    }
    %scan3A_40 = arith.constant 512 : i32
    %scan3A_41 = arith.constant 0 : i32
    %scan3A_42 = arith.constant 0 : i32
    %scan3A_43 = arith.constant 10 : i32
    %scan3A_44 = arith.addi %scan3A_42, %scan3A_43 : i32
    %scan3A_45 = arith.constant 1 : i32
    scf.for %scan3A_48 = %scan3A_42 to %scan3A_44 step %scan3A_45  : i32 {
      %mul3A_49 = arith.constant 80 : i32
      %mul3A_50 = arith.muli %add3A, %mul3A_49 : i32
      %mul3A_51 = arith.constant 8 : i32
      %mul3A_52 = arith.muli %scan3A_48, %mul3A_51 : i32
      %add3A_53 = arith.addi %mul3A_50, %mul3A_52 : i32
      "tpu.region"() ({
        %run_scoped3A = tpu.sem_alloc : memref<!tpu.dma_semaphore, #tpu.memory_space<semaphore_mem>>
        %dma_start3A = arith.constant 0 : i32
        %dma_start3A_60 = tpu.memref_slice %arg3[%add3A_53, %dma_start3A] : memref<2560x128xi32, #tpu.memory_space<hbm>> -> memref<8x128xi32, #tpu.memory_space<hbm>>
        %dma_start3A_61 = arith.constant 0 : i32
        %dma_start3A_62 = tpu.memref_slice %arg3[%add3A_53, %dma_start3A_61] : memref<2560x128xi32, #tpu.memory_space<hbm>> -> memref<8x128xi32, #tpu.memory_space<hbm>>
        tpu.enqueue_dma source(%dma_start3A_62 : memref<8x128xi32, #tpu.memory_space<hbm>>) target(%arg5 : memref<8x128xi32, #tpu.memory_space<vmem>>) target_semaphore(%run_scoped3A : memref<!tpu.dma_semaphore, #tpu.memory_space<semaphore_mem>>)
        %dma_wait3A = arith.constant 0 : i32
        %dma_wait3A_63 = tpu.memref_slice %arg3[%add3A_53, %dma_wait3A] : memref<2560x128xi32, #tpu.memory_space<hbm>> -> memref<8x128xi32, #tpu.memory_space<hbm>>
        %dma_wait3A_64 = arith.constant 0 : i32
        %dma_wait3A_65 = tpu.memref_slice %arg3[%add3A_53, %dma_wait3A_64] : memref<2560x128xi32, #tpu.memory_space<hbm>> -> memref<8x128xi32, #tpu.memory_space<hbm>>
        tpu.wait_dma2 semaphore(%run_scoped3A : memref<!tpu.dma_semaphore, #tpu.memory_space<semaphore_mem>>) src(%dma_wait3A_65 : memref<8x128xi32, #tpu.memory_space<hbm>>) dst(%arg5 : memref<8x128xi32, #tpu.memory_space<vmem>>)
        tpu.yield
      }) : () -> ()
      %scan3A_54 = arith.constant 0 : i32
      %scan3A_55 = arith.constant 0 : i32
      %scan3A_56 = arith.constant 8 : i32
      %scan3A_57 = arith.addi %scan3A_55, %scan3A_56 : i32
      %scan3A_58 = arith.constant 1 : i32
      scf.for %scan3A_60 = %scan3A_55 to %scan3A_57 step %scan3A_58  : i32 {
        "tpu.region"() ({
          %run_scoped3A = tpu.sem_alloc : memref<!tpu.dma_semaphore, #tpu.memory_space<semaphore_mem>>
          %dma_start3A = arith.constant 0 : i32
          %dma_start3A_61 = tpu.memref_slice %arg5[%scan3A_60, %dma_start3A] : memref<8x128xi32, #tpu.memory_space<vmem>> -> memref<1x128xi32, #tpu.memory_space<vmem>>
          %dma_start3A_62 = tpu.memref_squeeze %dma_start3A_61 : memref<1x128xi32, #tpu.memory_space<vmem>> -> memref<128xi32, #tpu.memory_space<vmem>>
          %dma_start3A_63 = arith.constant 0 : i32
          %dma_start3A_64 = arith.constant 0 : i32
          %dma_start3A_65 = tpu.memref_slice %arg7[%dma_start3A_63, %dma_start3A_64] : memref<10240x128xf32, #tpu.memory_space<vmem_shared>> -> memref<10240x128xf32, #tpu.memory_space<vmem_shared>>
          tpu.enqueue_indirect_dma source(%arg6 : memref<128x128xf32, #tpu.memory_space<vmem>>) target(%dma_start3A_65 : memref<10240x128xf32, #tpu.memory_space<vmem_shared>>) offsets(%dma_start3A_62 : memref<128xi32, #tpu.memory_space<vmem>>) semaphore(%run_scoped3A : memref<!tpu.dma_semaphore, #tpu.memory_space<semaphore_mem>>) {add = true}
          %dma_wait3A = arith.constant 0 : i32
          %dma_wait3A_66 = tpu.memref_slice %arg5[%scan3A_60, %dma_wait3A] : memref<8x128xi32, #tpu.memory_space<vmem>> -> memref<1x128xi32, #tpu.memory_space<vmem>>
          %dma_wait3A_67 = tpu.memref_squeeze %dma_wait3A_66 : memref<1x128xi32, #tpu.memory_space<vmem>> -> memref<128xi32, #tpu.memory_space<vmem>>
          %dma_wait3A_68 = arith.constant 0 : i32
          %dma_wait3A_69 = arith.constant 0 : i32
          %dma_wait3A_70 = tpu.memref_slice %arg7[%dma_wait3A_68, %dma_wait3A_69] : memref<10240x128xf32, #tpu.memory_space<vmem_shared>> -> memref<10240x128xf32, #tpu.memory_space<vmem_shared>>
          tpu.wait_indirect_dma semaphore(%run_scoped3A : memref<!tpu.dma_semaphore, #tpu.memory_space<semaphore_mem>>) src(%arg6 : memref<128x128xf32, #tpu.memory_space<vmem>>) dst(%dma_wait3A_70 : memref<10240x128xf32, #tpu.memory_space<vmem_shared>>)
          tpu.yield
        }) : () -> ()
      }
      %scan3A_59 = arith.constant 8 : i32
    }
    %scan3A_46 = arith.constant 10 : i32
    %barrier3A_47 = arith.constant 0 : index
    tpu.barrier barrier_id(%barrier3A_47)
    "tpu.region"() ({
      %run_scoped3A = tpu.sem_alloc : memref<!tpu.dma_semaphore, #tpu.memory_space<semaphore_mem>>
      %dma_start3A = arith.constant 0 : i32
      %dma_start3A_48 = tpu.memref_slice %arg4[%arg0, %mul3A_10, %dma_start3A] : memref<2x10240x128xf32, #tpu.memory_space<hbm>> -> memref<1x640x128xf32, #tpu.memory_space<hbm>>
      %dma_start3A_49 = tpu.memref_squeeze %dma_start3A_48 : memref<1x640x128xf32, #tpu.memory_space<hbm>> -> memref<640x128xf32, #tpu.memory_space<hbm>>
      %dma_start3A_50 = arith.constant 0 : i32
      %dma_start3A_51 = tpu.memref_slice %arg7[%mul3A_10, %dma_start3A_50] : memref<10240x128xf32, #tpu.memory_space<vmem_shared>> -> memref<640x128xf32, #tpu.memory_space<vmem_shared>>
      tpu.enqueue_dma source(%dma_start3A_51 : memref<640x128xf32, #tpu.memory_space<vmem_shared>>) target(%dma_start3A_49 : memref<640x128xf32, #tpu.memory_space<hbm>>) target_semaphore(%run_scoped3A : memref<!tpu.dma_semaphore, #tpu.memory_space<semaphore_mem>>)
      %dma_wait3A = arith.constant 0 : i32
      %dma_wait3A_52 = tpu.memref_slice %arg4[%arg0, %mul3A_10, %dma_wait3A] : memref<2x10240x128xf32, #tpu.memory_space<hbm>> -> memref<1x640x128xf32, #tpu.memory_space<hbm>>
      %dma_wait3A_53 = tpu.memref_squeeze %dma_wait3A_52 : memref<1x640x128xf32, #tpu.memory_space<hbm>> -> memref<640x128xf32, #tpu.memory_space<hbm>>
      %dma_wait3A_54 = arith.constant 0 : i32
      %dma_wait3A_55 = tpu.memref_slice %arg7[%mul3A_10, %dma_wait3A_54] : memref<10240x128xf32, #tpu.memory_space<vmem_shared>> -> memref<640x128xf32, #tpu.memory_space<vmem_shared>>
      tpu.wait_dma2 semaphore(%run_scoped3A : memref<!tpu.dma_semaphore, #tpu.memory_space<semaphore_mem>>) src(%dma_wait3A_55 : memref<640x128xf32, #tpu.memory_space<vmem_shared>>) dst(%dma_wait3A_53 : memref<640x128xf32, #tpu.memory_space<hbm>>)
      tpu.yield
    }) : () -> ()
    return
  }
}

#map = affine_map<(d0, d1) -> (0, 0)>
#map1 = affine_map<(d0, d1) -> (0, 0, 0)>
module attributes {stable_mosaic.version = 14 : i64} {
  func.func @k(%arg0: i32, %arg1: i32, %arg2: memref<10000x128xf32, #tpu.memory_space<hbm>>, %arg3: memref<2560x128xi32, #tpu.memory_space<hbm>>, %arg4: memref<2560x128xi32, #tpu.memory_space<hbm>>, %arg5: memref<2x10240x128xf32, #tpu.memory_space<hbm>>, %arg6: memref<40x128xi32, #tpu.memory_space<vmem>>, %arg7: memref<40x128xi32, #tpu.memory_space<vmem>>, %arg8: memref<128x128xf32, #tpu.memory_space<vmem>>, %arg9: memref<128x128xf32, #tpu.memory_space<vmem>>, %arg10: memref<10240x128xf32, #tpu.memory_space<vmem_shared>>, %arg11: memref<!tpu.dma_semaphore, #tpu.memory_space<semaphore_mem>>, %arg12: memref<!tpu.dma_semaphore, #tpu.memory_space<semaphore_mem>>) attributes {dimension_semantics = [#tpu.dimension_semantics<core_parallel>, #tpu.dimension_semantics<subcore_parallel>], iteration_bounds = array<i64: 2, 16>, scalar_prefetch = 0 : i64, scratch_operands = 7 : i64, tpu.core_type = #tpu.core_type<sc_vector_subcore>, window_params = [{transform_indices = #map}, {transform_indices = #map}, {transform_indices = #map}, {transform_indices = #map1}]} {
    %mul3A = arith.constant 2 : i32
    %mul3A_0 = arith.muli %arg1, %mul3A : i32
    %add3A = arith.addi %mul3A_0, %arg0 : i32
    %broadcast_in_dim3A = arith.constant 0.000000e+00 : f32
    %broadcast_in_dim3A_1 = vector.broadcast %broadcast_in_dim3A : f32 to vector<16xf32>
    %scan3A = arith.constant 0 : i32
    %scan3A_2 = arith.constant 0 : i32
    %scan3A_3 = arith.constant 1024 : i32
    %scan3A_4 = arith.addi %scan3A_2, %scan3A_3 : i32
    %scan3A_5 = arith.constant 1 : i32
    scf.for %scan3A_101 = %scan3A_2 to %scan3A_4 step %scan3A_5  : i32 {
      %jit3A = arith.constant 8 : i32
      %div3A = arith.divsi %scan3A_101, %jit3A : i32
      %sign3A = arith.constant 0 : i32
      %sign3A_102 = arith.cmpi sgt, %scan3A_101, %sign3A : i32
      %sign3A_103 = arith.extui %sign3A_102 : i1 to i32
      %sign3A_104 = arith.constant 0 : i32
      %sign3A_105 = arith.cmpi slt, %scan3A_101, %sign3A_104 : i32
      %sign3A_106 = arith.extui %sign3A_105 : i1 to i32
      %sign3A_107 = arith.subi %sign3A_103, %sign3A_106 : i32
      %sign3A_108 = arith.constant 0 : i32
      %sign3A_109 = arith.cmpi sgt, %jit3A, %sign3A_108 : i32
      %sign3A_110 = arith.extui %sign3A_109 : i1 to i32
      %sign3A_111 = arith.constant 0 : i32
      %sign3A_112 = arith.cmpi slt, %jit3A, %sign3A_111 : i32
      %sign3A_113 = arith.extui %sign3A_112 : i1 to i32
      %sign3A_114 = arith.subi %sign3A_110, %sign3A_113 : i32
      %ne3A = arith.cmpi ne, %sign3A_107, %sign3A_114 : i32
      %rem3A = arith.remsi %scan3A_101, %jit3A : i32
      %ne3A_115 = arith.constant 0 : i32
      %ne3A_116 = arith.cmpi ne, %rem3A, %ne3A_115 : i32
      %and3A = arith.andi %ne3A, %ne3A_116 : i1
      %sub3A = arith.constant 1 : i32
      %sub3A_117 = arith.subi %div3A, %sub3A : i32
      %select_n3A = arith.select %and3A, %sub3A_117, %div3A : i32
      %jit3A_118 = arith.constant 8 : i32
      %eq3A = arith.constant 0 : i32
      %eq3A_119 = arith.cmpi eq, %jit3A_118, %eq3A : i32
      %jit3A_120 = arith.constant 1 : i32
      %select_n3A_121 = arith.select %eq3A_119, %jit3A_120, %jit3A_118 : i32
      %rem3A_122 = arith.remsi %scan3A_101, %select_n3A_121 : i32
      %ne3A_123 = arith.constant 0 : i32
      %ne3A_124 = arith.cmpi ne, %rem3A_122, %ne3A_123 : i32
      %lt3A = arith.constant 0 : i32
      %lt3A_125 = arith.cmpi slt, %rem3A_122, %lt3A : i32
      %lt3A_126 = arith.constant 0 : i32
      %lt3A_127 = arith.cmpi slt, %select_n3A_121, %lt3A_126 : i32
      %ne3A_128 = arith.xori %lt3A_125, %lt3A_127 : i1
      %and3A_129 = arith.andi %ne3A_128, %ne3A_124 : i1
      %add3A_130 = arith.addi %rem3A_122, %select_n3A_121 : i32
      %select_n3A_131 = arith.select %and3A_129, %add3A_130, %rem3A_122 : i32
      %mul3A_132 = arith.constant 16 : i32
      %mul3A_133 = arith.muli %select_n3A_131, %mul3A_132 : i32
      %swap3A = arith.index_cast %select_n3A : i32 to index
      %swap3A_134 = arith.index_cast %mul3A_133 : i32 to index
      %swap3A_135 = tpu.vector_load %arg8[%swap3A, %swap3A_134] {strides = array<i32>} : memref<128x128xf32, #tpu.memory_space<vmem>>, vector<1x16xf32>,
      %swap3A_136 = vector.shape_cast %swap3A_135 : vector<1x16xf32> to vector<16xf32>
      %swap3A_137 = vector.shape_cast %broadcast_in_dim3A_1 : vector<16xf32> to vector<1x16xf32>
      tpu.vector_store %arg8[%swap3A, %swap3A_134], %swap3A_137 {strides = array<i32>} : memref<128x128xf32, #tpu.memory_space<vmem>>, vector<1x16xf32>,
    }
    %scan3A_6 = arith.constant 1024 : i32
    %mul3A_7 = arith.constant 640 : i32
    %mul3A_8 = arith.muli %arg1, %mul3A_7 : i32
    %scan3A_9 = arith.constant 0 : i32
    %scan3A_10 = arith.constant 0 : i32
    %scan3A_11 = arith.constant 5 : i32
    %scan3A_12 = arith.addi %scan3A_10, %scan3A_11 : i32
    %scan3A_13 = arith.constant 1 : i32
    scf.for %scan3A_101 = %scan3A_10 to %scan3A_12 step %scan3A_13  : i32 {
      %mul3A_102 = arith.constant 128 : i32
      %mul3A_103 = arith.muli %scan3A_101, %mul3A_102 : i32
      %add3A_104 = arith.addi %mul3A_8, %mul3A_103 : i32
      "tpu.region"() ({
        %run_scoped3A_105 = tpu.sem_alloc : memref<!tpu.dma_semaphore, #tpu.memory_space<semaphore_mem>>
        %dma_start3A_106 = arith.constant 0 : i32
        %dma_start3A_107 = tpu.memref_slice %arg10[%add3A_104, %dma_start3A_106] : memref<10240x128xf32, #tpu.memory_space<vmem_shared>> -> memref<128x128xf32, #tpu.memory_space<vmem_shared>>
        %dma_start3A_108 = arith.constant 0 : i32
        %dma_start3A_109 = tpu.memref_slice %arg10[%add3A_104, %dma_start3A_108] : memref<10240x128xf32, #tpu.memory_space<vmem_shared>> -> memref<128x128xf32, #tpu.memory_space<vmem_shared>>
        tpu.enqueue_dma source(%arg8 : memref<128x128xf32, #tpu.memory_space<vmem>>) target(%dma_start3A_109 : memref<128x128xf32, #tpu.memory_space<vmem_shared>>) target_semaphore(%run_scoped3A_105 : memref<!tpu.dma_semaphore, #tpu.memory_space<semaphore_mem>>)
        %dma_wait3A_110 = arith.constant 0 : i32
        %dma_wait3A_111 = tpu.memref_slice %arg10[%add3A_104, %dma_wait3A_110] : memref<10240x128xf32, #tpu.memory_space<vmem_shared>> -> memref<128x128xf32, #tpu.memory_space<vmem_shared>>
        %dma_wait3A_112 = arith.constant 0 : i32
        %dma_wait3A_113 = tpu.memref_slice %arg10[%add3A_104, %dma_wait3A_112] : memref<10240x128xf32, #tpu.memory_space<vmem_shared>> -> memref<128x128xf32, #tpu.memory_space<vmem_shared>>
        tpu.wait_dma2 semaphore(%run_scoped3A_105 : memref<!tpu.dma_semaphore, #tpu.memory_space<semaphore_mem>>) src(%arg8 : memref<128x128xf32, #tpu.memory_space<vmem>>) dst(%dma_wait3A_113 : memref<128x128xf32, #tpu.memory_space<vmem_shared>>)
        tpu.yield
      }) : () -> ()
    }
    %scan3A_14 = arith.constant 5 : i32
    %barrier3A = arith.constant 0 : index
    tpu.barrier barrier_id(%barrier3A)
    %mul3A_15 = arith.constant 80 : i32
    %mul3A_16 = arith.muli %add3A, %mul3A_15 : i32
    %add3A_17 = arith.constant 0 : i32
    %add3A_18 = arith.addi %mul3A_16, %add3A_17 : i32
    "tpu.region"() ({
      %run_scoped3A_101 = tpu.sem_alloc : memref<!tpu.dma_semaphore, #tpu.memory_space<semaphore_mem>>
      %dma_start3A_102 = arith.constant 0 : i32
      %dma_start3A_103 = tpu.memref_slice %arg3[%add3A_18, %dma_start3A_102] : memref<2560x128xi32, #tpu.memory_space<hbm>> -> memref<40x128xi32, #tpu.memory_space<hbm>>
      %dma_start3A_104 = arith.constant 0 : i32
      %dma_start3A_105 = tpu.memref_slice %arg3[%add3A_18, %dma_start3A_104] : memref<2560x128xi32, #tpu.memory_space<hbm>> -> memref<40x128xi32, #tpu.memory_space<hbm>>
      tpu.enqueue_dma source(%dma_start3A_105 : memref<40x128xi32, #tpu.memory_space<hbm>>) target(%arg6 : memref<40x128xi32, #tpu.memory_space<vmem>>) target_semaphore(%run_scoped3A_101 : memref<!tpu.dma_semaphore, #tpu.memory_space<semaphore_mem>>)
      %dma_wait3A_106 = arith.constant 0 : i32
      %dma_wait3A_107 = tpu.memref_slice %arg3[%add3A_18, %dma_wait3A_106] : memref<2560x128xi32, #tpu.memory_space<hbm>> -> memref<40x128xi32, #tpu.memory_space<hbm>>
      %dma_wait3A_108 = arith.constant 0 : i32
      %dma_wait3A_109 = tpu.memref_slice %arg3[%add3A_18, %dma_wait3A_108] : memref<2560x128xi32, #tpu.memory_space<hbm>> -> memref<40x128xi32, #tpu.memory_space<hbm>>
      tpu.wait_dma2 semaphore(%run_scoped3A_101 : memref<!tpu.dma_semaphore, #tpu.memory_space<semaphore_mem>>) src(%dma_wait3A_109 : memref<40x128xi32, #tpu.memory_space<hbm>>) dst(%arg6 : memref<40x128xi32, #tpu.memory_space<vmem>>)
      tpu.yield
    }) : () -> ()
    %mul3A_19 = arith.constant 80 : i32
    %mul3A_20 = arith.muli %add3A, %mul3A_19 : i32
    %add3A_21 = arith.constant 0 : i32
    %add3A_22 = arith.addi %mul3A_20, %add3A_21 : i32
    "tpu.region"() ({
      %run_scoped3A_101 = tpu.sem_alloc : memref<!tpu.dma_semaphore, #tpu.memory_space<semaphore_mem>>
      %dma_start3A_102 = arith.constant 0 : i32
      %dma_start3A_103 = tpu.memref_slice %arg4[%add3A_22, %dma_start3A_102] : memref<2560x128xi32, #tpu.memory_space<hbm>> -> memref<40x128xi32, #tpu.memory_space<hbm>>
      %dma_start3A_104 = arith.constant 0 : i32
      %dma_start3A_105 = tpu.memref_slice %arg4[%add3A_22, %dma_start3A_104] : memref<2560x128xi32, #tpu.memory_space<hbm>> -> memref<40x128xi32, #tpu.memory_space<hbm>>
      tpu.enqueue_dma source(%dma_start3A_105 : memref<40x128xi32, #tpu.memory_space<hbm>>) target(%arg7 : memref<40x128xi32, #tpu.memory_space<vmem>>) target_semaphore(%run_scoped3A_101 : memref<!tpu.dma_semaphore, #tpu.memory_space<semaphore_mem>>)
      %dma_wait3A_106 = arith.constant 0 : i32
      %dma_wait3A_107 = tpu.memref_slice %arg4[%add3A_22, %dma_wait3A_106] : memref<2560x128xi32, #tpu.memory_space<hbm>> -> memref<40x128xi32, #tpu.memory_space<hbm>>
      %dma_wait3A_108 = arith.constant 0 : i32
      %dma_wait3A_109 = tpu.memref_slice %arg4[%add3A_22, %dma_wait3A_108] : memref<2560x128xi32, #tpu.memory_space<hbm>> -> memref<40x128xi32, #tpu.memory_space<hbm>>
      tpu.wait_dma2 semaphore(%run_scoped3A_101 : memref<!tpu.dma_semaphore, #tpu.memory_space<semaphore_mem>>) src(%dma_wait3A_109 : memref<40x128xi32, #tpu.memory_space<hbm>>) dst(%arg7 : memref<40x128xi32, #tpu.memory_space<vmem>>)
      tpu.yield
    }) : () -> ()
    %dma_start3A = arith.constant 0 : i32
    %dma_start3A_23 = arith.constant 0 : i32
    %dma_start3A_24 = tpu.memref_slice %arg6[%dma_start3A, %dma_start3A_23] : memref<40x128xi32, #tpu.memory_space<vmem>> -> memref<1x128xi32, #tpu.memory_space<vmem>>
    %dma_start3A_25 = tpu.memref_squeeze %dma_start3A_24 : memref<1x128xi32, #tpu.memory_space<vmem>> -> memref<128xi32, #tpu.memory_space<vmem>>
    %dma_start3A_26 = arith.constant 0 : i32
    %dma_start3A_27 = arith.constant 0 : i32
    %dma_start3A_28 = tpu.memref_slice %arg2[%dma_start3A_26, %dma_start3A_27] : memref<10000x128xf32, #tpu.memory_space<hbm>> -> memref<10000x128xf32, #tpu.memory_space<hbm>>
    tpu.enqueue_indirect_dma source(%dma_start3A_28 : memref<10000x128xf32, #tpu.memory_space<hbm>>) target(%arg8 : memref<128x128xf32, #tpu.memory_space<vmem>>) offsets(%dma_start3A_25 : memref<128xi32, #tpu.memory_space<vmem>>) semaphore(%arg11 : memref<!tpu.dma_semaphore, #tpu.memory_space<semaphore_mem>>)
    %scan3A_29 = arith.constant 0 : i32
    %scan3A_30 = arith.constant 0 : i32
    %scan3A_31 = arith.constant 19 : i32
    %scan3A_32 = arith.addi %scan3A_30, %scan3A_31 : i32
    %scan3A_33 = arith.constant 1 : i32
    scf.for %scan3A_101 = %scan3A_30 to %scan3A_32 step %scan3A_33  : i32 {
      %mul3A_102 = arith.constant 2 : i32
      %mul3A_103 = arith.muli %mul3A_102, %scan3A_101 : i32
      %add3A_104 = arith.constant 1 : i32
      %add3A_105 = arith.addi %mul3A_103, %add3A_104 : i32
      %dma_start3A_106 = arith.constant 0 : i32
      %dma_start3A_107 = tpu.memref_slice %arg6[%add3A_105, %dma_start3A_106] : memref<40x128xi32, #tpu.memory_space<vmem>> -> memref<1x128xi32, #tpu.memory_space<vmem>>
      %dma_start3A_108 = tpu.memref_squeeze %dma_start3A_107 : memref<1x128xi32, #tpu.memory_space<vmem>> -> memref<128xi32, #tpu.memory_space<vmem>>
      %dma_start3A_109 = arith.constant 0 : i32
      %dma_start3A_110 = arith.constant 0 : i32
      %dma_start3A_111 = tpu.memref_slice %arg2[%dma_start3A_109, %dma_start3A_110] : memref<10000x128xf32, #tpu.memory_space<hbm>> -> memref<10000x128xf32, #tpu.memory_space<hbm>>
      tpu.enqueue_indirect_dma source(%dma_start3A_111 : memref<10000x128xf32, #tpu.memory_space<hbm>>) target(%arg9 : memref<128x128xf32, #tpu.memory_space<vmem>>) offsets(%dma_start3A_108 : memref<128xi32, #tpu.memory_space<vmem>>) semaphore(%arg12 : memref<!tpu.dma_semaphore, #tpu.memory_space<semaphore_mem>>)
      %dma_wait3A_112 = arith.constant 0 : i32
      %dma_wait3A_113 = tpu.memref_slice %arg6[%mul3A_103, %dma_wait3A_112] : memref<40x128xi32, #tpu.memory_space<vmem>> -> memref<1x128xi32, #tpu.memory_space<vmem>>
      %dma_wait3A_114 = tpu.memref_squeeze %dma_wait3A_113 : memref<1x128xi32, #tpu.memory_space<vmem>> -> memref<128xi32, #tpu.memory_space<vmem>>
      %dma_wait3A_115 = arith.constant 0 : i32
      %dma_wait3A_116 = arith.constant 0 : i32
      %dma_wait3A_117 = tpu.memref_slice %arg2[%dma_wait3A_115, %dma_wait3A_116] : memref<10000x128xf32, #tpu.memory_space<hbm>> -> memref<10000x128xf32, #tpu.memory_space<hbm>>
      tpu.wait_indirect_dma semaphore(%arg11 : memref<!tpu.dma_semaphore, #tpu.memory_space<semaphore_mem>>) src(%dma_wait3A_117 : memref<10000x128xf32, #tpu.memory_space<hbm>>) dst(%arg8 : memref<128x128xf32, #tpu.memory_space<vmem>>)
      "tpu.region"() ({
        %run_scoped3A_136 = tpu.sem_alloc : memref<!tpu.dma_semaphore, #tpu.memory_space<semaphore_mem>>
        %dma_start3A_137 = arith.constant 0 : i32
        %dma_start3A_138 = tpu.memref_slice %arg7[%mul3A_103, %dma_start3A_137] : memref<40x128xi32, #tpu.memory_space<vmem>> -> memref<1x128xi32, #tpu.memory_space<vmem>>
        %dma_start3A_139 = tpu.memref_squeeze %dma_start3A_138 : memref<1x128xi32, #tpu.memory_space<vmem>> -> memref<128xi32, #tpu.memory_space<vmem>>
        %dma_start3A_140 = arith.constant 0 : i32
        %dma_start3A_141 = arith.constant 0 : i32
        %dma_start3A_142 = tpu.memref_slice %arg10[%dma_start3A_140, %dma_start3A_141] : memref<10240x128xf32, #tpu.memory_space<vmem_shared>> -> memref<10240x128xf32, #tpu.memory_space<vmem_shared>>
        tpu.enqueue_indirect_dma source(%arg8 : memref<128x128xf32, #tpu.memory_space<vmem>>) target(%dma_start3A_142 : memref<10240x128xf32, #tpu.memory_space<vmem_shared>>) offsets(%dma_start3A_139 : memref<128xi32, #tpu.memory_space<vmem>>) semaphore(%run_scoped3A_136 : memref<!tpu.dma_semaphore, #tpu.memory_space<semaphore_mem>>) {add = true}
        %dma_wait3A_143 = arith.constant 0 : i32
        %dma_wait3A_144 = tpu.memref_slice %arg7[%mul3A_103, %dma_wait3A_143] : memref<40x128xi32, #tpu.memory_space<vmem>> -> memref<1x128xi32, #tpu.memory_space<vmem>>
        %dma_wait3A_145 = tpu.memref_squeeze %dma_wait3A_144 : memref<1x128xi32, #tpu.memory_space<vmem>> -> memref<128xi32, #tpu.memory_space<vmem>>
        %dma_wait3A_146 = arith.constant 0 : i32
        %dma_wait3A_147 = arith.constant 0 : i32
        %dma_wait3A_148 = tpu.memref_slice %arg10[%dma_wait3A_146, %dma_wait3A_147] : memref<10240x128xf32, #tpu.memory_space<vmem_shared>> -> memref<10240x128xf32, #tpu.memory_space<vmem_shared>>
        tpu.wait_indirect_dma semaphore(%run_scoped3A_136 : memref<!tpu.dma_semaphore, #tpu.memory_space<semaphore_mem>>) src(%arg8 : memref<128x128xf32, #tpu.memory_space<vmem>>) dst(%dma_wait3A_148 : memref<10240x128xf32, #tpu.memory_space<vmem_shared>>)
        tpu.yield
      }) : () -> ()
      %add3A_118 = arith.constant 2 : i32
      %add3A_119 = arith.addi %mul3A_103, %add3A_118 : i32
      %dma_start3A_120 = arith.constant 0 : i32
      %dma_start3A_121 = tpu.memref_slice %arg6[%add3A_119, %dma_start3A_120] : memref<40x128xi32, #tpu.memory_space<vmem>> -> memref<1x128xi32, #tpu.memory_space<vmem>>
      %dma_start3A_122 = tpu.memref_squeeze %dma_start3A_121 : memref<1x128xi32, #tpu.memory_space<vmem>> -> memref<128xi32, #tpu.memory_space<vmem>>
      %dma_start3A_123 = arith.constant 0 : i32
      %dma_start3A_124 = arith.constant 0 : i32
      %dma_start3A_125 = tpu.memref_slice %arg2[%dma_start3A_123, %dma_start3A_124] : memref<10000x128xf32, #tpu.memory_space<hbm>> -> memref<10000x128xf32, #tpu.memory_space<hbm>>
      tpu.enqueue_indirect_dma source(%dma_start3A_125 : memref<10000x128xf32, #tpu.memory_space<hbm>>) target(%arg8 : memref<128x128xf32, #tpu.memory_space<vmem>>) offsets(%dma_start3A_122 : memref<128xi32, #tpu.memory_space<vmem>>) semaphore(%arg11 : memref<!tpu.dma_semaphore, #tpu.memory_space<semaphore_mem>>)
      %add3A_126 = arith.constant 1 : i32
      %add3A_127 = arith.addi %mul3A_103, %add3A_126 : i32
      %dma_wait3A_128 = arith.constant 0 : i32
      %dma_wait3A_129 = tpu.memref_slice %arg6[%add3A_127, %dma_wait3A_128] : memref<40x128xi32, #tpu.memory_space<vmem>> -> memref<1x128xi32, #tpu.memory_space<vmem>>
      %dma_wait3A_130 = tpu.memref_squeeze %dma_wait3A_129 : memref<1x128xi32, #tpu.memory_space<vmem>> -> memref<128xi32, #tpu.memory_space<vmem>>
      %dma_wait3A_131 = arith.constant 0 : i32
      %dma_wait3A_132 = arith.constant 0 : i32
      %dma_wait3A_133 = tpu.memref_slice %arg2[%dma_wait3A_131, %dma_wait3A_132] : memref<10000x128xf32, #tpu.memory_space<hbm>> -> memref<10000x128xf32, #tpu.memory_space<hbm>>
      tpu.wait_indirect_dma semaphore(%arg12 : memref<!tpu.dma_semaphore, #tpu.memory_space<semaphore_mem>>) src(%dma_wait3A_133 : memref<10000x128xf32, #tpu.memory_space<hbm>>) dst(%arg9 : memref<128x128xf32, #tpu.memory_space<vmem>>)
      %add3A_134 = arith.constant 1 : i32
      %add3A_135 = arith.addi %mul3A_103, %add3A_134 : i32
      "tpu.region"() ({
        %run_scoped3A_136 = tpu.sem_alloc : memref<!tpu.dma_semaphore, #tpu.memory_space<semaphore_mem>>
        %dma_start3A_137 = arith.constant 0 : i32
        %dma_start3A_138 = tpu.memref_slice %arg7[%add3A_135, %dma_start3A_137] : memref<40x128xi32, #tpu.memory_space<vmem>> -> memref<1x128xi32, #tpu.memory_space<vmem>>
        %dma_start3A_139 = tpu.memref_squeeze %dma_start3A_138 : memref<1x128xi32, #tpu.memory_space<vmem>> -> memref<128xi32, #tpu.memory_space<vmem>>
        %dma_start3A_140 = arith.constant 0 : i32
        %dma_start3A_141 = arith.constant 0 : i32
        %dma_start3A_142 = tpu.memref_slice %arg10[%dma_start3A_140, %dma_start3A_141] : memref<10240x128xf32, #tpu.memory_space<vmem_shared>> -> memref<10240x128xf32, #tpu.memory_space<vmem_shared>>
        tpu.enqueue_indirect_dma source(%arg9 : memref<128x128xf32, #tpu.memory_space<vmem>>) target(%dma_start3A_142 : memref<10240x128xf32, #tpu.memory_space<vmem_shared>>) offsets(%dma_start3A_139 : memref<128xi32, #tpu.memory_space<vmem>>) semaphore(%run_scoped3A_136 : memref<!tpu.dma_semaphore, #tpu.memory_space<semaphore_mem>>) {add = true}
        %dma_wait3A_143 = arith.constant 0 : i32
        %dma_wait3A_144 = tpu.memref_slice %arg7[%add3A_135, %dma_wait3A_143] : memref<40x128xi32, #tpu.memory_space<vmem>> -> memref<1x128xi32, #tpu.memory_space<vmem>>
        %dma_wait3A_145 = tpu.memref_squeeze %dma_wait3A_144 : memref<1x128xi32, #tpu.memory_space<vmem>> -> memref<128xi32, #tpu.memory_space<vmem>>
        %dma_wait3A_146 = arith.constant 0 : i32
        %dma_wait3A_147 = arith.constant 0 : i32
        %dma_wait3A_148 = tpu.memref_slice %arg10[%dma_wait3A_146, %dma_wait3A_147] : memref<10240x128xf32, #tpu.memory_space<vmem_shared>> -> memref<10240x128xf32, #tpu.memory_space<vmem_shared>>
        tpu.wait_indirect_dma semaphore(%run_scoped3A_136 : memref<!tpu.dma_semaphore, #tpu.memory_space<semaphore_mem>>) src(%arg9 : memref<128x128xf32, #tpu.memory_space<vmem>>) dst(%dma_wait3A_148 : memref<10240x128xf32, #tpu.memory_space<vmem_shared>>)
        tpu.yield
      }) : () -> ()
    }
    %scan3A_34 = arith.constant 19 : i32
    %dma_start3A_35 = arith.constant 39 : i32
    %dma_start3A_36 = arith.constant 0 : i32
    %dma_start3A_37 = tpu.memref_slice %arg6[%dma_start3A_35, %dma_start3A_36] : memref<40x128xi32, #tpu.memory_space<vmem>> -> memref<1x128xi32, #tpu.memory_space<vmem>>
    %dma_start3A_38 = tpu.memref_squeeze %dma_start3A_37 : memref<1x128xi32, #tpu.memory_space<vmem>> -> memref<128xi32, #tpu.memory_space<vmem>>
    %dma_start3A_39 = arith.constant 0 : i32
    %dma_start3A_40 = arith.constant 0 : i32
    %dma_start3A_41 = tpu.memref_slice %arg2[%dma_start3A_39, %dma_start3A_40] : memref<10000x128xf32, #tpu.memory_space<hbm>> -> memref<10000x128xf32, #tpu.memory_space<hbm>>
    tpu.enqueue_indirect_dma source(%dma_start3A_41 : memref<10000x128xf32, #tpu.memory_space<hbm>>) target(%arg9 : memref<128x128xf32, #tpu.memory_space<vmem>>) offsets(%dma_start3A_38 : memref<128xi32, #tpu.memory_space<vmem>>) semaphore(%arg12 : memref<!tpu.dma_semaphore, #tpu.memory_space<semaphore_mem>>)
    %dma_wait3A = arith.constant 38 : i32
    %dma_wait3A_42 = arith.constant 0 : i32
    %dma_wait3A_43 = tpu.memref_slice %arg6[%dma_wait3A, %dma_wait3A_42] : memref<40x128xi32, #tpu.memory_space<vmem>> -> memref<1x128xi32, #tpu.memory_space<vmem>>
    %dma_wait3A_44 = tpu.memref_squeeze %dma_wait3A_43 : memref<1x128xi32, #tpu.memory_space<vmem>> -> memref<128xi32, #tpu.memory_space<vmem>>
    %dma_wait3A_45 = arith.constant 0 : i32
    %dma_wait3A_46 = arith.constant 0 : i32
    %dma_wait3A_47 = tpu.memref_slice %arg2[%dma_wait3A_45, %dma_wait3A_46] : memref<10000x128xf32, #tpu.memory_space<hbm>> -> memref<10000x128xf32, #tpu.memory_space<hbm>>
    tpu.wait_indirect_dma semaphore(%arg11 : memref<!tpu.dma_semaphore, #tpu.memory_space<semaphore_mem>>) src(%dma_wait3A_47 : memref<10000x128xf32, #tpu.memory_space<hbm>>) dst(%arg8 : memref<128x128xf32, #tpu.memory_space<vmem>>)
    %run_scoped3A = arith.constant 38 : i32
    "tpu.region"() ({
      %run_scoped3A_101 = tpu.sem_alloc : memref<!tpu.dma_semaphore, #tpu.memory_space<semaphore_mem>>
      %dma_start3A_102 = arith.constant 0 : i32
      %dma_start3A_103 = tpu.memref_slice %arg7[%run_scoped3A, %dma_start3A_102] : memref<40x128xi32, #tpu.memory_space<vmem>> -> memref<1x128xi32, #tpu.memory_space<vmem>>
      %dma_start3A_104 = tpu.memref_squeeze %dma_start3A_103 : memref<1x128xi32, #tpu.memory_space<vmem>> -> memref<128xi32, #tpu.memory_space<vmem>>
      %dma_start3A_105 = arith.constant 0 : i32
      %dma_start3A_106 = arith.constant 0 : i32
      %dma_start3A_107 = tpu.memref_slice %arg10[%dma_start3A_105, %dma_start3A_106] : memref<10240x128xf32, #tpu.memory_space<vmem_shared>> -> memref<10240x128xf32, #tpu.memory_space<vmem_shared>>
      tpu.enqueue_indirect_dma source(%arg8 : memref<128x128xf32, #tpu.memory_space<vmem>>) target(%dma_start3A_107 : memref<10240x128xf32, #tpu.memory_space<vmem_shared>>) offsets(%dma_start3A_104 : memref<128xi32, #tpu.memory_space<vmem>>) semaphore(%run_scoped3A_101 : memref<!tpu.dma_semaphore, #tpu.memory_space<semaphore_mem>>) {add = true}
      %dma_wait3A_108 = arith.constant 0 : i32
      %dma_wait3A_109 = tpu.memref_slice %arg7[%run_scoped3A, %dma_wait3A_108] : memref<40x128xi32, #tpu.memory_space<vmem>> -> memref<1x128xi32, #tpu.memory_space<vmem>>
      %dma_wait3A_110 = tpu.memref_squeeze %dma_wait3A_109 : memref<1x128xi32, #tpu.memory_space<vmem>> -> memref<128xi32, #tpu.memory_space<vmem>>
      %dma_wait3A_111 = arith.constant 0 : i32
      %dma_wait3A_112 = arith.constant 0 : i32
      %dma_wait3A_113 = tpu.memref_slice %arg10[%dma_wait3A_111, %dma_wait3A_112] : memref<10240x128xf32, #tpu.memory_space<vmem_shared>> -> memref<10240x128xf32, #tpu.memory_space<vmem_shared>>
      tpu.wait_indirect_dma semaphore(%run_scoped3A_101 : memref<!tpu.dma_semaphore, #tpu.memory_space<semaphore_mem>>) src(%arg8 : memref<128x128xf32, #tpu.memory_space<vmem>>) dst(%dma_wait3A_113 : memref<10240x128xf32, #tpu.memory_space<vmem_shared>>)
      tpu.yield
    }) : () -> ()
    %dma_wait3A_48 = arith.constant 39 : i32
    %dma_wait3A_49 = arith.constant 0 : i32
    %dma_wait3A_50 = tpu.memref_slice %arg6[%dma_wait3A_48, %dma_wait3A_49] : memref<40x128xi32, #tpu.memory_space<vmem>> -> memref<1x128xi32, #tpu.memory_space<vmem>>
    %dma_wait3A_51 = tpu.memref_squeeze %dma_wait3A_50 : memref<1x128xi32, #tpu.memory_space<vmem>> -> memref<128xi32, #tpu.memory_space<vmem>>
    %dma_wait3A_52 = arith.constant 0 : i32
    %dma_wait3A_53 = arith.constant 0 : i32
    %dma_wait3A_54 = tpu.memref_slice %arg2[%dma_wait3A_52, %dma_wait3A_53] : memref<10000x128xf32, #tpu.memory_space<hbm>> -> memref<10000x128xf32, #tpu.memory_space<hbm>>
    tpu.wait_indirect_dma semaphore(%arg12 : memref<!tpu.dma_semaphore, #tpu.memory_space<semaphore_mem>>) src(%dma_wait3A_54 : memref<10000x128xf32, #tpu.memory_space<hbm>>) dst(%arg9 : memref<128x128xf32, #tpu.memory_space<vmem>>)
    %run_scoped3A_55 = arith.constant 39 : i32
    "tpu.region"() ({
      %run_scoped3A_101 = tpu.sem_alloc : memref<!tpu.dma_semaphore, #tpu.memory_space<semaphore_mem>>
      %dma_start3A_102 = arith.constant 0 : i32
      %dma_start3A_103 = tpu.memref_slice %arg7[%run_scoped3A_55, %dma_start3A_102] : memref<40x128xi32, #tpu.memory_space<vmem>> -> memref<1x128xi32, #tpu.memory_space<vmem>>
      %dma_start3A_104 = tpu.memref_squeeze %dma_start3A_103 : memref<1x128xi32, #tpu.memory_space<vmem>> -> memref<128xi32, #tpu.memory_space<vmem>>
      %dma_start3A_105 = arith.constant 0 : i32
      %dma_start3A_106 = arith.constant 0 : i32
      %dma_start3A_107 = tpu.memref_slice %arg10[%dma_start3A_105, %dma_start3A_106] : memref<10240x128xf32, #tpu.memory_space<vmem_shared>> -> memref<10240x128xf32, #tpu.memory_space<vmem_shared>>
      tpu.enqueue_indirect_dma source(%arg9 : memref<128x128xf32, #tpu.memory_space<vmem>>) target(%dma_start3A_107 : memref<10240x128xf32, #tpu.memory_space<vmem_shared>>) offsets(%dma_start3A_104 : memref<128xi32, #tpu.memory_space<vmem>>) semaphore(%run_scoped3A_101 : memref<!tpu.dma_semaphore, #tpu.memory_space<semaphore_mem>>) {add = true}
      %dma_wait3A_108 = arith.constant 0 : i32
      %dma_wait3A_109 = tpu.memref_slice %arg7[%run_scoped3A_55, %dma_wait3A_108] : memref<40x128xi32, #tpu.memory_space<vmem>> -> memref<1x128xi32, #tpu.memory_space<vmem>>
      %dma_wait3A_110 = tpu.memref_squeeze %dma_wait3A_109 : memref<1x128xi32, #tpu.memory_space<vmem>> -> memref<128xi32, #tpu.memory_space<vmem>>
      %dma_wait3A_111 = arith.constant 0 : i32
      %dma_wait3A_112 = arith.constant 0 : i32
      %dma_wait3A_113 = tpu.memref_slice %arg10[%dma_wait3A_111, %dma_wait3A_112] : memref<10240x128xf32, #tpu.memory_space<vmem_shared>> -> memref<10240x128xf32, #tpu.memory_space<vmem_shared>>
      tpu.wait_indirect_dma semaphore(%run_scoped3A_101 : memref<!tpu.dma_semaphore, #tpu.memory_space<semaphore_mem>>) src(%arg9 : memref<128x128xf32, #tpu.memory_space<vmem>>) dst(%dma_wait3A_113 : memref<10240x128xf32, #tpu.memory_space<vmem_shared>>)
      tpu.yield
    }) : () -> ()
    %mul3A_56 = arith.constant 80 : i32
    %mul3A_57 = arith.muli %add3A, %mul3A_56 : i32
    %add3A_58 = arith.constant 40 : i32
    %add3A_59 = arith.addi %mul3A_57, %add3A_58 : i32
    "tpu.region"() ({
      %run_scoped3A_101 = tpu.sem_alloc : memref<!tpu.dma_semaphore, #tpu.memory_space<semaphore_mem>>
      %dma_start3A_102 = arith.constant 0 : i32
      %dma_start3A_103 = tpu.memref_slice %arg3[%add3A_59, %dma_start3A_102] : memref<2560x128xi32, #tpu.memory_space<hbm>> -> memref<40x128xi32, #tpu.memory_space<hbm>>
      %dma_start3A_104 = arith.constant 0 : i32
      %dma_start3A_105 = tpu.memref_slice %arg3[%add3A_59, %dma_start3A_104] : memref<2560x128xi32, #tpu.memory_space<hbm>> -> memref<40x128xi32, #tpu.memory_space<hbm>>
      tpu.enqueue_dma source(%dma_start3A_105 : memref<40x128xi32, #tpu.memory_space<hbm>>) target(%arg6 : memref<40x128xi32, #tpu.memory_space<vmem>>) target_semaphore(%run_scoped3A_101 : memref<!tpu.dma_semaphore, #tpu.memory_space<semaphore_mem>>)
      %dma_wait3A_106 = arith.constant 0 : i32
      %dma_wait3A_107 = tpu.memref_slice %arg3[%add3A_59, %dma_wait3A_106] : memref<2560x128xi32, #tpu.memory_space<hbm>> -> memref<40x128xi32, #tpu.memory_space<hbm>>
      %dma_wait3A_108 = arith.constant 0 : i32
      %dma_wait3A_109 = tpu.memref_slice %arg3[%add3A_59, %dma_wait3A_108] : memref<2560x128xi32, #tpu.memory_space<hbm>> -> memref<40x128xi32, #tpu.memory_space<hbm>>
      tpu.wait_dma2 semaphore(%run_scoped3A_101 : memref<!tpu.dma_semaphore, #tpu.memory_space<semaphore_mem>>) src(%dma_wait3A_109 : memref<40x128xi32, #tpu.memory_space<hbm>>) dst(%arg6 : memref<40x128xi32, #tpu.memory_space<vmem>>)
      tpu.yield
    }) : () -> ()
    %mul3A_60 = arith.constant 80 : i32
    %mul3A_61 = arith.muli %add3A, %mul3A_60 : i32
    %add3A_62 = arith.constant 40 : i32
    %add3A_63 = arith.addi %mul3A_61, %add3A_62 : i32
    "tpu.region"() ({
      %run_scoped3A_101 = tpu.sem_alloc : memref<!tpu.dma_semaphore, #tpu.memory_space<semaphore_mem>>
      %dma_start3A_102 = arith.constant 0 : i32
      %dma_start3A_103 = tpu.memref_slice %arg4[%add3A_63, %dma_start3A_102] : memref<2560x128xi32, #tpu.memory_space<hbm>> -> memref<40x128xi32, #tpu.memory_space<hbm>>
      %dma_start3A_104 = arith.constant 0 : i32
      %dma_start3A_105 = tpu.memref_slice %arg4[%add3A_63, %dma_start3A_104] : memref<2560x128xi32, #tpu.memory_space<hbm>> -> memref<40x128xi32, #tpu.memory_space<hbm>>
      tpu.enqueue_dma source(%dma_start3A_105 : memref<40x128xi32, #tpu.memory_space<hbm>>) target(%arg7 : memref<40x128xi32, #tpu.memory_space<vmem>>) target_semaphore(%run_scoped3A_101 : memref<!tpu.dma_semaphore, #tpu.memory_space<semaphore_mem>>)
      %dma_wait3A_106 = arith.constant 0 : i32
      %dma_wait3A_107 = tpu.memref_slice %arg4[%add3A_63, %dma_wait3A_106] : memref<2560x128xi32, #tpu.memory_space<hbm>> -> memref<40x128xi32, #tpu.memory_space<hbm>>
      %dma_wait3A_108 = arith.constant 0 : i32
      %dma_wait3A_109 = tpu.memref_slice %arg4[%add3A_63, %dma_wait3A_108] : memref<2560x128xi32, #tpu.memory_space<hbm>> -> memref<40x128xi32, #tpu.memory_space<hbm>>
      tpu.wait_dma2 semaphore(%run_scoped3A_101 : memref<!tpu.dma_semaphore, #tpu.memory_space<semaphore_mem>>) src(%dma_wait3A_109 : memref<40x128xi32, #tpu.memory_space<hbm>>) dst(%arg7 : memref<40x128xi32, #tpu.memory_space<vmem>>)
      tpu.yield
    }) : () -> ()
    %dma_start3A_64 = arith.constant 0 : i32
    %dma_start3A_65 = arith.constant 0 : i32
    %dma_start3A_66 = tpu.memref_slice %arg6[%dma_start3A_64, %dma_start3A_65] : memref<40x128xi32, #tpu.memory_space<vmem>> -> memref<1x128xi32, #tpu.memory_space<vmem>>
    %dma_start3A_67 = tpu.memref_squeeze %dma_start3A_66 : memref<1x128xi32, #tpu.memory_space<vmem>> -> memref<128xi32, #tpu.memory_space<vmem>>
    %dma_start3A_68 = arith.constant 0 : i32
    %dma_start3A_69 = arith.constant 0 : i32
    %dma_start3A_70 = tpu.memref_slice %arg2[%dma_start3A_68, %dma_start3A_69] : memref<10000x128xf32, #tpu.memory_space<hbm>> -> memref<10000x128xf32, #tpu.memory_space<hbm>>
    tpu.enqueue_indirect_dma source(%dma_start3A_70 : memref<10000x128xf32, #tpu.memory_space<hbm>>) target(%arg8 : memref<128x128xf32, #tpu.memory_space<vmem>>) offsets(%dma_start3A_67 : memref<128xi32, #tpu.memory_space<vmem>>) semaphore(%arg11 : memref<!tpu.dma_semaphore, #tpu.memory_space<semaphore_mem>>)
    %scan3A_71 = arith.constant 0 : i32
    %scan3A_72 = arith.constant 0 : i32
    %scan3A_73 = arith.constant 19 : i32
    %scan3A_74 = arith.addi %scan3A_72, %scan3A_73 : i32
    %scan3A_75 = arith.constant 1 : i32
    scf.for %scan3A_101 = %scan3A_72 to %scan3A_74 step %scan3A_75  : i32 {
      %mul3A_102 = arith.constant 2 : i32
      %mul3A_103 = arith.muli %mul3A_102, %scan3A_101 : i32
      %add3A_104 = arith.constant 1 : i32
      %add3A_105 = arith.addi %mul3A_103, %add3A_104 : i32
      %dma_start3A_106 = arith.constant 0 : i32
      %dma_start3A_107 = tpu.memref_slice %arg6[%add3A_105, %dma_start3A_106] : memref<40x128xi32, #tpu.memory_space<vmem>> -> memref<1x128xi32, #tpu.memory_space<vmem>>
      %dma_start3A_108 = tpu.memref_squeeze %dma_start3A_107 : memref<1x128xi32, #tpu.memory_space<vmem>> -> memref<128xi32, #tpu.memory_space<vmem>>
      %dma_start3A_109 = arith.constant 0 : i32
      %dma_start3A_110 = arith.constant 0 : i32
      %dma_start3A_111 = tpu.memref_slice %arg2[%dma_start3A_109, %dma_start3A_110] : memref<10000x128xf32, #tpu.memory_space<hbm>> -> memref<10000x128xf32, #tpu.memory_space<hbm>>
      tpu.enqueue_indirect_dma source(%dma_start3A_111 : memref<10000x128xf32, #tpu.memory_space<hbm>>) target(%arg9 : memref<128x128xf32, #tpu.memory_space<vmem>>) offsets(%dma_start3A_108 : memref<128xi32, #tpu.memory_space<vmem>>) semaphore(%arg12 : memref<!tpu.dma_semaphore, #tpu.memory_space<semaphore_mem>>)
      %dma_wait3A_112 = arith.constant 0 : i32
      %dma_wait3A_113 = tpu.memref_slice %arg6[%mul3A_103, %dma_wait3A_112] : memref<40x128xi32, #tpu.memory_space<vmem>> -> memref<1x128xi32, #tpu.memory_space<vmem>>
      %dma_wait3A_114 = tpu.memref_squeeze %dma_wait3A_113 : memref<1x128xi32, #tpu.memory_space<vmem>> -> memref<128xi32, #tpu.memory_space<vmem>>
      %dma_wait3A_115 = arith.constant 0 : i32
      %dma_wait3A_116 = arith.constant 0 : i32
      %dma_wait3A_117 = tpu.memref_slice %arg2[%dma_wait3A_115, %dma_wait3A_116] : memref<10000x128xf32, #tpu.memory_space<hbm>> -> memref<10000x128xf32, #tpu.memory_space<hbm>>
      tpu.wait_indirect_dma semaphore(%arg11 : memref<!tpu.dma_semaphore, #tpu.memory_space<semaphore_mem>>) src(%dma_wait3A_117 : memref<10000x128xf32, #tpu.memory_space<hbm>>) dst(%arg8 : memref<128x128xf32, #tpu.memory_space<vmem>>)
      "tpu.region"() ({
        %run_scoped3A_136 = tpu.sem_alloc : memref<!tpu.dma_semaphore, #tpu.memory_space<semaphore_mem>>
        %dma_start3A_137 = arith.constant 0 : i32
        %dma_start3A_138 = tpu.memref_slice %arg7[%mul3A_103, %dma_start3A_137] : memref<40x128xi32, #tpu.memory_space<vmem>> -> memref<1x128xi32, #tpu.memory_space<vmem>>
        %dma_start3A_139 = tpu.memref_squeeze %dma_start3A_138 : memref<1x128xi32, #tpu.memory_space<vmem>> -> memref<128xi32, #tpu.memory_space<vmem>>
        %dma_start3A_140 = arith.constant 0 : i32
        %dma_start3A_141 = arith.constant 0 : i32
        %dma_start3A_142 = tpu.memref_slice %arg10[%dma_start3A_140, %dma_start3A_141] : memref<10240x128xf32, #tpu.memory_space<vmem_shared>> -> memref<10240x128xf32, #tpu.memory_space<vmem_shared>>
        tpu.enqueue_indirect_dma source(%arg8 : memref<128x128xf32, #tpu.memory_space<vmem>>) target(%dma_start3A_142 : memref<10240x128xf32, #tpu.memory_space<vmem_shared>>) offsets(%dma_start3A_139 : memref<128xi32, #tpu.memory_space<vmem>>) semaphore(%run_scoped3A_136 : memref<!tpu.dma_semaphore, #tpu.memory_space<semaphore_mem>>) {add = true}
        %dma_wait3A_143 = arith.constant 0 : i32
        %dma_wait3A_144 = tpu.memref_slice %arg7[%mul3A_103, %dma_wait3A_143] : memref<40x128xi32, #tpu.memory_space<vmem>> -> memref<1x128xi32, #tpu.memory_space<vmem>>
        %dma_wait3A_145 = tpu.memref_squeeze %dma_wait3A_144 : memref<1x128xi32, #tpu.memory_space<vmem>> -> memref<128xi32, #tpu.memory_space<vmem>>
        %dma_wait3A_146 = arith.constant 0 : i32
        %dma_wait3A_147 = arith.constant 0 : i32
        %dma_wait3A_148 = tpu.memref_slice %arg10[%dma_wait3A_146, %dma_wait3A_147] : memref<10240x128xf32, #tpu.memory_space<vmem_shared>> -> memref<10240x128xf32, #tpu.memory_space<vmem_shared>>
        tpu.wait_indirect_dma semaphore(%run_scoped3A_136 : memref<!tpu.dma_semaphore, #tpu.memory_space<semaphore_mem>>) src(%arg8 : memref<128x128xf32, #tpu.memory_space<vmem>>) dst(%dma_wait3A_148 : memref<10240x128xf32, #tpu.memory_space<vmem_shared>>)
        tpu.yield
      }) : () -> ()
      %add3A_118 = arith.constant 2 : i32
      %add3A_119 = arith.addi %mul3A_103, %add3A_118 : i32
      %dma_start3A_120 = arith.constant 0 : i32
      %dma_start3A_121 = tpu.memref_slice %arg6[%add3A_119, %dma_start3A_120] : memref<40x128xi32, #tpu.memory_space<vmem>> -> memref<1x128xi32, #tpu.memory_space<vmem>>
      %dma_start3A_122 = tpu.memref_squeeze %dma_start3A_121 : memref<1x128xi32, #tpu.memory_space<vmem>> -> memref<128xi32, #tpu.memory_space<vmem>>
      %dma_start3A_123 = arith.constant 0 : i32
      %dma_start3A_124 = arith.constant 0 : i32
      %dma_start3A_125 = tpu.memref_slice %arg2[%dma_start3A_123, %dma_start3A_124] : memref<10000x128xf32, #tpu.memory_space<hbm>> -> memref<10000x128xf32, #tpu.memory_space<hbm>>
      tpu.enqueue_indirect_dma source(%dma_start3A_125 : memref<10000x128xf32, #tpu.memory_space<hbm>>) target(%arg8 : memref<128x128xf32, #tpu.memory_space<vmem>>) offsets(%dma_start3A_122 : memref<128xi32, #tpu.memory_space<vmem>>) semaphore(%arg11 : memref<!tpu.dma_semaphore, #tpu.memory_space<semaphore_mem>>)
      %add3A_126 = arith.constant 1 : i32
      %add3A_127 = arith.addi %mul3A_103, %add3A_126 : i32
      %dma_wait3A_128 = arith.constant 0 : i32
      %dma_wait3A_129 = tpu.memref_slice %arg6[%add3A_127, %dma_wait3A_128] : memref<40x128xi32, #tpu.memory_space<vmem>> -> memref<1x128xi32, #tpu.memory_space<vmem>>
      %dma_wait3A_130 = tpu.memref_squeeze %dma_wait3A_129 : memref<1x128xi32, #tpu.memory_space<vmem>> -> memref<128xi32, #tpu.memory_space<vmem>>
      %dma_wait3A_131 = arith.constant 0 : i32
      %dma_wait3A_132 = arith.constant 0 : i32
      %dma_wait3A_133 = tpu.memref_slice %arg2[%dma_wait3A_131, %dma_wait3A_132] : memref<10000x128xf32, #tpu.memory_space<hbm>> -> memref<10000x128xf32, #tpu.memory_space<hbm>>
      tpu.wait_indirect_dma semaphore(%arg12 : memref<!tpu.dma_semaphore, #tpu.memory_space<semaphore_mem>>) src(%dma_wait3A_133 : memref<10000x128xf32, #tpu.memory_space<hbm>>) dst(%arg9 : memref<128x128xf32, #tpu.memory_space<vmem>>)
      %add3A_134 = arith.constant 1 : i32
      %add3A_135 = arith.addi %mul3A_103, %add3A_134 : i32
      "tpu.region"() ({
        %run_scoped3A_136 = tpu.sem_alloc : memref<!tpu.dma_semaphore, #tpu.memory_space<semaphore_mem>>
        %dma_start3A_137 = arith.constant 0 : i32
        %dma_start3A_138 = tpu.memref_slice %arg7[%add3A_135, %dma_start3A_137] : memref<40x128xi32, #tpu.memory_space<vmem>> -> memref<1x128xi32, #tpu.memory_space<vmem>>
        %dma_start3A_139 = tpu.memref_squeeze %dma_start3A_138 : memref<1x128xi32, #tpu.memory_space<vmem>> -> memref<128xi32, #tpu.memory_space<vmem>>
        %dma_start3A_140 = arith.constant 0 : i32
        %dma_start3A_141 = arith.constant 0 : i32
        %dma_start3A_142 = tpu.memref_slice %arg10[%dma_start3A_140, %dma_start3A_141] : memref<10240x128xf32, #tpu.memory_space<vmem_shared>> -> memref<10240x128xf32, #tpu.memory_space<vmem_shared>>
        tpu.enqueue_indirect_dma source(%arg9 : memref<128x128xf32, #tpu.memory_space<vmem>>) target(%dma_start3A_142 : memref<10240x128xf32, #tpu.memory_space<vmem_shared>>) offsets(%dma_start3A_139 : memref<128xi32, #tpu.memory_space<vmem>>) semaphore(%run_scoped3A_136 : memref<!tpu.dma_semaphore, #tpu.memory_space<semaphore_mem>>) {add = true}
        %dma_wait3A_143 = arith.constant 0 : i32
        %dma_wait3A_144 = tpu.memref_slice %arg7[%add3A_135, %dma_wait3A_143] : memref<40x128xi32, #tpu.memory_space<vmem>> -> memref<1x128xi32, #tpu.memory_space<vmem>>
        %dma_wait3A_145 = tpu.memref_squeeze %dma_wait3A_144 : memref<1x128xi32, #tpu.memory_space<vmem>> -> memref<128xi32, #tpu.memory_space<vmem>>
        %dma_wait3A_146 = arith.constant 0 : i32
        %dma_wait3A_147 = arith.constant 0 : i32
        %dma_wait3A_148 = tpu.memref_slice %arg10[%dma_wait3A_146, %dma_wait3A_147] : memref<10240x128xf32, #tpu.memory_space<vmem_shared>> -> memref<10240x128xf32, #tpu.memory_space<vmem_shared>>
        tpu.wait_indirect_dma semaphore(%run_scoped3A_136 : memref<!tpu.dma_semaphore, #tpu.memory_space<semaphore_mem>>) src(%arg9 : memref<128x128xf32, #tpu.memory_space<vmem>>) dst(%dma_wait3A_148 : memref<10240x128xf32, #tpu.memory_space<vmem_shared>>)
        tpu.yield
      }) : () -> ()
    }
    %scan3A_76 = arith.constant 19 : i32
    %dma_start3A_77 = arith.constant 39 : i32
    %dma_start3A_78 = arith.constant 0 : i32
    %dma_start3A_79 = tpu.memref_slice %arg6[%dma_start3A_77, %dma_start3A_78] : memref<40x128xi32, #tpu.memory_space<vmem>> -> memref<1x128xi32, #tpu.memory_space<vmem>>
    %dma_start3A_80 = tpu.memref_squeeze %dma_start3A_79 : memref<1x128xi32, #tpu.memory_space<vmem>> -> memref<128xi32, #tpu.memory_space<vmem>>
    %dma_start3A_81 = arith.constant 0 : i32
    %dma_start3A_82 = arith.constant 0 : i32
    %dma_start3A_83 = tpu.memref_slice %arg2[%dma_start3A_81, %dma_start3A_82] : memref<10000x128xf32, #tpu.memory_space<hbm>> -> memref<10000x128xf32, #tpu.memory_space<hbm>>
    tpu.enqueue_indirect_dma source(%dma_start3A_83 : memref<10000x128xf32, #tpu.memory_space<hbm>>) target(%arg9 : memref<128x128xf32, #tpu.memory_space<vmem>>) offsets(%dma_start3A_80 : memref<128xi32, #tpu.memory_space<vmem>>) semaphore(%arg12 : memref<!tpu.dma_semaphore, #tpu.memory_space<semaphore_mem>>)
    %dma_wait3A_84 = arith.constant 38 : i32
    %dma_wait3A_85 = arith.constant 0 : i32
    %dma_wait3A_86 = tpu.memref_slice %arg6[%dma_wait3A_84, %dma_wait3A_85] : memref<40x128xi32, #tpu.memory_space<vmem>> -> memref<1x128xi32, #tpu.memory_space<vmem>>
    %dma_wait3A_87 = tpu.memref_squeeze %dma_wait3A_86 : memref<1x128xi32, #tpu.memory_space<vmem>> -> memref<128xi32, #tpu.memory_space<vmem>>
    %dma_wait3A_88 = arith.constant 0 : i32
    %dma_wait3A_89 = arith.constant 0 : i32
    %dma_wait3A_90 = tpu.memref_slice %arg2[%dma_wait3A_88, %dma_wait3A_89] : memref<10000x128xf32, #tpu.memory_space<hbm>> -> memref<10000x128xf32, #tpu.memory_space<hbm>>
    tpu.wait_indirect_dma semaphore(%arg11 : memref<!tpu.dma_semaphore, #tpu.memory_space<semaphore_mem>>) src(%dma_wait3A_90 : memref<10000x128xf32, #tpu.memory_space<hbm>>) dst(%arg8 : memref<128x128xf32, #tpu.memory_space<vmem>>)
    %run_scoped3A_91 = arith.constant 38 : i32
    "tpu.region"() ({
      %run_scoped3A_101 = tpu.sem_alloc : memref<!tpu.dma_semaphore, #tpu.memory_space<semaphore_mem>>
      %dma_start3A_102 = arith.constant 0 : i32
      %dma_start3A_103 = tpu.memref_slice %arg7[%run_scoped3A_91, %dma_start3A_102] : memref<40x128xi32, #tpu.memory_space<vmem>> -> memref<1x128xi32, #tpu.memory_space<vmem>>
      %dma_start3A_104 = tpu.memref_squeeze %dma_start3A_103 : memref<1x128xi32, #tpu.memory_space<vmem>> -> memref<128xi32, #tpu.memory_space<vmem>>
      %dma_start3A_105 = arith.constant 0 : i32
      %dma_start3A_106 = arith.constant 0 : i32
      %dma_start3A_107 = tpu.memref_slice %arg10[%dma_start3A_105, %dma_start3A_106] : memref<10240x128xf32, #tpu.memory_space<vmem_shared>> -> memref<10240x128xf32, #tpu.memory_space<vmem_shared>>
      tpu.enqueue_indirect_dma source(%arg8 : memref<128x128xf32, #tpu.memory_space<vmem>>) target(%dma_start3A_107 : memref<10240x128xf32, #tpu.memory_space<vmem_shared>>) offsets(%dma_start3A_104 : memref<128xi32, #tpu.memory_space<vmem>>) semaphore(%run_scoped3A_101 : memref<!tpu.dma_semaphore, #tpu.memory_space<semaphore_mem>>) {add = true}
      %dma_wait3A_108 = arith.constant 0 : i32
      %dma_wait3A_109 = tpu.memref_slice %arg7[%run_scoped3A_91, %dma_wait3A_108] : memref<40x128xi32, #tpu.memory_space<vmem>> -> memref<1x128xi32, #tpu.memory_space<vmem>>
      %dma_wait3A_110 = tpu.memref_squeeze %dma_wait3A_109 : memref<1x128xi32, #tpu.memory_space<vmem>> -> memref<128xi32, #tpu.memory_space<vmem>>
      %dma_wait3A_111 = arith.constant 0 : i32
      %dma_wait3A_112 = arith.constant 0 : i32
      %dma_wait3A_113 = tpu.memref_slice %arg10[%dma_wait3A_111, %dma_wait3A_112] : memref<10240x128xf32, #tpu.memory_space<vmem_shared>> -> memref<10240x128xf32, #tpu.memory_space<vmem_shared>>
      tpu.wait_indirect_dma semaphore(%run_scoped3A_101 : memref<!tpu.dma_semaphore, #tpu.memory_space<semaphore_mem>>) src(%arg8 : memref<128x128xf32, #tpu.memory_space<vmem>>) dst(%dma_wait3A_113 : memref<10240x128xf32, #tpu.memory_space<vmem_shared>>)
      tpu.yield
    }) : () -> ()
    %dma_wait3A_92 = arith.constant 39 : i32
    %dma_wait3A_93 = arith.constant 0 : i32
    %dma_wait3A_94 = tpu.memref_slice %arg6[%dma_wait3A_92, %dma_wait3A_93] : memref<40x128xi32, #tpu.memory_space<vmem>> -> memref<1x128xi32, #tpu.memory_space<vmem>>
    %dma_wait3A_95 = tpu.memref_squeeze %dma_wait3A_94 : memref<1x128xi32, #tpu.memory_space<vmem>> -> memref<128xi32, #tpu.memory_space<vmem>>
    %dma_wait3A_96 = arith.constant 0 : i32
    %dma_wait3A_97 = arith.constant 0 : i32
    %dma_wait3A_98 = tpu.memref_slice %arg2[%dma_wait3A_96, %dma_wait3A_97] : memref<10000x128xf32, #tpu.memory_space<hbm>> -> memref<10000x128xf32, #tpu.memory_space<hbm>>
    tpu.wait_indirect_dma semaphore(%arg12 : memref<!tpu.dma_semaphore, #tpu.memory_space<semaphore_mem>>) src(%dma_wait3A_98 : memref<10000x128xf32, #tpu.memory_space<hbm>>) dst(%arg9 : memref<128x128xf32, #tpu.memory_space<vmem>>)
    %run_scoped3A_99 = arith.constant 39 : i32
    "tpu.region"() ({
      %run_scoped3A_101 = tpu.sem_alloc : memref<!tpu.dma_semaphore, #tpu.memory_space<semaphore_mem>>
      %dma_start3A_102 = arith.constant 0 : i32
      %dma_start3A_103 = tpu.memref_slice %arg7[%run_scoped3A_99, %dma_start3A_102] : memref<40x128xi32, #tpu.memory_space<vmem>> -> memref<1x128xi32, #tpu.memory_space<vmem>>
      %dma_start3A_104 = tpu.memref_squeeze %dma_start3A_103 : memref<1x128xi32, #tpu.memory_space<vmem>> -> memref<128xi32, #tpu.memory_space<vmem>>
      %dma_start3A_105 = arith.constant 0 : i32
      %dma_start3A_106 = arith.constant 0 : i32
      %dma_start3A_107 = tpu.memref_slice %arg10[%dma_start3A_105, %dma_start3A_106] : memref<10240x128xf32, #tpu.memory_space<vmem_shared>> -> memref<10240x128xf32, #tpu.memory_space<vmem_shared>>
      tpu.enqueue_indirect_dma source(%arg9 : memref<128x128xf32, #tpu.memory_space<vmem>>) target(%dma_start3A_107 : memref<10240x128xf32, #tpu.memory_space<vmem_shared>>) offsets(%dma_start3A_104 : memref<128xi32, #tpu.memory_space<vmem>>) semaphore(%run_scoped3A_101 : memref<!tpu.dma_semaphore, #tpu.memory_space<semaphore_mem>>) {add = true}
      %dma_wait3A_108 = arith.constant 0 : i32
      %dma_wait3A_109 = tpu.memref_slice %arg7[%run_scoped3A_99, %dma_wait3A_108] : memref<40x128xi32, #tpu.memory_space<vmem>> -> memref<1x128xi32, #tpu.memory_space<vmem>>
      %dma_wait3A_110 = tpu.memref_squeeze %dma_wait3A_109 : memref<1x128xi32, #tpu.memory_space<vmem>> -> memref<128xi32, #tpu.memory_space<vmem>>
      %dma_wait3A_111 = arith.constant 0 : i32
      %dma_wait3A_112 = arith.constant 0 : i32
      %dma_wait3A_113 = tpu.memref_slice %arg10[%dma_wait3A_111, %dma_wait3A_112] : memref<10240x128xf32, #tpu.memory_space<vmem_shared>> -> memref<10240x128xf32, #tpu.memory_space<vmem_shared>>
      tpu.wait_indirect_dma semaphore(%run_scoped3A_101 : memref<!tpu.dma_semaphore, #tpu.memory_space<semaphore_mem>>) src(%arg9 : memref<128x128xf32, #tpu.memory_space<vmem>>) dst(%dma_wait3A_113 : memref<10240x128xf32, #tpu.memory_space<vmem_shared>>)
      tpu.yield
    }) : () -> ()
    %barrier3A_100 = arith.constant 0 : index
    tpu.barrier barrier_id(%barrier3A_100)
    "tpu.region"() ({
      %run_scoped3A_101 = tpu.sem_alloc : memref<!tpu.dma_semaphore, #tpu.memory_space<semaphore_mem>>
      %dma_start3A_102 = arith.constant 0 : i32
      %dma_start3A_103 = tpu.memref_slice %arg5[%arg0, %mul3A_8, %dma_start3A_102] : memref<2x10240x128xf32, #tpu.memory_space<hbm>> -> memref<1x640x128xf32, #tpu.memory_space<hbm>>
      %dma_start3A_104 = tpu.memref_squeeze %dma_start3A_103 : memref<1x640x128xf32, #tpu.memory_space<hbm>> -> memref<640x128xf32, #tpu.memory_space<hbm>>
      %dma_start3A_105 = arith.constant 0 : i32
      %dma_start3A_106 = tpu.memref_slice %arg10[%mul3A_8, %dma_start3A_105] : memref<10240x128xf32, #tpu.memory_space<vmem_shared>> -> memref<640x128xf32, #tpu.memory_space<vmem_shared>>
      tpu.enqueue_dma source(%dma_start3A_106 : memref<640x128xf32, #tpu.memory_space<vmem_shared>>) target(%dma_start3A_104 : memref<640x128xf32, #tpu.memory_space<hbm>>) target_semaphore(%run_scoped3A_101 : memref<!tpu.dma_semaphore, #tpu.memory_space<semaphore_mem>>)
      %dma_wait3A_107 = arith.constant 0 : i32
      %dma_wait3A_108 = tpu.memref_slice %arg5[%arg0, %mul3A_8, %dma_wait3A_107] : memref<2x10240x128xf32, #tpu.memory_space<hbm>> -> memref<1x640x128xf32, #tpu.memory_space<hbm>>
      %dma_wait3A_109 = tpu.memref_squeeze %dma_wait3A_108 : memref<1x640x128xf32, #tpu.memory_space<hbm>> -> memref<640x128xf32, #tpu.memory_space<hbm>>
      %dma_wait3A_110 = arith.constant 0 : i32
      %dma_wait3A_111 = tpu.memref_slice %arg10[%mul3A_8, %dma_wait3A_110] : memref<10240x128xf32, #tpu.memory_space<vmem_shared>> -> memref<640x128xf32, #tpu.memory_space<vmem_shared>>
      tpu.wait_dma2 semaphore(%run_scoped3A_101 : memref<!tpu.dma_semaphore, #tpu.memory_space<semaphore_mem>>) src(%dma_wait3A_111 : memref<640x128xf32, #tpu.memory_space<vmem_shared>>) dst(%dma_wait3A_109 : memref<640x128xf32, #tpu.memory_space<hbm>>)
      tpu.yield
    }) : () -> ()
    return
  }
}

#map = affine_map<(d0, d1) -> (0, 0)>
#map1 = affine_map<(d0, d1) -> (0, 0, 0)>
module attributes {stable_mosaic.version = 14 : i64} {
  func.func @k(%arg0: i32, %arg1: i32, %arg2: memref<10000x128xf32, #tpu.memory_space<hbm>>, %arg3: memref<2560x128xi32, #tpu.memory_space<hbm>>, %arg4: memref<2560x128xi32, #tpu.memory_space<hbm>>, %arg5: memref<2x10240x128xf32, #tpu.memory_space<hbm>>, %arg6: memref<40x128xi32, #tpu.memory_space<vmem>>, %arg7: memref<40x128xi32, #tpu.memory_space<vmem>>, %arg8: memref<128x128xf32, #tpu.memory_space<vmem>>, %arg9: memref<128x128xf32, #tpu.memory_space<vmem>>, %arg10: memref<10240x128xf32, #tpu.memory_space<vmem_shared>>, %arg11: memref<!tpu.dma_semaphore, #tpu.memory_space<semaphore_mem>>, %arg12: memref<!tpu.dma_semaphore, #tpu.memory_space<semaphore_mem>>) attributes {dimension_semantics = [#tpu.dimension_semantics<core_parallel>, #tpu.dimension_semantics<subcore_parallel>], iteration_bounds = array<i64: 2, 16>, scalar_prefetch = 0 : i64, scratch_operands = 7 : i64, tpu.core_type = #tpu.core_type<sc_vector_subcore>, window_params = [{transform_indices = #map}, {transform_indices = #map}, {transform_indices = #map}, {transform_indices = #map1}]} {
    %mul3A = arith.constant 2 : i32
    %mul3A_0 = arith.muli %arg1, %mul3A : i32
    %add3A = arith.addi %mul3A_0, %arg0 : i32
    %broadcast_in_dim3A = arith.constant 0.000000e+00 : f32
    %broadcast_in_dim3A_1 = vector.broadcast %broadcast_in_dim3A : f32 to vector<16xf32>
    %scan3A = arith.constant 0 : i32
    %scan3A_2 = arith.constant 0 : i32
    %scan3A_3 = arith.constant 1024 : i32
    %scan3A_4 = arith.addi %scan3A_2, %scan3A_3 : i32
    %scan3A_5 = arith.constant 1 : i32
    scf.for %scan3A_101 = %scan3A_2 to %scan3A_4 step %scan3A_5  : i32 {
      %jit3A = arith.constant 8 : i32
      %div3A = arith.divsi %scan3A_101, %jit3A : i32
      %sign3A = arith.constant 0 : i32
      %sign3A_102 = arith.cmpi sgt, %scan3A_101, %sign3A : i32
      %sign3A_103 = arith.extui %sign3A_102 : i1 to i32
      %sign3A_104 = arith.constant 0 : i32
      %sign3A_105 = arith.cmpi slt, %scan3A_101, %sign3A_104 : i32
      %sign3A_106 = arith.extui %sign3A_105 : i1 to i32
      %sign3A_107 = arith.subi %sign3A_103, %sign3A_106 : i32
      %sign3A_108 = arith.constant 0 : i32
      %sign3A_109 = arith.cmpi sgt, %jit3A, %sign3A_108 : i32
      %sign3A_110 = arith.extui %sign3A_109 : i1 to i32
      %sign3A_111 = arith.constant 0 : i32
      %sign3A_112 = arith.cmpi slt, %jit3A, %sign3A_111 : i32
      %sign3A_113 = arith.extui %sign3A_112 : i1 to i32
      %sign3A_114 = arith.subi %sign3A_110, %sign3A_113 : i32
      %ne3A = arith.cmpi ne, %sign3A_107, %sign3A_114 : i32
      %rem3A = arith.remsi %scan3A_101, %jit3A : i32
      %ne3A_115 = arith.constant 0 : i32
      %ne3A_116 = arith.cmpi ne, %rem3A, %ne3A_115 : i32
      %and3A = arith.andi %ne3A, %ne3A_116 : i1
      %sub3A = arith.constant 1 : i32
      %sub3A_117 = arith.subi %div3A, %sub3A : i32
      %select_n3A = arith.select %and3A, %sub3A_117, %div3A : i32
      %jit3A_118 = arith.constant 8 : i32
      %eq3A = arith.constant 0 : i32
      %eq3A_119 = arith.cmpi eq, %jit3A_118, %eq3A : i32
      %jit3A_120 = arith.constant 1 : i32
      %select_n3A_121 = arith.select %eq3A_119, %jit3A_120, %jit3A_118 : i32
      %rem3A_122 = arith.remsi %scan3A_101, %select_n3A_121 : i32
      %ne3A_123 = arith.constant 0 : i32
      %ne3A_124 = arith.cmpi ne, %rem3A_122, %ne3A_123 : i32
      %lt3A = arith.constant 0 : i32
      %lt3A_125 = arith.cmpi slt, %rem3A_122, %lt3A : i32
      %lt3A_126 = arith.constant 0 : i32
      %lt3A_127 = arith.cmpi slt, %select_n3A_121, %lt3A_126 : i32
      %ne3A_128 = arith.xori %lt3A_125, %lt3A_127 : i1
      %and3A_129 = arith.andi %ne3A_128, %ne3A_124 : i1
      %add3A_130 = arith.addi %rem3A_122, %select_n3A_121 : i32
      %select_n3A_131 = arith.select %and3A_129, %add3A_130, %rem3A_122 : i32
      %mul3A_132 = arith.constant 16 : i32
      %mul3A_133 = arith.muli %select_n3A_131, %mul3A_132 : i32
      %swap3A = arith.index_cast %select_n3A : i32 to index
      %swap3A_134 = arith.index_cast %mul3A_133 : i32 to index
      %swap3A_135 = tpu.vector_load %arg8[%swap3A, %swap3A_134] {strides = array<i32>} : memref<128x128xf32, #tpu.memory_space<vmem>>, vector<1x16xf32>,
      %swap3A_136 = vector.shape_cast %swap3A_135 : vector<1x16xf32> to vector<16xf32>
      %swap3A_137 = vector.shape_cast %broadcast_in_dim3A_1 : vector<16xf32> to vector<1x16xf32>
      tpu.vector_store %arg8[%swap3A, %swap3A_134], %swap3A_137 {strides = array<i32>} : memref<128x128xf32, #tpu.memory_space<vmem>>, vector<1x16xf32>,
    }
    %scan3A_6 = arith.constant 1024 : i32
    %mul3A_7 = arith.constant 640 : i32
    %mul3A_8 = arith.muli %arg1, %mul3A_7 : i32
    %scan3A_9 = arith.constant 0 : i32
    %scan3A_10 = arith.constant 0 : i32
    %scan3A_11 = arith.constant 5 : i32
    %scan3A_12 = arith.addi %scan3A_10, %scan3A_11 : i32
    %scan3A_13 = arith.constant 1 : i32
    scf.for %scan3A_101 = %scan3A_10 to %scan3A_12 step %scan3A_13  : i32 {
      %mul3A_102 = arith.constant 128 : i32
      %mul3A_103 = arith.muli %scan3A_101, %mul3A_102 : i32
      %add3A_104 = arith.addi %mul3A_8, %mul3A_103 : i32
      "tpu.region"() ({
        %run_scoped3A_105 = tpu.sem_alloc : memref<!tpu.dma_semaphore, #tpu.memory_space<semaphore_mem>>
        %dma_start3A_106 = arith.constant 0 : i32
        %dma_start3A_107 = tpu.memref_slice %arg10[%add3A_104, %dma_start3A_106] : memref<10240x128xf32, #tpu.memory_space<vmem_shared>> -> memref<128x128xf32, #tpu.memory_space<vmem_shared>>
        %dma_start3A_108 = arith.constant 0 : i32
        %dma_start3A_109 = tpu.memref_slice %arg10[%add3A_104, %dma_start3A_108] : memref<10240x128xf32, #tpu.memory_space<vmem_shared>> -> memref<128x128xf32, #tpu.memory_space<vmem_shared>>
        tpu.enqueue_dma source(%arg8 : memref<128x128xf32, #tpu.memory_space<vmem>>) target(%dma_start3A_109 : memref<128x128xf32, #tpu.memory_space<vmem_shared>>) target_semaphore(%run_scoped3A_105 : memref<!tpu.dma_semaphore, #tpu.memory_space<semaphore_mem>>)
        %dma_wait3A_110 = arith.constant 0 : i32
        %dma_wait3A_111 = tpu.memref_slice %arg10[%add3A_104, %dma_wait3A_110] : memref<10240x128xf32, #tpu.memory_space<vmem_shared>> -> memref<128x128xf32, #tpu.memory_space<vmem_shared>>
        %dma_wait3A_112 = arith.constant 0 : i32
        %dma_wait3A_113 = tpu.memref_slice %arg10[%add3A_104, %dma_wait3A_112] : memref<10240x128xf32, #tpu.memory_space<vmem_shared>> -> memref<128x128xf32, #tpu.memory_space<vmem_shared>>
        tpu.wait_dma2 semaphore(%run_scoped3A_105 : memref<!tpu.dma_semaphore, #tpu.memory_space<semaphore_mem>>) src(%arg8 : memref<128x128xf32, #tpu.memory_space<vmem>>) dst(%dma_wait3A_113 : memref<128x128xf32, #tpu.memory_space<vmem_shared>>)
        tpu.yield
      }) : () -> ()
    }
    %scan3A_14 = arith.constant 5 : i32
    %barrier3A = arith.constant 0 : index
    tpu.barrier barrier_id(%barrier3A)
    %mul3A_15 = arith.constant 80 : i32
    %mul3A_16 = arith.muli %add3A, %mul3A_15 : i32
    %add3A_17 = arith.constant 0 : i32
    %add3A_18 = arith.addi %mul3A_16, %add3A_17 : i32
    "tpu.region"() ({
      %run_scoped3A_101 = tpu.sem_alloc : memref<!tpu.dma_semaphore, #tpu.memory_space<semaphore_mem>>
      %dma_start3A_102 = arith.constant 0 : i32
      %dma_start3A_103 = tpu.memref_slice %arg3[%add3A_18, %dma_start3A_102] : memref<2560x128xi32, #tpu.memory_space<hbm>> -> memref<40x128xi32, #tpu.memory_space<hbm>>
      %dma_start3A_104 = arith.constant 0 : i32
      %dma_start3A_105 = tpu.memref_slice %arg3[%add3A_18, %dma_start3A_104] : memref<2560x128xi32, #tpu.memory_space<hbm>> -> memref<40x128xi32, #tpu.memory_space<hbm>>
      tpu.enqueue_dma source(%dma_start3A_105 : memref<40x128xi32, #tpu.memory_space<hbm>>) target(%arg6 : memref<40x128xi32, #tpu.memory_space<vmem>>) target_semaphore(%run_scoped3A_101 : memref<!tpu.dma_semaphore, #tpu.memory_space<semaphore_mem>>)
      %dma_wait3A_106 = arith.constant 0 : i32
      %dma_wait3A_107 = tpu.memref_slice %arg3[%add3A_18, %dma_wait3A_106] : memref<2560x128xi32, #tpu.memory_space<hbm>> -> memref<40x128xi32, #tpu.memory_space<hbm>>
      %dma_wait3A_108 = arith.constant 0 : i32
      %dma_wait3A_109 = tpu.memref_slice %arg3[%add3A_18, %dma_wait3A_108] : memref<2560x128xi32, #tpu.memory_space<hbm>> -> memref<40x128xi32, #tpu.memory_space<hbm>>
      tpu.wait_dma2 semaphore(%run_scoped3A_101 : memref<!tpu.dma_semaphore, #tpu.memory_space<semaphore_mem>>) src(%dma_wait3A_109 : memref<40x128xi32, #tpu.memory_space<hbm>>) dst(%arg6 : memref<40x128xi32, #tpu.memory_space<vmem>>)
      tpu.yield
    }) : () -> ()
    %mul3A_19 = arith.constant 80 : i32
    %mul3A_20 = arith.muli %add3A, %mul3A_19 : i32
    %add3A_21 = arith.constant 0 : i32
    %add3A_22 = arith.addi %mul3A_20, %add3A_21 : i32
    "tpu.region"() ({
      %run_scoped3A_101 = tpu.sem_alloc : memref<!tpu.dma_semaphore, #tpu.memory_space<semaphore_mem>>
      %dma_start3A_102 = arith.constant 0 : i32
      %dma_start3A_103 = tpu.memref_slice %arg4[%add3A_22, %dma_start3A_102] : memref<2560x128xi32, #tpu.memory_space<hbm>> -> memref<40x128xi32, #tpu.memory_space<hbm>>
      %dma_start3A_104 = arith.constant 0 : i32
      %dma_start3A_105 = tpu.memref_slice %arg4[%add3A_22, %dma_start3A_104] : memref<2560x128xi32, #tpu.memory_space<hbm>> -> memref<40x128xi32, #tpu.memory_space<hbm>>
      tpu.enqueue_dma source(%dma_start3A_105 : memref<40x128xi32, #tpu.memory_space<hbm>>) target(%arg7 : memref<40x128xi32, #tpu.memory_space<vmem>>) target_semaphore(%run_scoped3A_101 : memref<!tpu.dma_semaphore, #tpu.memory_space<semaphore_mem>>)
      %dma_wait3A_106 = arith.constant 0 : i32
      %dma_wait3A_107 = tpu.memref_slice %arg4[%add3A_22, %dma_wait3A_106] : memref<2560x128xi32, #tpu.memory_space<hbm>> -> memref<40x128xi32, #tpu.memory_space<hbm>>
      %dma_wait3A_108 = arith.constant 0 : i32
      %dma_wait3A_109 = tpu.memref_slice %arg4[%add3A_22, %dma_wait3A_108] : memref<2560x128xi32, #tpu.memory_space<hbm>> -> memref<40x128xi32, #tpu.memory_space<hbm>>
      tpu.wait_dma2 semaphore(%run_scoped3A_101 : memref<!tpu.dma_semaphore, #tpu.memory_space<semaphore_mem>>) src(%dma_wait3A_109 : memref<40x128xi32, #tpu.memory_space<hbm>>) dst(%arg7 : memref<40x128xi32, #tpu.memory_space<vmem>>)
      tpu.yield
    }) : () -> ()
    %dma_start3A = arith.constant 0 : i32
    %dma_start3A_23 = arith.constant 0 : i32
    %dma_start3A_24 = tpu.memref_slice %arg6[%dma_start3A, %dma_start3A_23] : memref<40x128xi32, #tpu.memory_space<vmem>> -> memref<1x128xi32, #tpu.memory_space<vmem>>
    %dma_start3A_25 = tpu.memref_squeeze %dma_start3A_24 : memref<1x128xi32, #tpu.memory_space<vmem>> -> memref<128xi32, #tpu.memory_space<vmem>>
    %dma_start3A_26 = arith.constant 0 : i32
    %dma_start3A_27 = arith.constant 0 : i32
    %dma_start3A_28 = tpu.memref_slice %arg2[%dma_start3A_26, %dma_start3A_27] : memref<10000x128xf32, #tpu.memory_space<hbm>> -> memref<10000x128xf32, #tpu.memory_space<hbm>>
    tpu.enqueue_indirect_dma source(%dma_start3A_28 : memref<10000x128xf32, #tpu.memory_space<hbm>>) target(%arg8 : memref<128x128xf32, #tpu.memory_space<vmem>>) offsets(%dma_start3A_25 : memref<128xi32, #tpu.memory_space<vmem>>) semaphore(%arg11 : memref<!tpu.dma_semaphore, #tpu.memory_space<semaphore_mem>>)
    %scan3A_29 = arith.constant 0 : i32
    %scan3A_30 = arith.constant 0 : i32
    %scan3A_31 = arith.constant 19 : i32
    %scan3A_32 = arith.addi %scan3A_30, %scan3A_31 : i32
    %scan3A_33 = arith.constant 1 : i32
    scf.for %scan3A_101 = %scan3A_30 to %scan3A_32 step %scan3A_33  : i32 {
      %mul3A_102 = arith.constant 2 : i32
      %mul3A_103 = arith.muli %mul3A_102, %scan3A_101 : i32
      %add3A_104 = arith.constant 1 : i32
      %add3A_105 = arith.addi %mul3A_103, %add3A_104 : i32
      %dma_start3A_106 = arith.constant 0 : i32
      %dma_start3A_107 = tpu.memref_slice %arg6[%add3A_105, %dma_start3A_106] : memref<40x128xi32, #tpu.memory_space<vmem>> -> memref<1x128xi32, #tpu.memory_space<vmem>>
      %dma_start3A_108 = tpu.memref_squeeze %dma_start3A_107 : memref<1x128xi32, #tpu.memory_space<vmem>> -> memref<128xi32, #tpu.memory_space<vmem>>
      %dma_start3A_109 = arith.constant 0 : i32
      %dma_start3A_110 = arith.constant 0 : i32
      %dma_start3A_111 = tpu.memref_slice %arg2[%dma_start3A_109, %dma_start3A_110] : memref<10000x128xf32, #tpu.memory_space<hbm>> -> memref<10000x128xf32, #tpu.memory_space<hbm>>
      tpu.enqueue_indirect_dma source(%dma_start3A_111 : memref<10000x128xf32, #tpu.memory_space<hbm>>) target(%arg9 : memref<128x128xf32, #tpu.memory_space<vmem>>) offsets(%dma_start3A_108 : memref<128xi32, #tpu.memory_space<vmem>>) semaphore(%arg12 : memref<!tpu.dma_semaphore, #tpu.memory_space<semaphore_mem>>)
      %dma_wait3A_112 = arith.constant 0 : i32
      %dma_wait3A_113 = tpu.memref_slice %arg6[%mul3A_103, %dma_wait3A_112] : memref<40x128xi32, #tpu.memory_space<vmem>> -> memref<1x128xi32, #tpu.memory_space<vmem>>
      %dma_wait3A_114 = tpu.memref_squeeze %dma_wait3A_113 : memref<1x128xi32, #tpu.memory_space<vmem>> -> memref<128xi32, #tpu.memory_space<vmem>>
      %dma_wait3A_115 = arith.constant 0 : i32
      %dma_wait3A_116 = arith.constant 0 : i32
      %dma_wait3A_117 = tpu.memref_slice %arg2[%dma_wait3A_115, %dma_wait3A_116] : memref<10000x128xf32, #tpu.memory_space<hbm>> -> memref<10000x128xf32, #tpu.memory_space<hbm>>
      tpu.wait_indirect_dma semaphore(%arg11 : memref<!tpu.dma_semaphore, #tpu.memory_space<semaphore_mem>>) src(%dma_wait3A_117 : memref<10000x128xf32, #tpu.memory_space<hbm>>) dst(%arg8 : memref<128x128xf32, #tpu.memory_space<vmem>>)
      "tpu.region"() ({
        %run_scoped3A_136 = tpu.sem_alloc : memref<!tpu.dma_semaphore, #tpu.memory_space<semaphore_mem>>
        %dma_start3A_137 = arith.constant 0 : i32
        %dma_start3A_138 = tpu.memref_slice %arg7[%mul3A_103, %dma_start3A_137] : memref<40x128xi32, #tpu.memory_space<vmem>> -> memref<1x128xi32, #tpu.memory_space<vmem>>
        %dma_start3A_139 = tpu.memref_squeeze %dma_start3A_138 : memref<1x128xi32, #tpu.memory_space<vmem>> -> memref<128xi32, #tpu.memory_space<vmem>>
        %dma_start3A_140 = arith.constant 0 : i32
        %dma_start3A_141 = arith.constant 0 : i32
        %dma_start3A_142 = tpu.memref_slice %arg10[%dma_start3A_140, %dma_start3A_141] : memref<10240x128xf32, #tpu.memory_space<vmem_shared>> -> memref<10240x128xf32, #tpu.memory_space<vmem_shared>>
        tpu.enqueue_indirect_dma source(%arg8 : memref<128x128xf32, #tpu.memory_space<vmem>>) target(%dma_start3A_142 : memref<10240x128xf32, #tpu.memory_space<vmem_shared>>) offsets(%dma_start3A_139 : memref<128xi32, #tpu.memory_space<vmem>>) semaphore(%run_scoped3A_136 : memref<!tpu.dma_semaphore, #tpu.memory_space<semaphore_mem>>) {add = true}
        %dma_wait3A_143 = arith.constant 0 : i32
        %dma_wait3A_144 = tpu.memref_slice %arg7[%mul3A_103, %dma_wait3A_143] : memref<40x128xi32, #tpu.memory_space<vmem>> -> memref<1x128xi32, #tpu.memory_space<vmem>>
        %dma_wait3A_145 = tpu.memref_squeeze %dma_wait3A_144 : memref<1x128xi32, #tpu.memory_space<vmem>> -> memref<128xi32, #tpu.memory_space<vmem>>
        %dma_wait3A_146 = arith.constant 0 : i32
        %dma_wait3A_147 = arith.constant 0 : i32
        %dma_wait3A_148 = tpu.memref_slice %arg10[%dma_wait3A_146, %dma_wait3A_147] : memref<10240x128xf32, #tpu.memory_space<vmem_shared>> -> memref<10240x128xf32, #tpu.memory_space<vmem_shared>>
        tpu.wait_indirect_dma semaphore(%run_scoped3A_136 : memref<!tpu.dma_semaphore, #tpu.memory_space<semaphore_mem>>) src(%arg8 : memref<128x128xf32, #tpu.memory_space<vmem>>) dst(%dma_wait3A_148 : memref<10240x128xf32, #tpu.memory_space<vmem_shared>>)
        tpu.yield
      }) : () -> ()
      %add3A_118 = arith.constant 2 : i32
      %add3A_119 = arith.addi %mul3A_103, %add3A_118 : i32
      %dma_start3A_120 = arith.constant 0 : i32
      %dma_start3A_121 = tpu.memref_slice %arg6[%add3A_119, %dma_start3A_120] : memref<40x128xi32, #tpu.memory_space<vmem>> -> memref<1x128xi32, #tpu.memory_space<vmem>>
      %dma_start3A_122 = tpu.memref_squeeze %dma_start3A_121 : memref<1x128xi32, #tpu.memory_space<vmem>> -> memref<128xi32, #tpu.memory_space<vmem>>
      %dma_start3A_123 = arith.constant 0 : i32
      %dma_start3A_124 = arith.constant 0 : i32
      %dma_start3A_125 = tpu.memref_slice %arg2[%dma_start3A_123, %dma_start3A_124] : memref<10000x128xf32, #tpu.memory_space<hbm>> -> memref<10000x128xf32, #tpu.memory_space<hbm>>
      tpu.enqueue_indirect_dma source(%dma_start3A_125 : memref<10000x128xf32, #tpu.memory_space<hbm>>) target(%arg8 : memref<128x128xf32, #tpu.memory_space<vmem>>) offsets(%dma_start3A_122 : memref<128xi32, #tpu.memory_space<vmem>>) semaphore(%arg11 : memref<!tpu.dma_semaphore, #tpu.memory_space<semaphore_mem>>)
      %add3A_126 = arith.constant 1 : i32
      %add3A_127 = arith.addi %mul3A_103, %add3A_126 : i32
      %dma_wait3A_128 = arith.constant 0 : i32
      %dma_wait3A_129 = tpu.memref_slice %arg6[%add3A_127, %dma_wait3A_128] : memref<40x128xi32, #tpu.memory_space<vmem>> -> memref<1x128xi32, #tpu.memory_space<vmem>>
      %dma_wait3A_130 = tpu.memref_squeeze %dma_wait3A_129 : memref<1x128xi32, #tpu.memory_space<vmem>> -> memref<128xi32, #tpu.memory_space<vmem>>
      %dma_wait3A_131 = arith.constant 0 : i32
      %dma_wait3A_132 = arith.constant 0 : i32
      %dma_wait3A_133 = tpu.memref_slice %arg2[%dma_wait3A_131, %dma_wait3A_132] : memref<10000x128xf32, #tpu.memory_space<hbm>> -> memref<10000x128xf32, #tpu.memory_space<hbm>>
      tpu.wait_indirect_dma semaphore(%arg12 : memref<!tpu.dma_semaphore, #tpu.memory_space<semaphore_mem>>) src(%dma_wait3A_133 : memref<10000x128xf32, #tpu.memory_space<hbm>>) dst(%arg9 : memref<128x128xf32, #tpu.memory_space<vmem>>)
      %add3A_134 = arith.constant 1 : i32
      %add3A_135 = arith.addi %mul3A_103, %add3A_134 : i32
      "tpu.region"() ({
        %run_scoped3A_136 = tpu.sem_alloc : memref<!tpu.dma_semaphore, #tpu.memory_space<semaphore_mem>>
        %dma_start3A_137 = arith.constant 0 : i32
        %dma_start3A_138 = tpu.memref_slice %arg7[%add3A_135, %dma_start3A_137] : memref<40x128xi32, #tpu.memory_space<vmem>> -> memref<1x128xi32, #tpu.memory_space<vmem>>
        %dma_start3A_139 = tpu.memref_squeeze %dma_start3A_138 : memref<1x128xi32, #tpu.memory_space<vmem>> -> memref<128xi32, #tpu.memory_space<vmem>>
        %dma_start3A_140 = arith.constant 0 : i32
        %dma_start3A_141 = arith.constant 0 : i32
        %dma_start3A_142 = tpu.memref_slice %arg10[%dma_start3A_140, %dma_start3A_141] : memref<10240x128xf32, #tpu.memory_space<vmem_shared>> -> memref<10240x128xf32, #tpu.memory_space<vmem_shared>>
        tpu.enqueue_indirect_dma source(%arg9 : memref<128x128xf32, #tpu.memory_space<vmem>>) target(%dma_start3A_142 : memref<10240x128xf32, #tpu.memory_space<vmem_shared>>) offsets(%dma_start3A_139 : memref<128xi32, #tpu.memory_space<vmem>>) semaphore(%run_scoped3A_136 : memref<!tpu.dma_semaphore, #tpu.memory_space<semaphore_mem>>) {add = true}
        %dma_wait3A_143 = arith.constant 0 : i32
        %dma_wait3A_144 = tpu.memref_slice %arg7[%add3A_135, %dma_wait3A_143] : memref<40x128xi32, #tpu.memory_space<vmem>> -> memref<1x128xi32, #tpu.memory_space<vmem>>
        %dma_wait3A_145 = tpu.memref_squeeze %dma_wait3A_144 : memref<1x128xi32, #tpu.memory_space<vmem>> -> memref<128xi32, #tpu.memory_space<vmem>>
        %dma_wait3A_146 = arith.constant 0 : i32
        %dma_wait3A_147 = arith.constant 0 : i32
        %dma_wait3A_148 = tpu.memref_slice %arg10[%dma_wait3A_146, %dma_wait3A_147] : memref<10240x128xf32, #tpu.memory_space<vmem_shared>> -> memref<10240x128xf32, #tpu.memory_space<vmem_shared>>
        tpu.wait_indirect_dma semaphore(%run_scoped3A_136 : memref<!tpu.dma_semaphore, #tpu.memory_space<semaphore_mem>>) src(%arg9 : memref<128x128xf32, #tpu.memory_space<vmem>>) dst(%dma_wait3A_148 : memref<10240x128xf32, #tpu.memory_space<vmem_shared>>)
        tpu.yield
      }) : () -> ()
    }
    %scan3A_34 = arith.constant 19 : i32
    %dma_start3A_35 = arith.constant 39 : i32
    %dma_start3A_36 = arith.constant 0 : i32
    %dma_start3A_37 = tpu.memref_slice %arg6[%dma_start3A_35, %dma_start3A_36] : memref<40x128xi32, #tpu.memory_space<vmem>> -> memref<1x128xi32, #tpu.memory_space<vmem>>
    %dma_start3A_38 = tpu.memref_squeeze %dma_start3A_37 : memref<1x128xi32, #tpu.memory_space<vmem>> -> memref<128xi32, #tpu.memory_space<vmem>>
    %dma_start3A_39 = arith.constant 0 : i32
    %dma_start3A_40 = arith.constant 0 : i32
    %dma_start3A_41 = tpu.memref_slice %arg2[%dma_start3A_39, %dma_start3A_40] : memref<10000x128xf32, #tpu.memory_space<hbm>> -> memref<10000x128xf32, #tpu.memory_space<hbm>>
    tpu.enqueue_indirect_dma source(%dma_start3A_41 : memref<10000x128xf32, #tpu.memory_space<hbm>>) target(%arg9 : memref<128x128xf32, #tpu.memory_space<vmem>>) offsets(%dma_start3A_38 : memref<128xi32, #tpu.memory_space<vmem>>) semaphore(%arg12 : memref<!tpu.dma_semaphore, #tpu.memory_space<semaphore_mem>>)
    %dma_wait3A = arith.constant 38 : i32
    %dma_wait3A_42 = arith.constant 0 : i32
    %dma_wait3A_43 = tpu.memref_slice %arg6[%dma_wait3A, %dma_wait3A_42] : memref<40x128xi32, #tpu.memory_space<vmem>> -> memref<1x128xi32, #tpu.memory_space<vmem>>
    %dma_wait3A_44 = tpu.memref_squeeze %dma_wait3A_43 : memref<1x128xi32, #tpu.memory_space<vmem>> -> memref<128xi32, #tpu.memory_space<vmem>>
    %dma_wait3A_45 = arith.constant 0 : i32
    %dma_wait3A_46 = arith.constant 0 : i32
    %dma_wait3A_47 = tpu.memref_slice %arg2[%dma_wait3A_45, %dma_wait3A_46] : memref<10000x128xf32, #tpu.memory_space<hbm>> -> memref<10000x128xf32, #tpu.memory_space<hbm>>
    tpu.wait_indirect_dma semaphore(%arg11 : memref<!tpu.dma_semaphore, #tpu.memory_space<semaphore_mem>>) src(%dma_wait3A_47 : memref<10000x128xf32, #tpu.memory_space<hbm>>) dst(%arg8 : memref<128x128xf32, #tpu.memory_space<vmem>>)
    %run_scoped3A = arith.constant 38 : i32
    "tpu.region"() ({
      %run_scoped3A_101 = tpu.sem_alloc : memref<!tpu.dma_semaphore, #tpu.memory_space<semaphore_mem>>
      %dma_start3A_102 = arith.constant 0 : i32
      %dma_start3A_103 = tpu.memref_slice %arg7[%run_scoped3A, %dma_start3A_102] : memref<40x128xi32, #tpu.memory_space<vmem>> -> memref<1x128xi32, #tpu.memory_space<vmem>>
      %dma_start3A_104 = tpu.memref_squeeze %dma_start3A_103 : memref<1x128xi32, #tpu.memory_space<vmem>> -> memref<128xi32, #tpu.memory_space<vmem>>
      %dma_start3A_105 = arith.constant 0 : i32
      %dma_start3A_106 = arith.constant 0 : i32
      %dma_start3A_107 = tpu.memref_slice %arg10[%dma_start3A_105, %dma_start3A_106] : memref<10240x128xf32, #tpu.memory_space<vmem_shared>> -> memref<10240x128xf32, #tpu.memory_space<vmem_shared>>
      tpu.enqueue_indirect_dma source(%arg8 : memref<128x128xf32, #tpu.memory_space<vmem>>) target(%dma_start3A_107 : memref<10240x128xf32, #tpu.memory_space<vmem_shared>>) offsets(%dma_start3A_104 : memref<128xi32, #tpu.memory_space<vmem>>) semaphore(%run_scoped3A_101 : memref<!tpu.dma_semaphore, #tpu.memory_space<semaphore_mem>>) {add = true}
      %dma_wait3A_108 = arith.constant 0 : i32
      %dma_wait3A_109 = tpu.memref_slice %arg7[%run_scoped3A, %dma_wait3A_108] : memref<40x128xi32, #tpu.memory_space<vmem>> -> memref<1x128xi32, #tpu.memory_space<vmem>>
      %dma_wait3A_110 = tpu.memref_squeeze %dma_wait3A_109 : memref<1x128xi32, #tpu.memory_space<vmem>> -> memref<128xi32, #tpu.memory_space<vmem>>
      %dma_wait3A_111 = arith.constant 0 : i32
      %dma_wait3A_112 = arith.constant 0 : i32
      %dma_wait3A_113 = tpu.memref_slice %arg10[%dma_wait3A_111, %dma_wait3A_112] : memref<10240x128xf32, #tpu.memory_space<vmem_shared>> -> memref<10240x128xf32, #tpu.memory_space<vmem_shared>>
      tpu.wait_indirect_dma semaphore(%run_scoped3A_101 : memref<!tpu.dma_semaphore, #tpu.memory_space<semaphore_mem>>) src(%arg8 : memref<128x128xf32, #tpu.memory_space<vmem>>) dst(%dma_wait3A_113 : memref<10240x128xf32, #tpu.memory_space<vmem_shared>>)
      tpu.yield
    }) : () -> ()
    %dma_wait3A_48 = arith.constant 39 : i32
    %dma_wait3A_49 = arith.constant 0 : i32
    %dma_wait3A_50 = tpu.memref_slice %arg6[%dma_wait3A_48, %dma_wait3A_49] : memref<40x128xi32, #tpu.memory_space<vmem>> -> memref<1x128xi32, #tpu.memory_space<vmem>>
    %dma_wait3A_51 = tpu.memref_squeeze %dma_wait3A_50 : memref<1x128xi32, #tpu.memory_space<vmem>> -> memref<128xi32, #tpu.memory_space<vmem>>
    %dma_wait3A_52 = arith.constant 0 : i32
    %dma_wait3A_53 = arith.constant 0 : i32
    %dma_wait3A_54 = tpu.memref_slice %arg2[%dma_wait3A_52, %dma_wait3A_53] : memref<10000x128xf32, #tpu.memory_space<hbm>> -> memref<10000x128xf32, #tpu.memory_space<hbm>>
    tpu.wait_indirect_dma semaphore(%arg12 : memref<!tpu.dma_semaphore, #tpu.memory_space<semaphore_mem>>) src(%dma_wait3A_54 : memref<10000x128xf32, #tpu.memory_space<hbm>>) dst(%arg9 : memref<128x128xf32, #tpu.memory_space<vmem>>)
    %run_scoped3A_55 = arith.constant 39 : i32
    "tpu.region"() ({
      %run_scoped3A_101 = tpu.sem_alloc : memref<!tpu.dma_semaphore, #tpu.memory_space<semaphore_mem>>
      %dma_start3A_102 = arith.constant 0 : i32
      %dma_start3A_103 = tpu.memref_slice %arg7[%run_scoped3A_55, %dma_start3A_102] : memref<40x128xi32, #tpu.memory_space<vmem>> -> memref<1x128xi32, #tpu.memory_space<vmem>>
      %dma_start3A_104 = tpu.memref_squeeze %dma_start3A_103 : memref<1x128xi32, #tpu.memory_space<vmem>> -> memref<128xi32, #tpu.memory_space<vmem>>
      %dma_start3A_105 = arith.constant 0 : i32
      %dma_start3A_106 = arith.constant 0 : i32
      %dma_start3A_107 = tpu.memref_slice %arg10[%dma_start3A_105, %dma_start3A_106] : memref<10240x128xf32, #tpu.memory_space<vmem_shared>> -> memref<10240x128xf32, #tpu.memory_space<vmem_shared>>
      tpu.enqueue_indirect_dma source(%arg9 : memref<128x128xf32, #tpu.memory_space<vmem>>) target(%dma_start3A_107 : memref<10240x128xf32, #tpu.memory_space<vmem_shared>>) offsets(%dma_start3A_104 : memref<128xi32, #tpu.memory_space<vmem>>) semaphore(%run_scoped3A_101 : memref<!tpu.dma_semaphore, #tpu.memory_space<semaphore_mem>>) {add = true}
      %dma_wait3A_108 = arith.constant 0 : i32
      %dma_wait3A_109 = tpu.memref_slice %arg7[%run_scoped3A_55, %dma_wait3A_108] : memref<40x128xi32, #tpu.memory_space<vmem>> -> memref<1x128xi32, #tpu.memory_space<vmem>>
      %dma_wait3A_110 = tpu.memref_squeeze %dma_wait3A_109 : memref<1x128xi32, #tpu.memory_space<vmem>> -> memref<128xi32, #tpu.memory_space<vmem>>
      %dma_wait3A_111 = arith.constant 0 : i32
      %dma_wait3A_112 = arith.constant 0 : i32
      %dma_wait3A_113 = tpu.memref_slice %arg10[%dma_wait3A_111, %dma_wait3A_112] : memref<10240x128xf32, #tpu.memory_space<vmem_shared>> -> memref<10240x128xf32, #tpu.memory_space<vmem_shared>>
      tpu.wait_indirect_dma semaphore(%run_scoped3A_101 : memref<!tpu.dma_semaphore, #tpu.memory_space<semaphore_mem>>) src(%arg9 : memref<128x128xf32, #tpu.memory_space<vmem>>) dst(%dma_wait3A_113 : memref<10240x128xf32, #tpu.memory_space<vmem_shared>>)
      tpu.yield
    }) : () -> ()
    %mul3A_56 = arith.constant 80 : i32
    %mul3A_57 = arith.muli %add3A, %mul3A_56 : i32
    %add3A_58 = arith.constant 40 : i32
    %add3A_59 = arith.addi %mul3A_57, %add3A_58 : i32
    "tpu.region"() ({
      %run_scoped3A_101 = tpu.sem_alloc : memref<!tpu.dma_semaphore, #tpu.memory_space<semaphore_mem>>
      %dma_start3A_102 = arith.constant 0 : i32
      %dma_start3A_103 = tpu.memref_slice %arg3[%add3A_59, %dma_start3A_102] : memref<2560x128xi32, #tpu.memory_space<hbm>> -> memref<40x128xi32, #tpu.memory_space<hbm>>
      %dma_start3A_104 = arith.constant 0 : i32
      %dma_start3A_105 = tpu.memref_slice %arg3[%add3A_59, %dma_start3A_104] : memref<2560x128xi32, #tpu.memory_space<hbm>> -> memref<40x128xi32, #tpu.memory_space<hbm>>
      tpu.enqueue_dma source(%dma_start3A_105 : memref<40x128xi32, #tpu.memory_space<hbm>>) target(%arg6 : memref<40x128xi32, #tpu.memory_space<vmem>>) target_semaphore(%run_scoped3A_101 : memref<!tpu.dma_semaphore, #tpu.memory_space<semaphore_mem>>)
      %dma_wait3A_106 = arith.constant 0 : i32
      %dma_wait3A_107 = tpu.memref_slice %arg3[%add3A_59, %dma_wait3A_106] : memref<2560x128xi32, #tpu.memory_space<hbm>> -> memref<40x128xi32, #tpu.memory_space<hbm>>
      %dma_wait3A_108 = arith.constant 0 : i32
      %dma_wait3A_109 = tpu.memref_slice %arg3[%add3A_59, %dma_wait3A_108] : memref<2560x128xi32, #tpu.memory_space<hbm>> -> memref<40x128xi32, #tpu.memory_space<hbm>>
      tpu.wait_dma2 semaphore(%run_scoped3A_101 : memref<!tpu.dma_semaphore, #tpu.memory_space<semaphore_mem>>) src(%dma_wait3A_109 : memref<40x128xi32, #tpu.memory_space<hbm>>) dst(%arg6 : memref<40x128xi32, #tpu.memory_space<vmem>>)
      tpu.yield
    }) : () -> ()
    %mul3A_60 = arith.constant 80 : i32
    %mul3A_61 = arith.muli %add3A, %mul3A_60 : i32
    %add3A_62 = arith.constant 40 : i32
    %add3A_63 = arith.addi %mul3A_61, %add3A_62 : i32
    "tpu.region"() ({
      %run_scoped3A_101 = tpu.sem_alloc : memref<!tpu.dma_semaphore, #tpu.memory_space<semaphore_mem>>
      %dma_start3A_102 = arith.constant 0 : i32
      %dma_start3A_103 = tpu.memref_slice %arg4[%add3A_63, %dma_start3A_102] : memref<2560x128xi32, #tpu.memory_space<hbm>> -> memref<40x128xi32, #tpu.memory_space<hbm>>
      %dma_start3A_104 = arith.constant 0 : i32
      %dma_start3A_105 = tpu.memref_slice %arg4[%add3A_63, %dma_start3A_104] : memref<2560x128xi32, #tpu.memory_space<hbm>> -> memref<40x128xi32, #tpu.memory_space<hbm>>
      tpu.enqueue_dma source(%dma_start3A_105 : memref<40x128xi32, #tpu.memory_space<hbm>>) target(%arg7 : memref<40x128xi32, #tpu.memory_space<vmem>>) target_semaphore(%run_scoped3A_101 : memref<!tpu.dma_semaphore, #tpu.memory_space<semaphore_mem>>)
      %dma_wait3A_106 = arith.constant 0 : i32
      %dma_wait3A_107 = tpu.memref_slice %arg4[%add3A_63, %dma_wait3A_106] : memref<2560x128xi32, #tpu.memory_space<hbm>> -> memref<40x128xi32, #tpu.memory_space<hbm>>
      %dma_wait3A_108 = arith.constant 0 : i32
      %dma_wait3A_109 = tpu.memref_slice %arg4[%add3A_63, %dma_wait3A_108] : memref<2560x128xi32, #tpu.memory_space<hbm>> -> memref<40x128xi32, #tpu.memory_space<hbm>>
      tpu.wait_dma2 semaphore(%run_scoped3A_101 : memref<!tpu.dma_semaphore, #tpu.memory_space<semaphore_mem>>) src(%dma_wait3A_109 : memref<40x128xi32, #tpu.memory_space<hbm>>) dst(%arg7 : memref<40x128xi32, #tpu.memory_space<vmem>>)
      tpu.yield
    }) : () -> ()
    %dma_start3A_64 = arith.constant 0 : i32
    %dma_start3A_65 = arith.constant 0 : i32
    %dma_start3A_66 = tpu.memref_slice %arg6[%dma_start3A_64, %dma_start3A_65] : memref<40x128xi32, #tpu.memory_space<vmem>> -> memref<1x128xi32, #tpu.memory_space<vmem>>
    %dma_start3A_67 = tpu.memref_squeeze %dma_start3A_66 : memref<1x128xi32, #tpu.memory_space<vmem>> -> memref<128xi32, #tpu.memory_space<vmem>>
    %dma_start3A_68 = arith.constant 0 : i32
    %dma_start3A_69 = arith.constant 0 : i32
    %dma_start3A_70 = tpu.memref_slice %arg2[%dma_start3A_68, %dma_start3A_69] : memref<10000x128xf32, #tpu.memory_space<hbm>> -> memref<10000x128xf32, #tpu.memory_space<hbm>>
    tpu.enqueue_indirect_dma source(%dma_start3A_70 : memref<10000x128xf32, #tpu.memory_space<hbm>>) target(%arg8 : memref<128x128xf32, #tpu.memory_space<vmem>>) offsets(%dma_start3A_67 : memref<128xi32, #tpu.memory_space<vmem>>) semaphore(%arg11 : memref<!tpu.dma_semaphore, #tpu.memory_space<semaphore_mem>>)
    %scan3A_71 = arith.constant 0 : i32
    %scan3A_72 = arith.constant 0 : i32
    %scan3A_73 = arith.constant 19 : i32
    %scan3A_74 = arith.addi %scan3A_72, %scan3A_73 : i32
    %scan3A_75 = arith.constant 1 : i32
    scf.for %scan3A_101 = %scan3A_72 to %scan3A_74 step %scan3A_75  : i32 {
      %mul3A_102 = arith.constant 2 : i32
      %mul3A_103 = arith.muli %mul3A_102, %scan3A_101 : i32
      %add3A_104 = arith.constant 1 : i32
      %add3A_105 = arith.addi %mul3A_103, %add3A_104 : i32
      %dma_start3A_106 = arith.constant 0 : i32
      %dma_start3A_107 = tpu.memref_slice %arg6[%add3A_105, %dma_start3A_106] : memref<40x128xi32, #tpu.memory_space<vmem>> -> memref<1x128xi32, #tpu.memory_space<vmem>>
      %dma_start3A_108 = tpu.memref_squeeze %dma_start3A_107 : memref<1x128xi32, #tpu.memory_space<vmem>> -> memref<128xi32, #tpu.memory_space<vmem>>
      %dma_start3A_109 = arith.constant 0 : i32
      %dma_start3A_110 = arith.constant 0 : i32
      %dma_start3A_111 = tpu.memref_slice %arg2[%dma_start3A_109, %dma_start3A_110] : memref<10000x128xf32, #tpu.memory_space<hbm>> -> memref<10000x128xf32, #tpu.memory_space<hbm>>
      tpu.enqueue_indirect_dma source(%dma_start3A_111 : memref<10000x128xf32, #tpu.memory_space<hbm>>) target(%arg9 : memref<128x128xf32, #tpu.memory_space<vmem>>) offsets(%dma_start3A_108 : memref<128xi32, #tpu.memory_space<vmem>>) semaphore(%arg12 : memref<!tpu.dma_semaphore, #tpu.memory_space<semaphore_mem>>)
      %dma_wait3A_112 = arith.constant 0 : i32
      %dma_wait3A_113 = tpu.memref_slice %arg6[%mul3A_103, %dma_wait3A_112] : memref<40x128xi32, #tpu.memory_space<vmem>> -> memref<1x128xi32, #tpu.memory_space<vmem>>
      %dma_wait3A_114 = tpu.memref_squeeze %dma_wait3A_113 : memref<1x128xi32, #tpu.memory_space<vmem>> -> memref<128xi32, #tpu.memory_space<vmem>>
      %dma_wait3A_115 = arith.constant 0 : i32
      %dma_wait3A_116 = arith.constant 0 : i32
      %dma_wait3A_117 = tpu.memref_slice %arg2[%dma_wait3A_115, %dma_wait3A_116] : memref<10000x128xf32, #tpu.memory_space<hbm>> -> memref<10000x128xf32, #tpu.memory_space<hbm>>
      tpu.wait_indirect_dma semaphore(%arg11 : memref<!tpu.dma_semaphore, #tpu.memory_space<semaphore_mem>>) src(%dma_wait3A_117 : memref<10000x128xf32, #tpu.memory_space<hbm>>) dst(%arg8 : memref<128x128xf32, #tpu.memory_space<vmem>>)
      "tpu.region"() ({
        %run_scoped3A_136 = tpu.sem_alloc : memref<!tpu.dma_semaphore, #tpu.memory_space<semaphore_mem>>
        %dma_start3A_137 = arith.constant 0 : i32
        %dma_start3A_138 = tpu.memref_slice %arg7[%mul3A_103, %dma_start3A_137] : memref<40x128xi32, #tpu.memory_space<vmem>> -> memref<1x128xi32, #tpu.memory_space<vmem>>
        %dma_start3A_139 = tpu.memref_squeeze %dma_start3A_138 : memref<1x128xi32, #tpu.memory_space<vmem>> -> memref<128xi32, #tpu.memory_space<vmem>>
        %dma_start3A_140 = arith.constant 0 : i32
        %dma_start3A_141 = arith.constant 0 : i32
        %dma_start3A_142 = tpu.memref_slice %arg10[%dma_start3A_140, %dma_start3A_141] : memref<10240x128xf32, #tpu.memory_space<vmem_shared>> -> memref<10240x128xf32, #tpu.memory_space<vmem_shared>>
        tpu.enqueue_indirect_dma source(%arg8 : memref<128x128xf32, #tpu.memory_space<vmem>>) target(%dma_start3A_142 : memref<10240x128xf32, #tpu.memory_space<vmem_shared>>) offsets(%dma_start3A_139 : memref<128xi32, #tpu.memory_space<vmem>>) semaphore(%run_scoped3A_136 : memref<!tpu.dma_semaphore, #tpu.memory_space<semaphore_mem>>) {add = true}
        %dma_wait3A_143 = arith.constant 0 : i32
        %dma_wait3A_144 = tpu.memref_slice %arg7[%mul3A_103, %dma_wait3A_143] : memref<40x128xi32, #tpu.memory_space<vmem>> -> memref<1x128xi32, #tpu.memory_space<vmem>>
        %dma_wait3A_145 = tpu.memref_squeeze %dma_wait3A_144 : memref<1x128xi32, #tpu.memory_space<vmem>> -> memref<128xi32, #tpu.memory_space<vmem>>
        %dma_wait3A_146 = arith.constant 0 : i32
        %dma_wait3A_147 = arith.constant 0 : i32
        %dma_wait3A_148 = tpu.memref_slice %arg10[%dma_wait3A_146, %dma_wait3A_147] : memref<10240x128xf32, #tpu.memory_space<vmem_shared>> -> memref<10240x128xf32, #tpu.memory_space<vmem_shared>>
        tpu.wait_indirect_dma semaphore(%run_scoped3A_136 : memref<!tpu.dma_semaphore, #tpu.memory_space<semaphore_mem>>) src(%arg8 : memref<128x128xf32, #tpu.memory_space<vmem>>) dst(%dma_wait3A_148 : memref<10240x128xf32, #tpu.memory_space<vmem_shared>>)
        tpu.yield
      }) : () -> ()
      %add3A_118 = arith.constant 2 : i32
      %add3A_119 = arith.addi %mul3A_103, %add3A_118 : i32
      %dma_start3A_120 = arith.constant 0 : i32
      %dma_start3A_121 = tpu.memref_slice %arg6[%add3A_119, %dma_start3A_120] : memref<40x128xi32, #tpu.memory_space<vmem>> -> memref<1x128xi32, #tpu.memory_space<vmem>>
      %dma_start3A_122 = tpu.memref_squeeze %dma_start3A_121 : memref<1x128xi32, #tpu.memory_space<vmem>> -> memref<128xi32, #tpu.memory_space<vmem>>
      %dma_start3A_123 = arith.constant 0 : i32
      %dma_start3A_124 = arith.constant 0 : i32
      %dma_start3A_125 = tpu.memref_slice %arg2[%dma_start3A_123, %dma_start3A_124] : memref<10000x128xf32, #tpu.memory_space<hbm>> -> memref<10000x128xf32, #tpu.memory_space<hbm>>
      tpu.enqueue_indirect_dma source(%dma_start3A_125 : memref<10000x128xf32, #tpu.memory_space<hbm>>) target(%arg8 : memref<128x128xf32, #tpu.memory_space<vmem>>) offsets(%dma_start3A_122 : memref<128xi32, #tpu.memory_space<vmem>>) semaphore(%arg11 : memref<!tpu.dma_semaphore, #tpu.memory_space<semaphore_mem>>)
      %add3A_126 = arith.constant 1 : i32
      %add3A_127 = arith.addi %mul3A_103, %add3A_126 : i32
      %dma_wait3A_128 = arith.constant 0 : i32
      %dma_wait3A_129 = tpu.memref_slice %arg6[%add3A_127, %dma_wait3A_128] : memref<40x128xi32, #tpu.memory_space<vmem>> -> memref<1x128xi32, #tpu.memory_space<vmem>>
      %dma_wait3A_130 = tpu.memref_squeeze %dma_wait3A_129 : memref<1x128xi32, #tpu.memory_space<vmem>> -> memref<128xi32, #tpu.memory_space<vmem>>
      %dma_wait3A_131 = arith.constant 0 : i32
      %dma_wait3A_132 = arith.constant 0 : i32
      %dma_wait3A_133 = tpu.memref_slice %arg2[%dma_wait3A_131, %dma_wait3A_132] : memref<10000x128xf32, #tpu.memory_space<hbm>> -> memref<10000x128xf32, #tpu.memory_space<hbm>>
      tpu.wait_indirect_dma semaphore(%arg12 : memref<!tpu.dma_semaphore, #tpu.memory_space<semaphore_mem>>) src(%dma_wait3A_133 : memref<10000x128xf32, #tpu.memory_space<hbm>>) dst(%arg9 : memref<128x128xf32, #tpu.memory_space<vmem>>)
      %add3A_134 = arith.constant 1 : i32
      %add3A_135 = arith.addi %mul3A_103, %add3A_134 : i32
      "tpu.region"() ({
        %run_scoped3A_136 = tpu.sem_alloc : memref<!tpu.dma_semaphore, #tpu.memory_space<semaphore_mem>>
        %dma_start3A_137 = arith.constant 0 : i32
        %dma_start3A_138 = tpu.memref_slice %arg7[%add3A_135, %dma_start3A_137] : memref<40x128xi32, #tpu.memory_space<vmem>> -> memref<1x128xi32, #tpu.memory_space<vmem>>
        %dma_start3A_139 = tpu.memref_squeeze %dma_start3A_138 : memref<1x128xi32, #tpu.memory_space<vmem>> -> memref<128xi32, #tpu.memory_space<vmem>>
        %dma_start3A_140 = arith.constant 0 : i32
        %dma_start3A_141 = arith.constant 0 : i32
        %dma_start3A_142 = tpu.memref_slice %arg10[%dma_start3A_140, %dma_start3A_141] : memref<10240x128xf32, #tpu.memory_space<vmem_shared>> -> memref<10240x128xf32, #tpu.memory_space<vmem_shared>>
        tpu.enqueue_indirect_dma source(%arg9 : memref<128x128xf32, #tpu.memory_space<vmem>>) target(%dma_start3A_142 : memref<10240x128xf32, #tpu.memory_space<vmem_shared>>) offsets(%dma_start3A_139 : memref<128xi32, #tpu.memory_space<vmem>>) semaphore(%run_scoped3A_136 : memref<!tpu.dma_semaphore, #tpu.memory_space<semaphore_mem>>) {add = true}
        %dma_wait3A_143 = arith.constant 0 : i32
        %dma_wait3A_144 = tpu.memref_slice %arg7[%add3A_135, %dma_wait3A_143] : memref<40x128xi32, #tpu.memory_space<vmem>> -> memref<1x128xi32, #tpu.memory_space<vmem>>
        %dma_wait3A_145 = tpu.memref_squeeze %dma_wait3A_144 : memref<1x128xi32, #tpu.memory_space<vmem>> -> memref<128xi32, #tpu.memory_space<vmem>>
        %dma_wait3A_146 = arith.constant 0 : i32
        %dma_wait3A_147 = arith.constant 0 : i32
        %dma_wait3A_148 = tpu.memref_slice %arg10[%dma_wait3A_146, %dma_wait3A_147] : memref<10240x128xf32, #tpu.memory_space<vmem_shared>> -> memref<10240x128xf32, #tpu.memory_space<vmem_shared>>
        tpu.wait_indirect_dma semaphore(%run_scoped3A_136 : memref<!tpu.dma_semaphore, #tpu.memory_space<semaphore_mem>>) src(%arg9 : memref<128x128xf32, #tpu.memory_space<vmem>>) dst(%dma_wait3A_148 : memref<10240x128xf32, #tpu.memory_space<vmem_shared>>)
        tpu.yield
      }) : () -> ()
    }
    %scan3A_76 = arith.constant 19 : i32
    %dma_start3A_77 = arith.constant 39 : i32
    %dma_start3A_78 = arith.constant 0 : i32
    %dma_start3A_79 = tpu.memref_slice %arg6[%dma_start3A_77, %dma_start3A_78] : memref<40x128xi32, #tpu.memory_space<vmem>> -> memref<1x128xi32, #tpu.memory_space<vmem>>
    %dma_start3A_80 = tpu.memref_squeeze %dma_start3A_79 : memref<1x128xi32, #tpu.memory_space<vmem>> -> memref<128xi32, #tpu.memory_space<vmem>>
    %dma_start3A_81 = arith.constant 0 : i32
    %dma_start3A_82 = arith.constant 0 : i32
    %dma_start3A_83 = tpu.memref_slice %arg2[%dma_start3A_81, %dma_start3A_82] : memref<10000x128xf32, #tpu.memory_space<hbm>> -> memref<10000x128xf32, #tpu.memory_space<hbm>>
    tpu.enqueue_indirect_dma source(%dma_start3A_83 : memref<10000x128xf32, #tpu.memory_space<hbm>>) target(%arg9 : memref<128x128xf32, #tpu.memory_space<vmem>>) offsets(%dma_start3A_80 : memref<128xi32, #tpu.memory_space<vmem>>) semaphore(%arg12 : memref<!tpu.dma_semaphore, #tpu.memory_space<semaphore_mem>>)
    %dma_wait3A_84 = arith.constant 38 : i32
    %dma_wait3A_85 = arith.constant 0 : i32
    %dma_wait3A_86 = tpu.memref_slice %arg6[%dma_wait3A_84, %dma_wait3A_85] : memref<40x128xi32, #tpu.memory_space<vmem>> -> memref<1x128xi32, #tpu.memory_space<vmem>>
    %dma_wait3A_87 = tpu.memref_squeeze %dma_wait3A_86 : memref<1x128xi32, #tpu.memory_space<vmem>> -> memref<128xi32, #tpu.memory_space<vmem>>
    %dma_wait3A_88 = arith.constant 0 : i32
    %dma_wait3A_89 = arith.constant 0 : i32
    %dma_wait3A_90 = tpu.memref_slice %arg2[%dma_wait3A_88, %dma_wait3A_89] : memref<10000x128xf32, #tpu.memory_space<hbm>> -> memref<10000x128xf32, #tpu.memory_space<hbm>>
    tpu.wait_indirect_dma semaphore(%arg11 : memref<!tpu.dma_semaphore, #tpu.memory_space<semaphore_mem>>) src(%dma_wait3A_90 : memref<10000x128xf32, #tpu.memory_space<hbm>>) dst(%arg8 : memref<128x128xf32, #tpu.memory_space<vmem>>)
    %run_scoped3A_91 = arith.constant 38 : i32
    "tpu.region"() ({
      %run_scoped3A_101 = tpu.sem_alloc : memref<!tpu.dma_semaphore, #tpu.memory_space<semaphore_mem>>
      %dma_start3A_102 = arith.constant 0 : i32
      %dma_start3A_103 = tpu.memref_slice %arg7[%run_scoped3A_91, %dma_start3A_102] : memref<40x128xi32, #tpu.memory_space<vmem>> -> memref<1x128xi32, #tpu.memory_space<vmem>>
      %dma_start3A_104 = tpu.memref_squeeze %dma_start3A_103 : memref<1x128xi32, #tpu.memory_space<vmem>> -> memref<128xi32, #tpu.memory_space<vmem>>
      %dma_start3A_105 = arith.constant 0 : i32
      %dma_start3A_106 = arith.constant 0 : i32
      %dma_start3A_107 = tpu.memref_slice %arg10[%dma_start3A_105, %dma_start3A_106] : memref<10240x128xf32, #tpu.memory_space<vmem_shared>> -> memref<10240x128xf32, #tpu.memory_space<vmem_shared>>
      tpu.enqueue_indirect_dma source(%arg8 : memref<128x128xf32, #tpu.memory_space<vmem>>) target(%dma_start3A_107 : memref<10240x128xf32, #tpu.memory_space<vmem_shared>>) offsets(%dma_start3A_104 : memref<128xi32, #tpu.memory_space<vmem>>) semaphore(%run_scoped3A_101 : memref<!tpu.dma_semaphore, #tpu.memory_space<semaphore_mem>>) {add = true}
      %dma_wait3A_108 = arith.constant 0 : i32
      %dma_wait3A_109 = tpu.memref_slice %arg7[%run_scoped3A_91, %dma_wait3A_108] : memref<40x128xi32, #tpu.memory_space<vmem>> -> memref<1x128xi32, #tpu.memory_space<vmem>>
      %dma_wait3A_110 = tpu.memref_squeeze %dma_wait3A_109 : memref<1x128xi32, #tpu.memory_space<vmem>> -> memref<128xi32, #tpu.memory_space<vmem>>
      %dma_wait3A_111 = arith.constant 0 : i32
      %dma_wait3A_112 = arith.constant 0 : i32
      %dma_wait3A_113 = tpu.memref_slice %arg10[%dma_wait3A_111, %dma_wait3A_112] : memref<10240x128xf32, #tpu.memory_space<vmem_shared>> -> memref<10240x128xf32, #tpu.memory_space<vmem_shared>>
      tpu.wait_indirect_dma semaphore(%run_scoped3A_101 : memref<!tpu.dma_semaphore, #tpu.memory_space<semaphore_mem>>) src(%arg8 : memref<128x128xf32, #tpu.memory_space<vmem>>) dst(%dma_wait3A_113 : memref<10240x128xf32, #tpu.memory_space<vmem_shared>>)
      tpu.yield
    }) : () -> ()
    %dma_wait3A_92 = arith.constant 39 : i32
    %dma_wait3A_93 = arith.constant 0 : i32
    %dma_wait3A_94 = tpu.memref_slice %arg6[%dma_wait3A_92, %dma_wait3A_93] : memref<40x128xi32, #tpu.memory_space<vmem>> -> memref<1x128xi32, #tpu.memory_space<vmem>>
    %dma_wait3A_95 = tpu.memref_squeeze %dma_wait3A_94 : memref<1x128xi32, #tpu.memory_space<vmem>> -> memref<128xi32, #tpu.memory_space<vmem>>
    %dma_wait3A_96 = arith.constant 0 : i32
    %dma_wait3A_97 = arith.constant 0 : i32
    %dma_wait3A_98 = tpu.memref_slice %arg2[%dma_wait3A_96, %dma_wait3A_97] : memref<10000x128xf32, #tpu.memory_space<hbm>> -> memref<10000x128xf32, #tpu.memory_space<hbm>>
    tpu.wait_indirect_dma semaphore(%arg12 : memref<!tpu.dma_semaphore, #tpu.memory_space<semaphore_mem>>) src(%dma_wait3A_98 : memref<10000x128xf32, #tpu.memory_space<hbm>>) dst(%arg9 : memref<128x128xf32, #tpu.memory_space<vmem>>)
    %run_scoped3A_99 = arith.constant 39 : i32
    "tpu.region"() ({
      %run_scoped3A_101 = tpu.sem_alloc : memref<!tpu.dma_semaphore, #tpu.memory_space<semaphore_mem>>
      %dma_start3A_102 = arith.constant 0 : i32
      %dma_start3A_103 = tpu.memref_slice %arg7[%run_scoped3A_99, %dma_start3A_102] : memref<40x128xi32, #tpu.memory_space<vmem>> -> memref<1x128xi32, #tpu.memory_space<vmem>>
      %dma_start3A_104 = tpu.memref_squeeze %dma_start3A_103 : memref<1x128xi32, #tpu.memory_space<vmem>> -> memref<128xi32, #tpu.memory_space<vmem>>
      %dma_start3A_105 = arith.constant 0 : i32
      %dma_start3A_106 = arith.constant 0 : i32
      %dma_start3A_107 = tpu.memref_slice %arg10[%dma_start3A_105, %dma_start3A_106] : memref<10240x128xf32, #tpu.memory_space<vmem_shared>> -> memref<10240x128xf32, #tpu.memory_space<vmem_shared>>
      tpu.enqueue_indirect_dma source(%arg9 : memref<128x128xf32, #tpu.memory_space<vmem>>) target(%dma_start3A_107 : memref<10240x128xf32, #tpu.memory_space<vmem_shared>>) offsets(%dma_start3A_104 : memref<128xi32, #tpu.memory_space<vmem>>) semaphore(%run_scoped3A_101 : memref<!tpu.dma_semaphore, #tpu.memory_space<semaphore_mem>>) {add = true}
      %dma_wait3A_108 = arith.constant 0 : i32
      %dma_wait3A_109 = tpu.memref_slice %arg7[%run_scoped3A_99, %dma_wait3A_108] : memref<40x128xi32, #tpu.memory_space<vmem>> -> memref<1x128xi32, #tpu.memory_space<vmem>>
      %dma_wait3A_110 = tpu.memref_squeeze %dma_wait3A_109 : memref<1x128xi32, #tpu.memory_space<vmem>> -> memref<128xi32, #tpu.memory_space<vmem>>
      %dma_wait3A_111 = arith.constant 0 : i32
      %dma_wait3A_112 = arith.constant 0 : i32
      %dma_wait3A_113 = tpu.memref_slice %arg10[%dma_wait3A_111, %dma_wait3A_112] : memref<10240x128xf32, #tpu.memory_space<vmem_shared>> -> memref<10240x128xf32, #tpu.memory_space<vmem_shared>>
      tpu.wait_indirect_dma semaphore(%run_scoped3A_101 : memref<!tpu.dma_semaphore, #tpu.memory_space<semaphore_mem>>) src(%arg9 : memref<128x128xf32, #tpu.memory_space<vmem>>) dst(%dma_wait3A_113 : memref<10240x128xf32, #tpu.memory_space<vmem_shared>>)
      tpu.yield
    }) : () -> ()
    %barrier3A_100 = arith.constant 0 : index
    tpu.barrier barrier_id(%barrier3A_100)
    "tpu.region"() ({
      %run_scoped3A_101 = tpu.sem_alloc : memref<!tpu.dma_semaphore, #tpu.memory_space<semaphore_mem>>
      %dma_start3A_102 = arith.constant 0 : i32
      %dma_start3A_103 = tpu.memref_slice %arg5[%arg0, %mul3A_8, %dma_start3A_102] : memref<2x10240x128xf32, #tpu.memory_space<hbm>> -> memref<1x640x128xf32, #tpu.memory_space<hbm>>
      %dma_start3A_104 = tpu.memref_squeeze %dma_start3A_103 : memref<1x640x128xf32, #tpu.memory_space<hbm>> -> memref<640x128xf32, #tpu.memory_space<hbm>>
      %dma_start3A_105 = arith.constant 0 : i32
      %dma_start3A_106 = tpu.memref_slice %arg10[%mul3A_8, %dma_start3A_105] : memref<10240x128xf32, #tpu.memory_space<vmem_shared>> -> memref<640x128xf32, #tpu.memory_space<vmem_shared>>
      tpu.enqueue_dma source(%dma_start3A_106 : memref<640x128xf32, #tpu.memory_space<vmem_shared>>) target(%dma_start3A_104 : memref<640x128xf32, #tpu.memory_space<hbm>>) target_semaphore(%run_scoped3A_101 : memref<!tpu.dma_semaphore, #tpu.memory_space<semaphore_mem>>)
      %dma_wait3A_107 = arith.constant 0 : i32
      %dma_wait3A_108 = tpu.memref_slice %arg5[%arg0, %mul3A_8, %dma_wait3A_107] : memref<2x10240x128xf32, #tpu.memory_space<hbm>> -> memref<1x640x128xf32, #tpu.memory_space<hbm>>
      %dma_wait3A_109 = tpu.memref_squeeze %dma_wait3A_108 : memref<1x640x128xf32, #tpu.memory_space<hbm>> -> memref<640x128xf32, #tpu.memory_space<hbm>>
      %dma_wait3A_110 = arith.constant 0 : i32
      %dma_wait3A_111 = tpu.memref_slice %arg10[%mul3A_8, %dma_wait3A_110] : memref<10240x128xf32, #tpu.memory_space<vmem_shared>> -> memref<640x128xf32, #tpu.memory_space<vmem_shared>>
      tpu.wait_dma2 semaphore(%run_scoped3A_101 : memref<!tpu.dma_semaphore, #tpu.memory_space<semaphore_mem>>) src(%dma_wait3A_111 : memref<640x128xf32, #tpu.memory_space<vmem_shared>>) dst(%dma_wait3A_109 : memref<640x128xf32, #tpu.memory_space<hbm>>)
      tpu.yield
    }) : () -> ()
    return
  }
}

module attributes {stable_mosaic.version = 14 : i64} {
  func.func @body(%arg0: memref<2x10240x128xf32, #tpu.memory_space<vmem>>, %arg1: memref<4x128xf32, #tpu.memory_space<vmem>>, %arg2: memref<10000x128xf32, #tpu.memory_space<vmem>>, %arg3: memref<10000x128xf32, #tpu.memory_space<vmem>>) attributes {dimension_semantics = [], scalar_prefetch = 0 : i64, scratch_operands = 0 : i64, tpu.core_type = #tpu.core_type<tc>} {
    %get3A = arith.constant 0 : index
    %get3A_0 = arith.constant 0 : index
    %get3A_1 = arith.constant 0 : index
    %get3A_2 = vector.load %arg0[%get3A, %get3A_0, %get3A_1] : memref<2x10240x128xf32, #tpu.memory_space<vmem>>, vector<1x10240x128xf32>
    %get3A_3 = vector.shape_cast %get3A_2 : vector<1x10240x128xf32> to vector<10240x128xf32>
    %get3A_4 = arith.constant 1 : index
    %get3A_5 = arith.constant 0 : index
    %get3A_6 = arith.constant 0 : index
    %get3A_7 = vector.load %arg0[%get3A_4, %get3A_5, %get3A_6] : memref<2x10240x128xf32, #tpu.memory_space<vmem>>, vector<1x10240x128xf32>
    %get3A_8 = vector.shape_cast %get3A_7 : vector<1x10240x128xf32> to vector<10240x128xf32>
    %add3A = arith.addf %get3A_3, %get3A_8 : vector<10240x128xf32>
    %iota3A = tpu.iota {dimensions = array<i32: 0>} : vector<10240x1xi32>
    %slice3A = vector.extract_strided_slice %add3A {offsets = [0, 0], sizes = [10240, 1], strides = [1, 1]} : vector<10240x128xf32> to vector<10240x1xf32>
    %lt3A = arith.constant 7680 : i32
    %lt3A_9 = vector.broadcast %lt3A : i32 to vector<10240x1xi32>
    %lt3A_10 = arith.cmpi slt, %iota3A, %lt3A_9 : vector<10240x1xi32>
    %convert_element_type3A = arith.extui %lt3A_10 : vector<10240x1xi1> to vector<10240x1xi32>
    %convert_element_type3A_11 = arith.sitofp %convert_element_type3A : vector<10240x1xi32> to vector<10240x1xf32>
    %sub3A = arith.subf %slice3A, %convert_element_type3A_11 : vector<10240x1xf32>
    %slice3A_12 = vector.extract_strided_slice %add3A {offsets = [0, 64], sizes = [10240, 1], strides = [1, 1]} : vector<10240x128xf32> to vector<10240x1xf32>
    %lt3A_13 = arith.constant 10000 : i32
    %lt3A_14 = vector.broadcast %lt3A_13 : i32 to vector<10240x1xi32>
    %lt3A_15 = arith.cmpi slt, %iota3A, %lt3A_14 : vector<10240x1xi32>
    %scan3A = arith.constant 0 : i32
    %scan3A_16 = arith.constant 320000 : i32
    %scan3A_17 = arith.constant 0 : i32
    %scan3A_18 = arith.constant 19 : i32
    %scan3A_19 = arith.addi %scan3A_17, %scan3A_18 : i32
    %scan3A_20 = arith.constant 1 : i32
    %scan3A_21:2 = scf.for %scan3A_78 = %scan3A_17 to %scan3A_19 step %scan3A_20 iter_args(%scan3A_79 = %scan3A, %scan3A_80 = %scan3A_16) -> (i32, i32)  : i32 {
      %add3A_81 = arith.addi %scan3A_79, %scan3A_80 : i32
      %jit3A = arith.constant 2 : i32
      %div3A_82 = arith.divsi %add3A_81, %jit3A : i32
      %sign3A = arith.constant 0 : i32
      %sign3A_83 = arith.cmpi sgt, %add3A_81, %sign3A : i32
      %sign3A_84 = arith.extui %sign3A_83 : i1 to i32
      %sign3A_85 = arith.constant 0 : i32
      %sign3A_86 = arith.cmpi slt, %add3A_81, %sign3A_85 : i32
      %sign3A_87 = arith.extui %sign3A_86 : i1 to i32
      %sign3A_88 = arith.subi %sign3A_84, %sign3A_87 : i32
      %sign3A_89 = arith.constant 0 : i32
      %sign3A_90 = arith.cmpi sgt, %jit3A, %sign3A_89 : i32
      %sign3A_91 = arith.extui %sign3A_90 : i1 to i32
      %sign3A_92 = arith.constant 0 : i32
      %sign3A_93 = arith.cmpi slt, %jit3A, %sign3A_92 : i32
      %sign3A_94 = arith.extui %sign3A_93 : i1 to i32
      %sign3A_95 = arith.subi %sign3A_91, %sign3A_94 : i32
      %ne3A = arith.cmpi ne, %sign3A_88, %sign3A_95 : i32
      %rem3A = arith.remsi %add3A_81, %jit3A : i32
      %ne3A_96 = arith.constant 0 : i32
      %ne3A_97 = arith.cmpi ne, %rem3A, %ne3A_96 : i32
      %and3A = arith.andi %ne3A, %ne3A_97 : i1
      %sub3A_98 = arith.constant 1 : i32
      %sub3A_99 = arith.subi %div3A_82, %sub3A_98 : i32
      %select_n3A = arith.select %and3A, %sub3A_99, %div3A_82 : i32
      %convert_element_type3A_100 = arith.sitofp %select_n3A : i32 to f32
      %le3A = vector.broadcast %convert_element_type3A_100 : f32 to vector<10240x1xf32>
      %le3A_101 = arith.cmpf ole, %sub3A, %le3A : vector<10240x1xf32>
      %and3A_102 = arith.andi %lt3A_15, %le3A_101 : vector<10240x1xi1>
      %jit3A_103 = arith.constant 1.000000e+00 : f32
      %jit3A_104 = arith.constant 0.000000e+00 : f32
      %broadcast_in_dim3A_105 = vector.broadcast %jit3A_103 : f32 to vector<10240x1xf32>
      %broadcast_in_dim3A_106 = vector.broadcast %jit3A_104 : f32 to vector<10240x1xf32>
      %select_n3A_107 = arith.select %and3A_102, %broadcast_in_dim3A_105, %broadcast_in_dim3A_106 : vector<10240x1xi1>, vector<10240x1xf32>
      %reduce_sum3A = vector.shape_cast %select_n3A_107 : vector<10240x1xf32> to vector<1x10240x1xf32>
      %reduce_sum3A_108 = arith.constant dense<0.000000e+00> : vector<1xf32>
      %reduce_sum3A_109 = vector.multi_reduction <add>, %reduce_sum3A, %reduce_sum3A_108 [1, 2] : vector<1x10240x1xf32> to vector<1xf32>
      %reduce_sum3A_110 = vector.shape_cast %reduce_sum3A_109 : vector<1xf32> to vector<1x1x1xf32>
      %reduce_sum3A_111 = vector.extract %reduce_sum3A_110[0, 0, 0] : f32 from vector<1x1x1xf32>
      %ge3A = arith.constant 5.000000e+03 : f32
      %ge3A_112 = arith.cmpf oge, %reduce_sum3A_111, %ge3A : f32
      %add3A_113 = arith.constant 1 : i32
      %add3A_114 = arith.addi %select_n3A, %add3A_113 : i32
      %select_n3A_115 = arith.select %ge3A_112, %scan3A_79, %add3A_114 : i32
      %select_n3A_116 = arith.select %ge3A_112, %select_n3A, %scan3A_80 : i32
      scf.yield %select_n3A_115, %select_n3A_116 : i32, i32
    }
    %convert_element_type3A_22 = arith.sitofp %scan3A_21#0 : i32 to f32
    %slice3A_23 = vector.extract_strided_slice %sub3A {offsets = [0, 0], sizes = [10000, 1], strides = [1, 1]} : vector<10240x1xf32> to vector<10000x1xf32>
    %slice3A_24 = vector.extract_strided_slice %slice3A_12 {offsets = [0, 0], sizes = [10000, 1], strides = [1, 1]} : vector<10240x1xf32> to vector<10000x1xf32>
    %div3A = arith.constant 3.200000e+01 : f32
    %div3A_25 = vector.broadcast %div3A : f32 to vector<10000x1xf32>
    %div3A_26 = arith.divf %slice3A_23, %div3A_25 : vector<10000x1xf32>
    %add3A_27 = arith.constant 1.000000e+00 : f32
    %add3A_28 = vector.broadcast %add3A_27 : f32 to vector<10000x1xf32>
    %add3A_29 = arith.addf %add3A_28, %slice3A_23 : vector<10000x1xf32>
    %log3A = math.log %add3A_29 : vector<10000x1xf32>
    %max3A = arith.constant 1.000000e+00 : f32
    %max3A_30 = vector.broadcast %max3A : f32 to vector<10000x1xf32>
    %max3A_31 = arith.maximumf %slice3A_23, %max3A_30 : vector<10000x1xf32>
    %sqrt3A = math.sqrt %max3A_31 : vector<10000x1xf32>
    %div3A_32 = arith.constant 1.000000e+00 : f32
    %div3A_33 = vector.broadcast %div3A_32 : f32 to vector<10000x1xf32>
    %div3A_34 = arith.divf %div3A_33, %sqrt3A : vector<10000x1xf32>
    %gt3A = vector.broadcast %convert_element_type3A_22 : f32 to vector<10000x1xf32>
    %gt3A_35 = arith.cmpf ogt, %slice3A_23, %gt3A : vector<10000x1xf32>
    %convert_element_type3A_36 = arith.extui %gt3A_35 : vector<10000x1xi1> to vector<10000x1xi32>
    %convert_element_type3A_37 = arith.sitofp %convert_element_type3A_36 : vector<10000x1xi32> to vector<10000x1xf32>
    %get3A_38 = arith.constant 0 : index
    %get3A_39 = arith.constant 0 : index
    %get3A_40 = vector.load %arg1[%get3A_38, %get3A_39] : memref<4x128xf32, #tpu.memory_space<vmem>>, vector<4x128xf32>
    %slice3A_41 = vector.extract_strided_slice %get3A_40 {offsets = [0, 0], sizes = [1, 128], strides = [1, 1]} : vector<4x128xf32> to vector<1x128xf32>
    %mul3A = vector.broadcast %div3A_26 : vector<10000x1xf32> to vector<10000x128xf32>
    %mul3A_42 = vector.broadcast %slice3A_41 : vector<1x128xf32> to vector<10000x128xf32>
    %mul3A_43 = arith.mulf %mul3A, %mul3A_42 : vector<10000x128xf32>
    %slice3A_44 = vector.extract_strided_slice %get3A_40 {offsets = [1, 0], sizes = [1, 128], strides = [1, 1]} : vector<4x128xf32> to vector<1x128xf32>
    %mul3A_45 = vector.broadcast %log3A : vector<10000x1xf32> to vector<10000x128xf32>
    %mul3A_46 = vector.broadcast %slice3A_44 : vector<1x128xf32> to vector<10000x128xf32>
    %mul3A_47 = arith.mulf %mul3A_45, %mul3A_46 : vector<10000x128xf32>
    %add3A_48 = arith.addf %mul3A_43, %mul3A_47 : vector<10000x128xf32>
    %slice3A_49 = vector.extract_strided_slice %get3A_40 {offsets = [2, 0], sizes = [1, 128], strides = [1, 1]} : vector<4x128xf32> to vector<1x128xf32>
    %mul3A_50 = vector.broadcast %div3A_34 : vector<10000x1xf32> to vector<10000x128xf32>
    %mul3A_51 = vector.broadcast %slice3A_49 : vector<1x128xf32> to vector<10000x128xf32>
    %mul3A_52 = arith.mulf %mul3A_50, %mul3A_51 : vector<10000x128xf32>
    %add3A_53 = arith.addf %add3A_48, %mul3A_52 : vector<10000x128xf32>
    %slice3A_54 = vector.extract_strided_slice %get3A_40 {offsets = [3, 0], sizes = [1, 128], strides = [1, 1]} : vector<4x128xf32> to vector<1x128xf32>
    %mul3A_55 = vector.broadcast %convert_element_type3A_37 : vector<10000x1xf32> to vector<10000x128xf32>
    %mul3A_56 = vector.broadcast %slice3A_54 : vector<1x128xf32> to vector<10000x128xf32>
    %mul3A_57 = arith.mulf %mul3A_55, %mul3A_56 : vector<10000x128xf32>
    %add3A_58 = arith.addf %add3A_53, %mul3A_57 : vector<10000x128xf32>
    %swap3A = arith.constant 0 : index
    %swap3A_59 = arith.constant 0 : index
    %swap3A_60 = vector.load %arg2[%swap3A, %swap3A_59] : memref<10000x128xf32, #tpu.memory_space<vmem>>, vector<10000x128xf32>
    tpu.vector_store %arg2[%swap3A, %swap3A_59], %add3A_58 {strides = array<i32>} : memref<10000x128xf32, #tpu.memory_space<vmem>>, vector<10000x128xf32>,
    %add3A_61 = arith.constant 1.000000e+00 : f32
    %add3A_62 = vector.broadcast %add3A_61 : f32 to vector<10000x1xf32>
    %add3A_63 = arith.addf %slice3A_24, %add3A_62 : vector<10000x1xf32>
    %sqrt3A_64 = math.sqrt %add3A_63 : vector<10000x1xf32>
    %div3A_65 = arith.constant 1.000000e+00 : f32
    %div3A_66 = vector.broadcast %div3A_65 : f32 to vector<10000x1xf32>
    %div3A_67 = arith.divf %div3A_66, %sqrt3A_64 : vector<10000x1xf32>
    %max3A_68 = arith.constant 1.000000e+00 : f32
    %max3A_69 = vector.broadcast %max3A_68 : f32 to vector<10000x1xf32>
    %max3A_70 = arith.maximumf %slice3A_24, %max3A_69 : vector<10000x1xf32>
    %div3A_71 = arith.constant 1.000000e+00 : f32
    %div3A_72 = vector.broadcast %div3A_71 : f32 to vector<10000x1xf32>
    %div3A_73 = arith.divf %div3A_72, %max3A_70 : vector<10000x1xf32>
    %broadcast_in_dim3A = arith.constant 0.000000e+00 : f32
    %broadcast_in_dim3A_74 = vector.broadcast %broadcast_in_dim3A : f32 to vector<10000x126xf32>
    %concatenate3A = tpu.concatenate %div3A_67, %div3A_73, %broadcast_in_dim3A_74 in 1 : vector<10000x1xf32>, vector<10000x1xf32>, vector<10000x126xf32> -> vector<10000x128xf32>
    %swap3A_75 = arith.constant 0 : index
    %swap3A_76 = arith.constant 0 : index
    %swap3A_77 = vector.load %arg3[%swap3A_75, %swap3A_76] : memref<10000x128xf32, #tpu.memory_space<vmem>>, vector<10000x128xf32>
    tpu.vector_store %arg3[%swap3A_75, %swap3A_76], %concatenate3A {strides = array<i32>} : memref<10000x128xf32, #tpu.memory_space<vmem>>, vector<10000x128xf32>,
    return
  }
}

module attributes {stable_mosaic.version = 14 : i64} {
  func.func @body(%arg0: i32, %arg1: memref<2000x128xf32, #tpu.memory_space<vmem>>, %arg2: memref<2000x128xf32, #tpu.memory_space<vmem>>, %arg3: memref<2000x128xf32, #tpu.memory_space<vmem>>, %arg4: memref<128x128xf32, #tpu.memory_space<vmem>>, %arg5: memref<1x128xf32, #tpu.memory_space<vmem>>, %arg6: memref<1x128xf32, #tpu.memory_space<vmem>>, %arg7: memref<1x128xf32, #tpu.memory_space<vmem>>, %arg8: memref<128x128xf32, #tpu.memory_space<vmem>>, %arg9: memref<1x128xf32, #tpu.memory_space<vmem>>, %arg10: memref<128x128xf32, #tpu.memory_space<vmem>>, %arg11: memref<2000x128xf32, #tpu.memory_space<vmem>>, %arg12: memref<2000x128xf32, #tpu.memory_space<vmem>>) attributes {dimension_semantics = [#tpu.dimension_semantics<arbitrary>], iteration_bounds = array<i64: 5>, scalar_prefetch = 0 : i64, scratch_operands = 0 : i64, tpu.core_type = #tpu.core_type<tc>, window_params = [{transform_indices = @transform_0, window_bounds = array<i64: 2000, 128>}, {transform_indices = @transform_1, window_bounds = array<i64: 2000, 128>}, {transform_indices = @transform_2, window_bounds = array<i64: 2000, 128>}, {pipeline_mode = #tpu.pipeline_mode<synchronous>, transform_indices = @transform_3, window_bounds = array<i64: 128, 128>}, {pipeline_mode = #tpu.pipeline_mode<synchronous>, transform_indices = @transform_4, window_bounds = array<i64: 1, 128>}, {pipeline_mode = #tpu.pipeline_mode<synchronous>, transform_indices = @transform_5, window_bounds = array<i64: 1, 128>}, {pipeline_mode = #tpu.pipeline_mode<synchronous>, transform_indices = @transform_6, window_bounds = array<i64: 1, 128>}, {pipeline_mode = #tpu.pipeline_mode<synchronous>, transform_indices = @transform_7, window_bounds = array<i64: 128, 128>}, {pipeline_mode = #tpu.pipeline_mode<synchronous>, transform_indices = @transform_8, window_bounds = array<i64: 1, 128>}, {pipeline_mode = #tpu.pipeline_mode<synchronous>, transform_indices = @transform_9, window_bounds = array<i64: 128, 128>}, {transform_indices = @transform_10, window_bounds = array<i64: 2000, 128>}, {transform_indices = @transform_11, window_bounds = array<i64: 2000, 128>}]} {
    %get3A = arith.constant 0 : index
    %get3A_0 = arith.constant 0 : index
    %get3A_1 = vector.load %arg1[%get3A, %get3A_0] : memref<2000x128xf32, #tpu.memory_space<vmem>>, vector<2000x128xf32>
    %mul3A = arith.mulf %get3A_1, %get3A_1 : vector<2000x128xf32>
    %reduce_sum3A = arith.constant dense<0.000000e+00> : vector<2000xf32>
    %reduce_sum3A_2 = vector.multi_reduction <add>, %mul3A, %reduce_sum3A [1] : vector<2000x128xf32> to vector<2000xf32>
    %broadcast_in_dim3A = vector.shape_cast %reduce_sum3A_2 : vector<2000xf32> to vector<2000x1xf32>
    %sqrt3A = math.sqrt %broadcast_in_dim3A : vector<2000x1xf32>
    %max3A = arith.constant 9.99999996E-13 : f32
    %max3A_3 = vector.broadcast %max3A : f32 to vector<2000x1xf32>
    %max3A_4 = arith.maximumf %sqrt3A, %max3A_3 : vector<2000x1xf32>
    %div3A = vector.broadcast %max3A_4 : vector<2000x1xf32> to vector<2000x128xf32>
    %div3A_5 = arith.divf %get3A_1, %div3A : vector<2000x128xf32>
    %get3A_6 = arith.constant 0 : index
    %get3A_7 = arith.constant 0 : index
    %get3A_8 = vector.load %arg4[%get3A_6, %get3A_7] : memref<128x128xf32, #tpu.memory_space<vmem>>, vector<128x128xf32>
    %dot_general3A = arith.constant dense<0.000000e+00> : vector<2000x128xf32>
    %dot_general3A_9 = tpu.matmul %div3A_5, %get3A_8, %dot_general3A {dimension_numbers = #tpu.dot_dimension_numbers<[1], [0], [0], [1], [0, 0, 1, 1], [], []>, transpose_lhs_hint = false} : vector<2000x128xf32>, vector<128x128xf32>, vector<2000x128xf32> -> vector<2000x128xf32>
    %get3A_10 = arith.constant 0 : index
    %get3A_11 = arith.constant 0 : index
    %get3A_12 = vector.load %arg2[%get3A_10, %get3A_11] : memref<2000x128xf32, #tpu.memory_space<vmem>>, vector<2000x128xf32>
    %add3A = arith.addf %dot_general3A_9, %get3A_12 : vector<2000x128xf32>
    %get3A_13 = arith.constant 0 : index
    %get3A_14 = arith.constant 0 : index
    %get3A_15 = vector.load %arg5[%get3A_13, %get3A_14] : memref<1x128xf32, #tpu.memory_space<vmem>>, vector<1x128xf32>
    %add3A_16 = vector.broadcast %get3A_15 : vector<1x128xf32> to vector<2000x128xf32>
    %add3A_17 = arith.addf %add3A, %add3A_16 : vector<2000x128xf32>
    %get3A_18 = arith.constant 0 : index
    %get3A_19 = arith.constant 0 : index
    %get3A_20 = vector.load %arg6[%get3A_18, %get3A_19] : memref<1x128xf32, #tpu.memory_space<vmem>>, vector<1x128xf32>
    %get3A_21 = arith.constant 0 : index
    %get3A_22 = arith.constant 0 : index
    %get3A_23 = vector.load %arg7[%get3A_21, %get3A_22] : memref<1x128xf32, #tpu.memory_space<vmem>>, vector<1x128xf32>
    %reduce_sum3A_24 = arith.constant dense<0.000000e+00> : vector<2000xf32>
    %reduce_sum3A_25 = vector.multi_reduction <add>, %add3A_17, %reduce_sum3A_24 [1] : vector<2000x128xf32> to vector<2000xf32>
    %broadcast_in_dim3A_26 = vector.shape_cast %reduce_sum3A_25 : vector<2000xf32> to vector<2000x1xf32>
    %div3A_27 = arith.constant 1.280000e+02 : f32
    %div3A_28 = vector.broadcast %div3A_27 : f32 to vector<2000x1xf32>
    %div3A_29 = arith.divf %broadcast_in_dim3A_26, %div3A_28 : vector<2000x1xf32>
    %sub3A = vector.broadcast %div3A_29 : vector<2000x1xf32> to vector<2000x128xf32>
    %sub3A_30 = arith.subf %add3A_17, %sub3A : vector<2000x128xf32>
    %integer_pow3A = arith.mulf %sub3A_30, %sub3A_30 : vector<2000x128xf32>
    %reduce_sum3A_31 = arith.constant dense<0.000000e+00> : vector<2000xf32>
    %reduce_sum3A_32 = vector.multi_reduction <add>, %integer_pow3A, %reduce_sum3A_31 [1] : vector<2000x128xf32> to vector<2000xf32>
    %broadcast_in_dim3A_33 = vector.shape_cast %reduce_sum3A_32 : vector<2000xf32> to vector<2000x1xf32>
    %div3A_34 = arith.constant 1.280000e+02 : f32
    %div3A_35 = vector.broadcast %div3A_34 : f32 to vector<2000x1xf32>
    %div3A_36 = arith.divf %broadcast_in_dim3A_33, %div3A_35 : vector<2000x1xf32>
    %sub3A_37 = vector.broadcast %div3A_29 : vector<2000x1xf32> to vector<2000x128xf32>
    %sub3A_38 = arith.subf %add3A_17, %sub3A_37 : vector<2000x128xf32>
    %add3A_39 = arith.constant 9.99999974E-6 : f32
    %add3A_40 = vector.broadcast %add3A_39 : f32 to vector<2000x1xf32>
    %add3A_41 = arith.addf %div3A_36, %add3A_40 : vector<2000x1xf32>
    %sqrt3A_42 = math.sqrt %add3A_41 : vector<2000x1xf32>
    %div3A_43 = vector.broadcast %sqrt3A_42 : vector<2000x1xf32> to vector<2000x128xf32>
    %div3A_44 = arith.divf %sub3A_38, %div3A_43 : vector<2000x128xf32>
    %mul3A_45 = vector.broadcast %get3A_20 : vector<1x128xf32> to vector<2000x128xf32>
    %mul3A_46 = arith.mulf %div3A_44, %mul3A_45 : vector<2000x128xf32>
    %add3A_47 = vector.broadcast %get3A_23 : vector<1x128xf32> to vector<2000x128xf32>
    %add3A_48 = arith.addf %mul3A_46, %add3A_47 : vector<2000x128xf32>
    %max3A_49 = arith.constant 0.000000e+00 : f32
    %max3A_50 = vector.broadcast %max3A_49 : f32 to vector<2000x128xf32>
    %max3A_51 = arith.maximumf %add3A_48, %max3A_50 : vector<2000x128xf32>
    %get3A_52 = arith.constant 0 : index
    %get3A_53 = arith.constant 0 : index
    %get3A_54 = vector.load %arg8[%get3A_52, %get3A_53] : memref<128x128xf32, #tpu.memory_space<vmem>>, vector<128x128xf32>
    %dot_general3A_55 = arith.constant dense<0.000000e+00> : vector<2000x128xf32>
    %dot_general3A_56 = tpu.matmul %max3A_51, %get3A_54, %dot_general3A_55 {dimension_numbers = #tpu.dot_dimension_numbers<[1], [0], [0], [1], [0, 0, 1, 1], [], []>, transpose_lhs_hint = false} : vector<2000x128xf32>, vector<128x128xf32>, vector<2000x128xf32> -> vector<2000x128xf32>
    %get3A_57 = arith.constant 0 : index
    %get3A_58 = arith.constant 0 : index
    %get3A_59 = vector.load %arg9[%get3A_57, %get3A_58] : memref<1x128xf32, #tpu.memory_space<vmem>>, vector<1x128xf32>
    %add3A_60 = vector.broadcast %get3A_59 : vector<1x128xf32> to vector<2000x128xf32>
    %add3A_61 = arith.addf %dot_general3A_56, %add3A_60 : vector<2000x128xf32>
    %get3A_62 = arith.constant 0 : index
    %get3A_63 = arith.constant 0 : index
    %get3A_64 = vector.load %arg10[%get3A_62, %get3A_63] : memref<128x128xf32, #tpu.memory_space<vmem>>, vector<128x128xf32>
    %dot_general3A_65 = arith.constant dense<0.000000e+00> : vector<2000x128xf32>
    %dot_general3A_66 = tpu.matmul %add3A_61, %get3A_64, %dot_general3A_65 {dimension_numbers = #tpu.dot_dimension_numbers<[1], [0], [0], [1], [0, 0, 1, 1], [], []>, transpose_lhs_hint = false} : vector<2000x128xf32>, vector<128x128xf32>, vector<2000x128xf32> -> vector<2000x128xf32>
    %swap3A = arith.constant 0 : index
    %swap3A_67 = arith.constant 0 : index
    %swap3A_68 = vector.load %arg11[%swap3A, %swap3A_67] : memref<2000x128xf32, #tpu.memory_space<vmem>>, vector<2000x128xf32>
    tpu.vector_store %arg11[%swap3A, %swap3A_67], %add3A_61 {strides = array<i32>} : memref<2000x128xf32, #tpu.memory_space<vmem>>, vector<2000x128xf32>,
    %get3A_69 = arith.constant 0 : index
    %get3A_70 = arith.constant 0 : index
    %get3A_71 = vector.load %arg3[%get3A_69, %get3A_70] : memref<2000x128xf32, #tpu.memory_space<vmem>>, vector<2000x1xf32>
    %mul3A_72 = vector.broadcast %get3A_71 : vector<2000x1xf32> to vector<2000x128xf32>
    %mul3A_73 = arith.mulf %dot_general3A_66, %mul3A_72 : vector<2000x128xf32>
    %swap3A_74 = arith.constant 0 : index
    %swap3A_75 = arith.constant 0 : index
    %swap3A_76 = vector.load %arg12[%swap3A_74, %swap3A_75] : memref<2000x128xf32, #tpu.memory_space<vmem>>, vector<2000x128xf32>
    tpu.vector_store %arg12[%swap3A_74, %swap3A_75], %mul3A_73 {strides = array<i32>} : memref<2000x128xf32, #tpu.memory_space<vmem>>, vector<2000x128xf32>,
    return
  }
  func.func @transform_0(%arg0: i32) -> (i32, i32) {
    %c0_i32 = arith.constant 0 : i32
    %c0_i32_0 = arith.constant 0 : i32
    return %arg0, %c0_i32 : i32, i32
  }
  func.func @transform_1(%arg0: i32) -> (i32, i32) {
    %c0_i32 = arith.constant 0 : i32
    %c0_i32_0 = arith.constant 0 : i32
    return %arg0, %c0_i32 : i32, i32
  }
  func.func @transform_2(%arg0: i32) -> (i32, i32) {
    %c0_i32 = arith.constant 0 : i32
    %c0_i32_0 = arith.constant 0 : i32
    return %arg0, %c0_i32 : i32, i32
  }
  func.func @transform_3(%arg0: i32) -> (i32, i32) {
    %c0_i32 = arith.constant 0 : i32
    %c0_i32_0 = arith.constant 0 : i32
    %c0_i32_1 = arith.constant 0 : i32
    return %c0_i32, %c0_i32_0 : i32, i32
  }
  func.func @transform_4(%arg0: i32) -> (i32, i32) {
    %c0_i32 = arith.constant 0 : i32
    %c0_i32_0 = arith.constant 0 : i32
    %c0_i32_1 = arith.constant 0 : i32
    return %c0_i32, %c0_i32_0 : i32, i32
  }
  func.func @transform_5(%arg0: i32) -> (i32, i32) {
    %c0_i32 = arith.constant 0 : i32
    %c0_i32_0 = arith.constant 0 : i32
    %c0_i32_1 = arith.constant 0 : i32
    return %c0_i32, %c0_i32_0 : i32, i32
  }
  func.func @transform_6(%arg0: i32) -> (i32, i32) {
    %c0_i32 = arith.constant 0 : i32
    %c0_i32_0 = arith.constant 0 : i32
    %c0_i32_1 = arith.constant 0 : i32
    return %c0_i32, %c0_i32_0 : i32, i32
  }
  func.func @transform_7(%arg0: i32) -> (i32, i32) {
    %c0_i32 = arith.constant 0 : i32
    %c0_i32_0 = arith.constant 0 : i32
    %c0_i32_1 = arith.constant 0 : i32
    return %c0_i32, %c0_i32_0 : i32, i32
  }
  func.func @transform_8(%arg0: i32) -> (i32, i32) {
    %c0_i32 = arith.constant 0 : i32
    %c0_i32_0 = arith.constant 0 : i32
    %c0_i32_1 = arith.constant 0 : i32
    return %c0_i32, %c0_i32_0 : i32, i32
  }
  func.func @transform_9(%arg0: i32) -> (i32, i32) {
    %c0_i32 = arith.constant 0 : i32
    %c0_i32_0 = arith.constant 0 : i32
    %c0_i32_1 = arith.constant 0 : i32
    return %c0_i32, %c0_i32_0 : i32, i32
  }
  func.func @transform_10(%arg0: i32) -> (i32, i32) {
    %c0_i32 = arith.constant 0 : i32
    %c0_i32_0 = arith.constant 0 : i32
    return %arg0, %c0_i32 : i32, i32
  }
  func.func @transform_11(%arg0: i32) -> (i32, i32) {
    %c0_i32 = arith.constant 0 : i32
    %c0_i32_0 = arith.constant 0 : i32
    return %arg0, %c0_i32 : i32, i32
  }
}

module attributes {stable_mosaic.version = 14 : i64} {
  func.func @body(%arg0: i32, %arg1: memref<2000x128xf32, #tpu.memory_space<vmem>>, %arg2: memref<2000x128xf32, #tpu.memory_space<vmem>>, %arg3: memref<2x2000x128xf32, #tpu.memory_space<vmem>>, %arg4: memref<2000x128xf32, #tpu.memory_space<vmem>>, %arg5: memref<1x128xf32, #tpu.memory_space<vmem>>, %arg6: memref<1x128xf32, #tpu.memory_space<vmem>>, %arg7: memref<1x128xf32, #tpu.memory_space<vmem>>, %arg8: memref<128x128xf32, #tpu.memory_space<vmem>>, %arg9: memref<1x128xf32, #tpu.memory_space<vmem>>, %arg10: memref<2000x128xf32, #tpu.memory_space<vmem>>, %arg11: memref<2000x128xf32, #tpu.memory_space<vmem>>) attributes {dimension_semantics = [#tpu.dimension_semantics<arbitrary>], iteration_bounds = array<i64: 5>, scalar_prefetch = 0 : i64, scratch_operands = 0 : i64, tpu.core_type = #tpu.core_type<tc>, window_params = [{transform_indices = @transform_0, window_bounds = array<i64: 2000, 128>}, {transform_indices = @transform_1, window_bounds = array<i64: 2000, 128>}, {transform_indices = @transform_2, window_bounds = array<i64: 2, 2000, 128>}, {transform_indices = @transform_3, window_bounds = array<i64: 2000, 128>}, {pipeline_mode = #tpu.pipeline_mode<synchronous>, transform_indices = @transform_4, window_bounds = array<i64: 1, 128>}, {pipeline_mode = #tpu.pipeline_mode<synchronous>, transform_indices = @transform_5, window_bounds = array<i64: 1, 128>}, {pipeline_mode = #tpu.pipeline_mode<synchronous>, transform_indices = @transform_6, window_bounds = array<i64: 1, 128>}, {pipeline_mode = #tpu.pipeline_mode<synchronous>, transform_indices = @transform_7, window_bounds = array<i64: 128, 128>}, {pipeline_mode = #tpu.pipeline_mode<synchronous>, transform_indices = @transform_8, window_bounds = array<i64: 1, 128>}, {transform_indices = @transform_9, window_bounds = array<i64: 2000, 128>}, {transform_indices = @transform_10, window_bounds = array<i64: 2000, 128>}]} {
    %get3A = arith.constant 0 : index
    %get3A_0 = arith.constant 0 : index
    %get3A_1 = arith.constant 0 : index
    %get3A_2 = vector.load %arg3[%get3A, %get3A_0, %get3A_1] : memref<2x2000x128xf32, #tpu.memory_space<vmem>>, vector<1x2000x128xf32>
    %get3A_3 = vector.shape_cast %get3A_2 : vector<1x2000x128xf32> to vector<2000x128xf32>
    %get3A_4 = arith.constant 1 : index
    %get3A_5 = arith.constant 0 : index
    %get3A_6 = arith.constant 0 : index
    %get3A_7 = vector.load %arg3[%get3A_4, %get3A_5, %get3A_6] : memref<2x2000x128xf32, #tpu.memory_space<vmem>>, vector<1x2000x128xf32>
    %get3A_8 = vector.shape_cast %get3A_7 : vector<1x2000x128xf32> to vector<2000x128xf32>
    %add3A = arith.addf %get3A_3, %get3A_8 : vector<2000x128xf32>
    %get3A_9 = arith.constant 0 : index
    %get3A_10 = arith.constant 0 : index
    %get3A_11 = vector.load %arg2[%get3A_9, %get3A_10] : memref<2000x128xf32, #tpu.memory_space<vmem>>, vector<2000x128xf32>
    %add3A_12 = arith.addf %add3A, %get3A_11 : vector<2000x128xf32>
    %get3A_13 = arith.constant 0 : index
    %get3A_14 = arith.constant 0 : index
    %get3A_15 = vector.load %arg4[%get3A_13, %get3A_14] : memref<2000x128xf32, #tpu.memory_space<vmem>>, vector<2000x1xf32>
    %mul3A = vector.broadcast %get3A_15 : vector<2000x1xf32> to vector<2000x128xf32>
    %mul3A_16 = arith.mulf %add3A_12, %mul3A : vector<2000x128xf32>
    %get3A_17 = arith.constant 0 : index
    %get3A_18 = arith.constant 0 : index
    %get3A_19 = vector.load %arg5[%get3A_17, %get3A_18] : memref<1x128xf32, #tpu.memory_space<vmem>>, vector<1x128xf32>
    %add3A_20 = vector.broadcast %get3A_19 : vector<1x128xf32> to vector<2000x128xf32>
    %add3A_21 = arith.addf %mul3A_16, %add3A_20 : vector<2000x128xf32>
    %get3A_22 = arith.constant 0 : index
    %get3A_23 = arith.constant 0 : index
    %get3A_24 = vector.load %arg6[%get3A_22, %get3A_23] : memref<1x128xf32, #tpu.memory_space<vmem>>, vector<1x128xf32>
    %get3A_25 = arith.constant 0 : index
    %get3A_26 = arith.constant 0 : index
    %get3A_27 = vector.load %arg7[%get3A_25, %get3A_26] : memref<1x128xf32, #tpu.memory_space<vmem>>, vector<1x128xf32>
    %reduce_sum3A = arith.constant dense<0.000000e+00> : vector<2000xf32>
    %reduce_sum3A_28 = vector.multi_reduction <add>, %add3A_21, %reduce_sum3A [1] : vector<2000x128xf32> to vector<2000xf32>
    %broadcast_in_dim3A = vector.shape_cast %reduce_sum3A_28 : vector<2000xf32> to vector<2000x1xf32>
    %div3A = arith.constant 1.280000e+02 : f32
    %div3A_29 = vector.broadcast %div3A : f32 to vector<2000x1xf32>
    %div3A_30 = arith.divf %broadcast_in_dim3A, %div3A_29 : vector<2000x1xf32>
    %sub3A = vector.broadcast %div3A_30 : vector<2000x1xf32> to vector<2000x128xf32>
    %sub3A_31 = arith.subf %add3A_21, %sub3A : vector<2000x128xf32>
    %integer_pow3A = arith.mulf %sub3A_31, %sub3A_31 : vector<2000x128xf32>
    %reduce_sum3A_32 = arith.constant dense<0.000000e+00> : vector<2000xf32>
    %reduce_sum3A_33 = vector.multi_reduction <add>, %integer_pow3A, %reduce_sum3A_32 [1] : vector<2000x128xf32> to vector<2000xf32>
    %broadcast_in_dim3A_34 = vector.shape_cast %reduce_sum3A_33 : vector<2000xf32> to vector<2000x1xf32>
    %div3A_35 = arith.constant 1.280000e+02 : f32
    %div3A_36 = vector.broadcast %div3A_35 : f32 to vector<2000x1xf32>
    %div3A_37 = arith.divf %broadcast_in_dim3A_34, %div3A_36 : vector<2000x1xf32>
    %sub3A_38 = vector.broadcast %div3A_30 : vector<2000x1xf32> to vector<2000x128xf32>
    %sub3A_39 = arith.subf %add3A_21, %sub3A_38 : vector<2000x128xf32>
    %add3A_40 = arith.constant 9.99999974E-6 : f32
    %add3A_41 = vector.broadcast %add3A_40 : f32 to vector<2000x1xf32>
    %add3A_42 = arith.addf %div3A_37, %add3A_41 : vector<2000x1xf32>
    %sqrt3A = math.sqrt %add3A_42 : vector<2000x1xf32>
    %div3A_43 = vector.broadcast %sqrt3A : vector<2000x1xf32> to vector<2000x128xf32>
    %div3A_44 = arith.divf %sub3A_39, %div3A_43 : vector<2000x128xf32>
    %mul3A_45 = vector.broadcast %get3A_24 : vector<1x128xf32> to vector<2000x128xf32>
    %mul3A_46 = arith.mulf %div3A_44, %mul3A_45 : vector<2000x128xf32>
    %add3A_47 = vector.broadcast %get3A_27 : vector<1x128xf32> to vector<2000x128xf32>
    %add3A_48 = arith.addf %mul3A_46, %add3A_47 : vector<2000x128xf32>
    %max3A = arith.constant 0.000000e+00 : f32
    %max3A_49 = vector.broadcast %max3A : f32 to vector<2000x128xf32>
    %max3A_50 = arith.maximumf %add3A_48, %max3A_49 : vector<2000x128xf32>
    %get3A_51 = arith.constant 0 : index
    %get3A_52 = arith.constant 0 : index
    %get3A_53 = vector.load %arg1[%get3A_51, %get3A_52] : memref<2000x128xf32, #tpu.memory_space<vmem>>, vector<2000x128xf32>
    %add3A_54 = arith.addf %get3A_53, %max3A_50 : vector<2000x128xf32>
    %swap3A = arith.constant 0 : index
    %swap3A_55 = arith.constant 0 : index
    %swap3A_56 = vector.load %arg10[%swap3A, %swap3A_55] : memref<2000x128xf32, #tpu.memory_space<vmem>>, vector<2000x128xf32>
    tpu.vector_store %arg10[%swap3A, %swap3A_55], %add3A_54 {strides = array<i32>} : memref<2000x128xf32, #tpu.memory_space<vmem>>, vector<2000x128xf32>,
    %get3A_57 = arith.constant 0 : index
    %get3A_58 = arith.constant 0 : index
    %get3A_59 = vector.load %arg8[%get3A_57, %get3A_58] : memref<128x128xf32, #tpu.memory_space<vmem>>, vector<128x128xf32>
    %dot_general3A = arith.constant dense<0.000000e+00> : vector<2000x128xf32>
    %dot_general3A_60 = tpu.matmul %add3A_54, %get3A_59, %dot_general3A {dimension_numbers = #tpu.dot_dimension_numbers<[1], [0], [0], [1], [0, 0, 1, 1], [], []>, transpose_lhs_hint = false} : vector<2000x128xf32>, vector<128x128xf32>, vector<2000x128xf32> -> vector<2000x128xf32>
    %get3A_61 = arith.constant 0 : index
    %get3A_62 = arith.constant 0 : index
    %get3A_63 = vector.load %arg9[%get3A_61, %get3A_62] : memref<1x128xf32, #tpu.memory_space<vmem>>, vector<1x128xf32>
    %add3A_64 = vector.broadcast %get3A_63 : vector<1x128xf32> to vector<2000x128xf32>
    %add3A_65 = arith.addf %dot_general3A_60, %add3A_64 : vector<2000x128xf32>
    %swap3A_66 = arith.constant 0 : index
    %swap3A_67 = arith.constant 0 : index
    %swap3A_68 = vector.load %arg11[%swap3A_66, %swap3A_67] : memref<2000x128xf32, #tpu.memory_space<vmem>>, vector<2000x128xf32>
    tpu.vector_store %arg11[%swap3A_66, %swap3A_67], %add3A_65 {strides = array<i32>} : memref<2000x128xf32, #tpu.memory_space<vmem>>, vector<2000x128xf32>,
    return
  }
  func.func @transform_0(%arg0: i32) -> (i32, i32) {
    %c0_i32 = arith.constant 0 : i32
    %c0_i32_0 = arith.constant 0 : i32
    return %arg0, %c0_i32 : i32, i32
  }
  func.func @transform_1(%arg0: i32) -> (i32, i32) {
    %c0_i32 = arith.constant 0 : i32
    %c0_i32_0 = arith.constant 0 : i32
    return %arg0, %c0_i32 : i32, i32
  }
  func.func @transform_2(%arg0: i32) -> (i32, i32, i32) {
    %c0_i32 = arith.constant 0 : i32
    %c0_i32_0 = arith.constant 0 : i32
    %c0_i32_1 = arith.constant 0 : i32
    return %c0_i32, %arg0, %c0_i32_0 : i32, i32, i32
  }
  func.func @transform_3(%arg0: i32) -> (i32, i32) {
    %c0_i32 = arith.constant 0 : i32
    %c0_i32_0 = arith.constant 0 : i32
    return %arg0, %c0_i32 : i32, i32
  }
  func.func @transform_4(%arg0: i32) -> (i32, i32) {
    %c0_i32 = arith.constant 0 : i32
    %c0_i32_0 = arith.constant 0 : i32
    %c0_i32_1 = arith.constant 0 : i32
    return %c0_i32, %c0_i32_0 : i32, i32
  }
  func.func @transform_5(%arg0: i32) -> (i32, i32) {
    %c0_i32 = arith.constant 0 : i32
    %c0_i32_0 = arith.constant 0 : i32
    %c0_i32_1 = arith.constant 0 : i32
    return %c0_i32, %c0_i32_0 : i32, i32
  }
  func.func @transform_6(%arg0: i32) -> (i32, i32) {
    %c0_i32 = arith.constant 0 : i32
    %c0_i32_0 = arith.constant 0 : i32
    %c0_i32_1 = arith.constant 0 : i32
    return %c0_i32, %c0_i32_0 : i32, i32
  }
  func.func @transform_7(%arg0: i32) -> (i32, i32) {
    %c0_i32 = arith.constant 0 : i32
    %c0_i32_0 = arith.constant 0 : i32
    %c0_i32_1 = arith.constant 0 : i32
    return %c0_i32, %c0_i32_0 : i32, i32
  }
  func.func @transform_8(%arg0: i32) -> (i32, i32) {
    %c0_i32 = arith.constant 0 : i32
    %c0_i32_0 = arith.constant 0 : i32
    %c0_i32_1 = arith.constant 0 : i32
    return %c0_i32, %c0_i32_0 : i32, i32
  }
  func.func @transform_9(%arg0: i32) -> (i32, i32) {
    %c0_i32 = arith.constant 0 : i32
    %c0_i32_0 = arith.constant 0 : i32
    return %arg0, %c0_i32 : i32, i32
  }
  func.func @transform_10(%arg0: i32) -> (i32, i32) {
    %c0_i32 = arith.constant 0 : i32
    %c0_i32_0 = arith.constant 0 : i32
    return %arg0, %c0_i32 : i32, i32
  }
}

module attributes {stable_mosaic.version = 14 : i64} {
  func.func @body(%arg0: i32, %arg1: memref<2000x128xf32, #tpu.memory_space<vmem>>, %arg2: memref<2000x128xf32, #tpu.memory_space<vmem>>, %arg3: memref<2000x128xf32, #tpu.memory_space<vmem>>, %arg4: memref<2x2000x128xf32, #tpu.memory_space<vmem>>, %arg5: memref<2000x128xf32, #tpu.memory_space<vmem>>, %arg6: memref<128x128xf32, #tpu.memory_space<vmem>>, %arg7: memref<1x128xf32, #tpu.memory_space<vmem>>, %arg8: memref<1x128xf32, #tpu.memory_space<vmem>>, %arg9: memref<128x128xf32, #tpu.memory_space<vmem>>, %arg10: memref<128x128xf32, #tpu.memory_space<vmem>>, %arg11: memref<128x128xf32, #tpu.memory_space<vmem>>, %arg12: memref<1x128xf32, #tpu.memory_space<vmem>>, %arg13: memref<128x128xf32, #tpu.memory_space<vmem>>, %arg14: memref<1x128xf32, #tpu.memory_space<vmem>>, %arg15: memref<128x64xf32, #tpu.memory_space<vmem>>, %arg16: memref<1x64xf32, #tpu.memory_space<vmem>>, %arg17: memref<2000x64xf32, #tpu.memory_space<vmem>>) attributes {dimension_semantics = [#tpu.dimension_semantics<arbitrary>], iteration_bounds = array<i64: 5>, scalar_prefetch = 0 : i64, scratch_operands = 0 : i64, tpu.core_type = #tpu.core_type<tc>, window_params = [{transform_indices = @transform_0, window_bounds = array<i64: 2000, 128>}, {transform_indices = @transform_1, window_bounds = array<i64: 2000, 128>}, {transform_indices = @transform_2, window_bounds = array<i64: 2000, 128>}, {transform_indices = @transform_3, window_bounds = array<i64: 2, 2000, 128>}, {transform_indices = @transform_4, window_bounds = array<i64: 2000, 128>}, {pipeline_mode = #tpu.pipeline_mode<synchronous>, transform_indices = @transform_5, window_bounds = array<i64: 128, 128>}, {pipeline_mode = #tpu.pipeline_mode<synchronous>, transform_indices = @transform_6, window_bounds = array<i64: 1, 128>}, {pipeline_mode = #tpu.pipeline_mode<synchronous>, transform_indices = @transform_7, window_bounds = array<i64: 1, 128>}, {pipeline_mode = #tpu.pipeline_mode<synchronous>, transform_indices = @transform_8, window_bounds = array<i64: 128, 128>}, {pipeline_mode = #tpu.pipeline_mode<synchronous>, transform_indices = @transform_9, window_bounds = array<i64: 128, 128>}, {pipeline_mode = #tpu.pipeline_mode<synchronous>, transform_indices = @transform_10, window_bounds = array<i64: 128, 128>}, {pipeline_mode = #tpu.pipeline_mode<synchronous>, transform_indices = @transform_11, window_bounds = array<i64: 1, 128>}, {pipeline_mode = #tpu.pipeline_mode<synchronous>, transform_indices = @transform_12, window_bounds = array<i64: 128, 128>}, {pipeline_mode = #tpu.pipeline_mode<synchronous>, transform_indices = @transform_13, window_bounds = array<i64: 1, 128>}, {pipeline_mode = #tpu.pipeline_mode<synchronous>, transform_indices = @transform_14, window_bounds = array<i64: 128, 64>}, {pipeline_mode = #tpu.pipeline_mode<synchronous>, transform_indices = @transform_15, window_bounds = array<i64: 1, 64>}, {transform_indices = @transform_16, window_bounds = array<i64: 2000, 64>}]} {
    %get3A = arith.constant 0 : index
    %get3A_0 = arith.constant 0 : index
    %get3A_1 = arith.constant 0 : index
    %get3A_2 = vector.load %arg4[%get3A, %get3A_0, %get3A_1] : memref<2x2000x128xf32, #tpu.memory_space<vmem>>, vector<1x2000x128xf32>
    %get3A_3 = vector.shape_cast %get3A_2 : vector<1x2000x128xf32> to vector<2000x128xf32>
    %get3A_4 = arith.constant 1 : index
    %get3A_5 = arith.constant 0 : index
    %get3A_6 = arith.constant 0 : index
    %get3A_7 = vector.load %arg4[%get3A_4, %get3A_5, %get3A_6] : memref<2x2000x128xf32, #tpu.memory_space<vmem>>, vector<1x2000x128xf32>
    %get3A_8 = vector.shape_cast %get3A_7 : vector<1x2000x128xf32> to vector<2000x128xf32>
    %add3A = arith.addf %get3A_3, %get3A_8 : vector<2000x128xf32>
    %get3A_9 = arith.constant 0 : index
    %get3A_10 = arith.constant 1 : index
    %get3A_11 = vector.load %arg5[%get3A_9, %get3A_10] : memref<2000x128xf32, #tpu.memory_space<vmem>>, vector<2000x1xf32>
    %mul3A = vector.broadcast %get3A_11 : vector<2000x1xf32> to vector<2000x128xf32>
    %mul3A_12 = arith.mulf %add3A, %mul3A : vector<2000x128xf32>
    %get3A_13 = arith.constant 0 : index
    %get3A_14 = arith.constant 0 : index
    %get3A_15 = vector.load %arg6[%get3A_13, %get3A_14] : memref<128x128xf32, #tpu.memory_space<vmem>>, vector<128x128xf32>
    %dot_general3A = arith.constant dense<0.000000e+00> : vector<2000x128xf32>
    %dot_general3A_16 = tpu.matmul %mul3A_12, %get3A_15, %dot_general3A {dimension_numbers = #tpu.dot_dimension_numbers<[1], [0], [0], [1], [0, 0, 1, 1], [], []>, transpose_lhs_hint = false} : vector<2000x128xf32>, vector<128x128xf32>, vector<2000x128xf32> -> vector<2000x128xf32>
    %get3A_17 = arith.constant 0 : index
    %get3A_18 = arith.constant 0 : index
    %get3A_19 = vector.load %arg3[%get3A_17, %get3A_18] : memref<2000x128xf32, #tpu.memory_space<vmem>>, vector<2000x128xf32>
    %add3A_20 = arith.addf %dot_general3A_16, %get3A_19 : vector<2000x128xf32>
    %get3A_21 = arith.constant 0 : index
    %get3A_22 = arith.constant 0 : index
    %get3A_23 = vector.load %arg7[%get3A_21, %get3A_22] : memref<1x128xf32, #tpu.memory_space<vmem>>, vector<1x128xf32>
    %get3A_24 = arith.constant 0 : index
    %get3A_25 = arith.constant 0 : index
    %get3A_26 = vector.load %arg8[%get3A_24, %get3A_25] : memref<1x128xf32, #tpu.memory_space<vmem>>, vector<1x128xf32>
    %reduce_sum3A = arith.constant dense<0.000000e+00> : vector<2000xf32>
    %reduce_sum3A_27 = vector.multi_reduction <add>, %add3A_20, %reduce_sum3A [1] : vector<2000x128xf32> to vector<2000xf32>
    %broadcast_in_dim3A = vector.shape_cast %reduce_sum3A_27 : vector<2000xf32> to vector<2000x1xf32>
    %div3A = arith.constant 1.280000e+02 : f32
    %div3A_28 = vector.broadcast %div3A : f32 to vector<2000x1xf32>
    %div3A_29 = arith.divf %broadcast_in_dim3A, %div3A_28 : vector<2000x1xf32>
    %sub3A = vector.broadcast %div3A_29 : vector<2000x1xf32> to vector<2000x128xf32>
    %sub3A_30 = arith.subf %add3A_20, %sub3A : vector<2000x128xf32>
    %integer_pow3A = arith.mulf %sub3A_30, %sub3A_30 : vector<2000x128xf32>
    %reduce_sum3A_31 = arith.constant dense<0.000000e+00> : vector<2000xf32>
    %reduce_sum3A_32 = vector.multi_reduction <add>, %integer_pow3A, %reduce_sum3A_31 [1] : vector<2000x128xf32> to vector<2000xf32>
    %broadcast_in_dim3A_33 = vector.shape_cast %reduce_sum3A_32 : vector<2000xf32> to vector<2000x1xf32>
    %div3A_34 = arith.constant 1.280000e+02 : f32
    %div3A_35 = vector.broadcast %div3A_34 : f32 to vector<2000x1xf32>
    %div3A_36 = arith.divf %broadcast_in_dim3A_33, %div3A_35 : vector<2000x1xf32>
    %sub3A_37 = vector.broadcast %div3A_29 : vector<2000x1xf32> to vector<2000x128xf32>
    %sub3A_38 = arith.subf %add3A_20, %sub3A_37 : vector<2000x128xf32>
    %add3A_39 = arith.constant 9.99999974E-6 : f32
    %add3A_40 = vector.broadcast %add3A_39 : f32 to vector<2000x1xf32>
    %add3A_41 = arith.addf %div3A_36, %add3A_40 : vector<2000x1xf32>
    %sqrt3A = math.sqrt %add3A_41 : vector<2000x1xf32>
    %div3A_42 = vector.broadcast %sqrt3A : vector<2000x1xf32> to vector<2000x128xf32>
    %div3A_43 = arith.divf %sub3A_38, %div3A_42 : vector<2000x128xf32>
    %mul3A_44 = vector.broadcast %get3A_23 : vector<1x128xf32> to vector<2000x128xf32>
    %mul3A_45 = arith.mulf %div3A_43, %mul3A_44 : vector<2000x128xf32>
    %add3A_46 = vector.broadcast %get3A_26 : vector<1x128xf32> to vector<2000x128xf32>
    %add3A_47 = arith.addf %mul3A_45, %add3A_46 : vector<2000x128xf32>
    %max3A = arith.constant 0.000000e+00 : f32
    %max3A_48 = vector.broadcast %max3A : f32 to vector<2000x128xf32>
    %max3A_49 = arith.maximumf %add3A_47, %max3A_48 : vector<2000x128xf32>
    %get3A_50 = arith.constant 0 : index
    %get3A_51 = arith.constant 0 : index
    %get3A_52 = vector.load %arg2[%get3A_50, %get3A_51] : memref<2000x128xf32, #tpu.memory_space<vmem>>, vector<2000x128xf32>
    %add3A_53 = arith.addf %get3A_52, %max3A_49 : vector<2000x128xf32>
    %get3A_54 = arith.constant 0 : index
    %get3A_55 = arith.constant 0 : index
    %get3A_56 = vector.load %arg1[%get3A_54, %get3A_55] : memref<2000x128xf32, #tpu.memory_space<vmem>>, vector<2000x128xf32>
    %get3A_57 = arith.constant 0 : index
    %get3A_58 = arith.constant 0 : index
    %get3A_59 = vector.load %arg9[%get3A_57, %get3A_58] : memref<128x128xf32, #tpu.memory_space<vmem>>, vector<128x128xf32>
    %dot_general3A_60 = arith.constant dense<0.000000e+00> : vector<2000x128xf32>
    %dot_general3A_61 = tpu.matmul %get3A_56, %get3A_59, %dot_general3A_60 {dimension_numbers = #tpu.dot_dimension_numbers<[1], [0], [0], [1], [0, 0, 1, 1], [], []>, transpose_lhs_hint = false} : vector<2000x128xf32>, vector<128x128xf32>, vector<2000x128xf32> -> vector<2000x128xf32>
    %get3A_62 = arith.constant 0 : index
    %get3A_63 = arith.constant 0 : index
    %get3A_64 = vector.load %arg10[%get3A_62, %get3A_63] : memref<128x128xf32, #tpu.memory_space<vmem>>, vector<128x128xf32>
    %dot_general3A_65 = arith.constant dense<0.000000e+00> : vector<2000x128xf32>
    %dot_general3A_66 = tpu.matmul %get3A_52, %get3A_64, %dot_general3A_65 {dimension_numbers = #tpu.dot_dimension_numbers<[1], [0], [0], [1], [0, 0, 1, 1], [], []>, transpose_lhs_hint = false} : vector<2000x128xf32>, vector<128x128xf32>, vector<2000x128xf32> -> vector<2000x128xf32>
    %add3A_67 = arith.addf %dot_general3A_61, %dot_general3A_66 : vector<2000x128xf32>
    %get3A_68 = arith.constant 0 : index
    %get3A_69 = arith.constant 0 : index
    %get3A_70 = vector.load %arg11[%get3A_68, %get3A_69] : memref<128x128xf32, #tpu.memory_space<vmem>>, vector<128x128xf32>
    %dot_general3A_71 = arith.constant dense<0.000000e+00> : vector<2000x128xf32>
    %dot_general3A_72 = tpu.matmul %add3A_53, %get3A_70, %dot_general3A_71 {dimension_numbers = #tpu.dot_dimension_numbers<[1], [0], [0], [1], [0, 0, 1, 1], [], []>, transpose_lhs_hint = false} : vector<2000x128xf32>, vector<128x128xf32>, vector<2000x128xf32> -> vector<2000x128xf32>
    %add3A_73 = arith.addf %add3A_67, %dot_general3A_72 : vector<2000x128xf32>
    %get3A_74 = arith.constant 0 : index
    %get3A_75 = arith.constant 0 : index
    %get3A_76 = vector.load %arg12[%get3A_74, %get3A_75] : memref<1x128xf32, #tpu.memory_space<vmem>>, vector<1x128xf32>
    %add3A_77 = vector.broadcast %get3A_76 : vector<1x128xf32> to vector<2000x128xf32>
    %add3A_78 = arith.addf %add3A_73, %add3A_77 : vector<2000x128xf32>
    %get3A_79 = arith.constant 0 : index
    %get3A_80 = arith.constant 0 : index
    %get3A_81 = vector.load %arg13[%get3A_79, %get3A_80] : memref<128x128xf32, #tpu.memory_space<vmem>>, vector<128x128xf32>
    %dot_general3A_82 = arith.constant dense<0.000000e+00> : vector<2000x128xf32>
    %dot_general3A_83 = tpu.matmul %add3A_78, %get3A_81, %dot_general3A_82 {dimension_numbers = #tpu.dot_dimension_numbers<[1], [0], [0], [1], [0, 0, 1, 1], [], []>, transpose_lhs_hint = false} : vector<2000x128xf32>, vector<128x128xf32>, vector<2000x128xf32> -> vector<2000x128xf32>
    %get3A_84 = arith.constant 0 : index
    %get3A_85 = arith.constant 0 : index
    %get3A_86 = vector.load %arg14[%get3A_84, %get3A_85] : memref<1x128xf32, #tpu.memory_space<vmem>>, vector<1x128xf32>
    %add3A_87 = vector.broadcast %get3A_86 : vector<1x128xf32> to vector<2000x128xf32>
    %add3A_88 = arith.addf %dot_general3A_83, %add3A_87 : vector<2000x128xf32>
    %max3A_89 = arith.constant 0.000000e+00 : f32
    %max3A_90 = vector.broadcast %max3A_89 : f32 to vector<2000x128xf32>
    %max3A_91 = arith.maximumf %add3A_88, %max3A_90 : vector<2000x128xf32>
    %get3A_92 = arith.constant 0 : index
    %get3A_93 = arith.constant 0 : index
    %get3A_94 = vector.load %arg15[%get3A_92, %get3A_93] : memref<128x64xf32, #tpu.memory_space<vmem>>, vector<128x64xf32>
    %dot_general3A_95 = arith.constant dense<0.000000e+00> : vector<2000x64xf32>
    %dot_general3A_96 = tpu.matmul %max3A_91, %get3A_94, %dot_general3A_95 {dimension_numbers = #tpu.dot_dimension_numbers<[1], [0], [0], [1], [0, 0, 1, 1], [], []>, transpose_lhs_hint = false} : vector<2000x128xf32>, vector<128x64xf32>, vector<2000x64xf32> -> vector<2000x64xf32>
    %get3A_97 = arith.constant 0 : index
    %get3A_98 = arith.constant 0 : index
    %get3A_99 = vector.load %arg16[%get3A_97, %get3A_98] : memref<1x64xf32, #tpu.memory_space<vmem>>, vector<1x64xf32>
    %add3A_100 = vector.broadcast %get3A_99 : vector<1x64xf32> to vector<2000x64xf32>
    %add3A_101 = arith.addf %dot_general3A_96, %add3A_100 : vector<2000x64xf32>
    %swap3A = arith.constant 0 : index
    %swap3A_102 = arith.constant 0 : index
    %swap3A_103 = vector.load %arg17[%swap3A, %swap3A_102] : memref<2000x64xf32, #tpu.memory_space<vmem>>, vector<2000x64xf32>
    tpu.vector_store %arg17[%swap3A, %swap3A_102], %add3A_101 {strides = array<i32>} : memref<2000x64xf32, #tpu.memory_space<vmem>>, vector<2000x64xf32>,
    return
  }
  func.func @transform_0(%arg0: i32) -> (i32, i32) {
    %c0_i32 = arith.constant 0 : i32
    %c0_i32_0 = arith.constant 0 : i32
    return %arg0, %c0_i32 : i32, i32
  }
  func.func @transform_1(%arg0: i32) -> (i32, i32) {
    %c0_i32 = arith.constant 0 : i32
    %c0_i32_0 = arith.constant 0 : i32
    return %arg0, %c0_i32 : i32, i32
  }
  func.func @transform_2(%arg0: i32) -> (i32, i32) {
    %c0_i32 = arith.constant 0 : i32
    %c0_i32_0 = arith.constant 0 : i32
    return %arg0, %c0_i32 : i32, i32
  }
  func.func @transform_3(%arg0: i32) -> (i32, i32, i32) {
    %c0_i32 = arith.constant 0 : i32
    %c0_i32_0 = arith.constant 0 : i32
    %c0_i32_1 = arith.constant 0 : i32
    return %c0_i32, %arg0, %c0_i32_0 : i32, i32, i32
  }
  func.func @transform_4(%arg0: i32) -> (i32, i32) {
    %c0_i32 = arith.constant 0 : i32
    %c0_i32_0 = arith.constant 0 : i32
    return %arg0, %c0_i32 : i32, i32
  }
  func.func @transform_5(%arg0: i32) -> (i32, i32) {
    %c0_i32 = arith.constant 0 : i32
    %c0_i32_0 = arith.constant 0 : i32
    %c0_i32_1 = arith.constant 0 : i32
    return %c0_i32, %c0_i32_0 : i32, i32
  }
  func.func @transform_6(%arg0: i32) -> (i32, i32) {
    %c0_i32 = arith.constant 0 : i32
    %c0_i32_0 = arith.constant 0 : i32
    %c0_i32_1 = arith.constant 0 : i32
    return %c0_i32, %c0_i32_0 : i32, i32
  }
  func.func @transform_7(%arg0: i32) -> (i32, i32) {
    %c0_i32 = arith.constant 0 : i32
    %c0_i32_0 = arith.constant 0 : i32
    %c0_i32_1 = arith.constant 0 : i32
    return %c0_i32, %c0_i32_0 : i32, i32
  }
  func.func @transform_8(%arg0: i32) -> (i32, i32) {
    %c0_i32 = arith.constant 0 : i32
    %c0_i32_0 = arith.constant 0 : i32
    %c0_i32_1 = arith.constant 0 : i32
    return %c0_i32, %c0_i32_0 : i32, i32
  }
  func.func @transform_9(%arg0: i32) -> (i32, i32) {
    %c0_i32 = arith.constant 0 : i32
    %c0_i32_0 = arith.constant 0 : i32
    %c0_i32_1 = arith.constant 0 : i32
    return %c0_i32, %c0_i32_0 : i32, i32
  }
  func.func @transform_10(%arg0: i32) -> (i32, i32) {
    %c0_i32 = arith.constant 0 : i32
    %c0_i32_0 = arith.constant 0 : i32
    %c0_i32_1 = arith.constant 0 : i32
    return %c0_i32, %c0_i32_0 : i32, i32
  }
  func.func @transform_11(%arg0: i32) -> (i32, i32) {
    %c0_i32 = arith.constant 0 : i32
    %c0_i32_0 = arith.constant 0 : i32
    %c0_i32_1 = arith.constant 0 : i32
    return %c0_i32, %c0_i32_0 : i32, i32
  }
  func.func @transform_12(%arg0: i32) -> (i32, i32) {
    %c0_i32 = arith.constant 0 : i32
    %c0_i32_0 = arith.constant 0 : i32
    %c0_i32_1 = arith.constant 0 : i32
    return %c0_i32, %c0_i32_0 : i32, i32
  }
  func.func @transform_13(%arg0: i32) -> (i32, i32) {
    %c0_i32 = arith.constant 0 : i32
    %c0_i32_0 = arith.constant 0 : i32
    %c0_i32_1 = arith.constant 0 : i32
    return %c0_i32, %c0_i32_0 : i32, i32
  }
  func.func @transform_14(%arg0: i32) -> (i32, i32) {
    %c0_i32 = arith.constant 0 : i32
    %c0_i32_0 = arith.constant 0 : i32
    %c0_i32_1 = arith.constant 0 : i32
    return %c0_i32, %c0_i32_0 : i32, i32
  }
  func.func @transform_15(%arg0: i32) -> (i32, i32) {
    %c0_i32 = arith.constant 0 : i32
    %c0_i32_0 = arith.constant 0 : i32
    %c0_i32_1 = arith.constant 0 : i32
    return %c0_i32, %c0_i32_0 : i32, i32
  }
  func.func @transform_16(%arg0: i32) -> (i32, i32) {
    %c0_i32 = arith.constant 0 : i32
    %c0_i32_0 = arith.constant 0 : i32
    return %arg0, %c0_i32 : i32, i32
  }
}

</mosaic_0001>

<sc_bundles>
// kernel: kernel.12.cloned.1.call-start
scs
__scs_entry_jumppad:
0x0: {  	(pc) =	sbr.rel $0x88, $3  }
0x1: {  	(tag) =	ssettag $0x0;
	lr =	simm.s32 $0x1  }
0x2: {  	[smem:$0x3F8A] =	sst lr;
	_ =	strace $0xD0000000  }
0x3: {  	_ = 	snop  }
0x4: {  	_ = 	snop  }
0x5: {  	_ = 	snop  }
0x6: {  	_ = 	snop  }
0x7: {  	_ = 	snop  }
__scs_overlays_trampoline_lowered:
0x8: {  	[smem:$0x3F99] =	sst s0  }
0x9: {  	[smem:$0x3F9A] =	sst s1  }
0xa: {  	[smem:$0x3F9B] =	sst s2  }
0xb: {  	[smem:$0x3F9C] =	sst s3  }
0xc: {  	[smem:$0x3F9D] =	sst s4  }
0xd: {  	[smem:$0x3F9E] =	sst s5  }
0xe: {  	[smem:$0x3F9F] =	sst s6  }
0xf: {  	[smem:$0x3FA0] =	sst s7  }
0x10: {  	[smem:$0x3FA1] =	sst s8  }
0x11: {  	[smem:$0x3FA2] =	sst s9;
	s0 =	simm.s32 @!p0 $0x0  }
0x12: {  	s1 =	sld [smem:$0x3F88];
	s0 =	simm.s32 @p0 $0x1  }
0x13: {  	[smem:$0x3FA3] =	sst s0;
	s0 =	simm.s32 @!p1 $0x0  }
0x14: {  	s2 =	sld [smem:$0x3F87];
	s0 =	simm.s32 @p1 $0x1  }
0x15: {  	[smem:$0x3FA4] =	sst s0;
	s0 =	simm.s32 @!p2 $0x0  }
0x16: {  	s3 =	sld [smem:$0x3FDB];
	s0 =	simm.s32 @p2 $0x1  }
0x17: {  	s4 =	simm.s32 $0x1BF5;
	[smem:$0x3FA6] =	sst s0  }
0x18: {  	s0 =	sld [smem:$0x3F89];
	_ =	swait.ge [sflag:s4], $0x0  }
0x19: {  	s7 =	sld [smem:$0x3F8A]  }
0x1a: {  	s8 =	sadd.s32 $0xFFFFE003, lr  }
0x1b: {  	s9 =	sadd.s32 $0xFFFFFEF7, lr;
	s5 =	simm.s32 $0xFFFFFFFF;
	p2 =	slt.u32 s8, $0xFFFFF086  }
0x1c: {  	p1 =	slt.u32 s9, $0xF7A;
	s5 =	simm.s32 @!p2 $0x0  }
0x1d: {  	s5 =	simm.s32 @p1 $0x1;
	p0 =	seq.s32 s7, s2  }
0x1e: {  	s7 =	smul.u32 @!p0 $0xF7A, s2;
	p2 =	seq.s32 @!p0 s5, $0x0  }
0x1f: {  	s9 =	smul.u32 $0xF7A, s1;
	s8 =	simm.s32 @!p0 $0x1BF5;
	p2 =	por !p2, p0  }
0x20: {  	[sflag:s8] =	ssyncset.s32 @!p0 $0xFFFFF086;
	s6 =	sadd.s32 @!p0 s3, s7;
	s7 =	simm.s32 @!p0 $0x108  }
0x21: {  	s3 =	sadd.s32 s3, s9;
	s6 =	sadd.s32 @!p0 $0x88, s6;
	s7 =	simm.s32 @p2 $0x1082  }
0x22: {  	[simem:s7], [sflag:s8] =	dma.local @!p0 [hbm:s6], $0xF7A  }
0x23: {  	s9 =	sor.u32 $0xD0000000, s2;
	s6 =	simm.s32 $0x108;
	_ =	swait.ge @!p0 [sflag:s8], $0x0  }
0x24: {  	s3 =	sadd.s32 $0x88, s3;
	s6 =	simm.s32 @!p1 $0x1082;
	[sflag:s4] =	ssyncset.s32 $0xFFFFF086  }
0x25: {  	[simem:s6], [sflag:s4] =	dma.local [hbm:s3], $0xF7A  }
0x26: {  	[smem:$0x3F8A] =	sst s1;
	(tag) =	ssettag s2;
	_ =	strace s9  }
0x27: {  	s1 =	sld [smem:$0x3F9A]  }
0x28: {  	s2 =	sld [smem:$0x3F9B]  }
0x29: {  	s4 =	sld [smem:$0x3F9D]  }
0x2a: {  	p0 =	seq.s32 s5, $0x0;
	s5 =	sld [smem:$0x3F9E]  }
0x2b: {  	s6 =	sld [smem:$0x3F9F]  }
0x2c: {  	s7 =	sld [smem:$0x3FA0]  }
0x2d: {  	s3 =	simm.s32 $0x108;
	s8 =	sld [smem:$0x3FA1]  }
0x2e: {  	s3 =	simm.s32 @!p0 $0x1082;
	s9 =	sld [smem:$0x3FA2]  }
0x2f: {  	lr =	sadd.s32 s0, s3;
	s0 =	sld [smem:$0x3F99]  }
0x30: {  	s3 =	sld [smem:$0x3F9C]  }
0x31: {  	[smem:$0x3FA5] =	sst s10  }
0x32: {  	s10 =	sld [smem:$0x3FA3];
	_ =	sdelay $0x3  }
0x33: {  	p0 =	seq.s32 s10, $0x1;
	s10 =	sld [smem:$0x3FA5];
	_ =	sdelay $0x3  }
0x34: {  	[smem:$0x3FA5] =	sst s10  }
0x35: {  	s10 =	sld [smem:$0x3FA4];
	_ =	sdelay $0x3  }
0x36: {  	p1 =	seq.s32 s10, $0x1;
	s10 =	sld [smem:$0x3FA5];
	_ =	sdelay $0x3  }
0x37: {  	[smem:$0x3FA5] =	sst s10  }
0x38: {  	s10 =	sld [smem:$0x3FA6]  }
0x39: {  	_ = 	snop;
	(pc) =	sbr.ind lr, $3  }
0x3a: {  	_ = 	snop  }
0x3b: {  	_ = 	snop  }
0x3c: {  	p2 =	seq.s32 s10, $0x1;
	s10 =	sld [smem:$0x3FA5]  }
0x3d: {  	_ =	shalt  }
0x3e: {  	_ =	shalt  }
0x3f: {  	_ =	shalt  }
0x40: {  	_ =	shalt  }
0x41: {  	_ =	shalt  }
0x42: {  	_ =	shalt  }
0x43: {  	_ =	shalt  }
0x44: {  	_ =	shalt  }
0x45: {  	_ =	shalt  }
0x46: {  	_ =	shalt  }
0x47: {  	_ =	shalt  }
0x48: {  	_ =	shalt  }
0x49: {  	_ =	shalt  }
0x4a: {  	_ =	shalt  }
0x4b: {  	_ =	shalt  }
0x4c: {  	_ =	shalt  }
0x4d: {  	_ =	shalt  }
0x4e: {  	_ =	shalt  }
0x4f: {  	_ =	shalt  }
0x50: {  	_ =	shalt  }
0x51: {  	_ =	shalt  }
0x52: {  	_ =	shalt  }
0x53: {  	_ =	shalt  }
0x54: {  	_ =	shalt  }
0x55: {  	_ =	shalt  }
0x56: {  	_ =	shalt  }
0x57: {  	_ =	shalt  }
0x58: {  	_ =	shalt  }
0x59: {  	_ =	shalt  }
0x5a: {  	_ =	shalt  }
0x5b: {  	_ =	shalt  }
0x5c: {  	_ =	shalt  }
0x5d: {  	_ =	shalt  }
0x5e: {  	_ =	shalt  }
0x5f: {  	_ =	shalt  }
0x60: {  	_ =	shalt  }
0x61: {  	_ =	shalt  }
0x62: {  	_ =	shalt  }
0x63: {  	_ =	shalt  }
0x64: {  	_ =	shalt  }
0x65: {  	_ =	shalt  }
0x66: {  	_ =	shalt  }
0x67: {  	_ =	shalt  }
0x68: {  	_ =	shalt  }
0x69: {  	_ =	shalt  }
0x6a: {  	_ =	shalt  }
0x6b: {  	_ =	shalt  }
0x6c: {  	_ =	shalt  }
0x6d: {  	_ =	shalt  }
0x6e: {  	_ =	shalt  }
0x6f: {  	_ =	shalt  }
0x70: {  	_ =	shalt  }
0x71: {  	_ =	shalt  }
0x72: {  	_ =	shalt  }
0x73: {  	_ =	shalt  }
0x74: {  	_ =	shalt  }
0x75: {  	_ =	shalt  }
0x76: {  	_ =	shalt  }
0x77: {  	_ =	shalt  }
0x78: {  	_ =	shalt  }
0x79: {  	_ =	shalt  }
0x7a: {  	_ =	shalt  }
0x7b: {  	_ =	shalt  }
0x7c: {  	_ =	shalt  }
0x7d: {  	_ =	shalt  }
0x7e: {  	_ =	shalt  }
0x7f: {  	_ =	shalt  }
0x80: {  	_ =	shalt  }
0x81: {  	_ =	shalt  }
0x82: {  	_ =	shalt  }
0x83: {  	_ =	shalt  }
0x84: {  	_ =	shalt  }
0x85: {  	_ =	shalt  }
0x86: {  	_ =	shalt  }
0x87: {  	_ =	shalt  }
.Lfunc_end0:
.L_simem_size_0:
called_computation.1_lowered:
.L_overlay_start_0:
0x88: {  	s2 =	sld [smem:$0x3FD9]  }
0x89: {  	s3 =	sld [smem:$0x3FFE];
	_ =	sdelay $0x1  }
0x8a: {  	s1 =	srdreg.scid  }
0x8b: {  	s0 =	sand.u32 $0x1, s1  }
0x8c: {  	s17 =	sshll.u32 s0, $0xA;
	s2 =	sadd.s32 s3, s2  }
0x8d: {  	s2 =	sadd.s32 s2, s17  }
0x8e: {  	[smem:$0x3FB1] =	sst s2  }
0x8f: {  	_ = 	snop  }
0x90: {  	s2 =	sld [smem:$0x3FD0];
	(tm) =	ssettm $0x1  }
0x91: {  	s18 =	sld [smem:$0x3FFB];
	_ =	sdelay $0x3  }
0x92: {  	_ =	strace s18  }
0x93: {  	s3 =	sld [smem:$0x3FFC];
	_ =	sdelay $0x3  }
0x94: {  	_ =	strace s3  }
0x95: {  	s3 =	sld [smem:$0x3FFD];
	_ =	sdelay $0x3  }
0x96: {  	_ =	strace s3  }
0x97: {  	_ =	strace $0x8FFFFFFF  }
0x98: {  	s19 =	sld [smem:$0x3FDB];
	_ =	sdelay $0x1  }
0x99: {  	s4 =	simm.s32 $_scs_section_size  }
0x9a: {  	s5 =	simm.s32 $_size__tile_overlayer_lowered;
	s6 =	simm.s32 $_tile_overlayer_lowered  }
0x9b: {  	s22 =	simm.s32 $0x1BFF;
	s21 =	sshll.u32 s6, $0x1;
	s3 =	sadd.s32 s4, s19  }
0x9c: {  	s7 =	simm.s32 $0x0;
	s20 =	sshll.u32 s5, $0x1;
	s5 =	sadd.s32 s21, s3  }
0x9d: {  	[timem:s7], [sflag:s22] =	dma.local [hbm:s5], s20  }
0x9e: {  	_ =	swait.ge [sflag:s22], s20  }
0x9f: {  	s4 =	ssub.s32 $0x0, s20;
	[sflag:s22] =	ssyncset.done $0x0  }
0xa0: {  	[sflag:s22] =	ssyncadd.s32 s4;
	_ =	sdelay $0x1  }
0xa1: {  	s23 =	simm.s32 $0x1B8B  }
0xa2: {  	_ =	swait.ge [sflag:s23], $0x1  }
0xa3: {  	[sflag:s23] =	ssyncset.done $0x0  }
0xa4: {  	s25 =	simm.s32 $0x1B8E;
	s24 =	sld [smem:$0x3FFE];
	[sflag:s23] =	ssyncadd.s32 $0xFFFFFFFF  }
0xa5: {  	s26 =	simm.s32 $execute0_lowered;
	[smem:$0x3FD2] =	sst s25  }
0xa6: {  	s5 =	sshll.u32 s26, $0x1;
	_ =	strace $0x80000049;
	[dreg:$0x1] =	wrdreg $0xFFFFFFFF  }
0xa7: {  	s28 =	simm.s32 $_size_execute0_lowered;
	s3 =	sadd.s32 s3, s5;
	[dreg:$0x0] =	wrdreg $0x0  }
0xa8: {  	s5 =	sshll.u32 s28, $0x1;
	[dreg:$0x2] =	wrdreg s3  }
0xa9: {  	[dreg:$0x3] =	wrdreg s5  }
0xaa: {  	[dreg:$0x4] =	wrdreg $0xC0  }
0xab: {  	_ =	task [dreg:s7], $0x5FFFF  }
0xac: {  	[dreg:$0x1] =	wrdreg $0xFFFFFFFF  }
0xad: {  	[dreg:$0x0] =	wrdreg $0x60  }
0xae: {  	[dreg:$0x2] =	wrdreg s24  }
0xaf: {  	[dreg:$0x3] =	wrdreg s2  }
0xb0: {  	[dreg:$0x4] =	wrdreg $0xA8000  }
0xb1: {  	[dreg:$0x5] =	wrdreg $0x9  }
0xb2: {  	_ =	task.clear_ibuf [dreg:s7], $0x6FFFF;
	_ =	strace $0x90000049  }
0xb3: {  	s29 =	simm.s32 $0x9;
	_ =	strace $0x8000004B  }
0xb4: {  	_ =	swait.ge [sflag:s29], $0x1  }
0xb5: {  	[sflag:s29] =	ssyncadd.s32 $0xFFFFFFFF  }
0xb6: {  	_ =	strace $0x9000004B  }
0xb7: {  	_ =	sfence  }
0xb8: {  	s30 =	sld [smem:$0x0];
	_ =	sdelay $0x2  }
0xb9: {  	s31 =	sshll.u32 s1, $0xD;
	s1 =	sshrl.u32 s1, $0x2  }
0xba: {  	s3 =	sand.u32 $0x4000, s31;
	s1 =	sadd.s32 s1, s30  }
0xbb: {  	s0 =	sor.u32 s3, s0;
	s1 =	sshll.u32 s1, $0x11  }
0xbc: {  	s0 =	sor.u32 s1, s0  }
0xbd: {  	s0 =	sadd.s32 $0x8F2B, s0  }
0xbe: {  	[sflag:s0] =	ssyncadd.remote.s32 $0x1  }
0xbf: {  	_ =	sfence.sel $0xFFFF  }
0xc0: {  	[dreg:$0x0] =	wrdreg $0xFFFFFFFF;
	(pc) =	sbr.abs _section_cstart, $3  }
0xc1: {  	[dreg:$0x1] =	wrdreg $0xFFFFFFFF  }
0xc2: {  	_ =	task.clear_ibuf [dreg:s7], $0x2FFFF;
	_ =	strace $0x9FFFFFFF  }
0xc3: {  	(tm) =	ssettm $0x7FFFFFFF  }
tec
execute0_lowered:
.L_overlay_start_1:
0x0: {  	(tag) =	ssettag $0x1  }
0x1: {  	s5 =	rddreg [dreg:$0x0]  }
0x2: {  	s8 =	rddreg [dreg:$0x1]  }
0x3: {  	s1 =	rddreg [dreg:$0x2];
	s2 =	srdreg.scid  }
0x4: {  	s3 =	simm.s32 $0x0;
	s16 =	simm.s32 $0x2800;
	s17 =	simm.s32 $0x3  }
0x5: {  	s18 =	simm.s32 $0x1400;
	s19 =	simm.s32 $0x80;
	s20 =	simm.s32 $0x6800  }
0x6: {  	s21 =	simm.s32 $0x1;
	s22 =	simm.s32 $0x2;
	s23 =	simm.s32 $0x1380  }
0x7: {  	s24 =	simm.s32 $0x2700;
	s6 =	sand.u32 $0x1, s2;
	s2 =	stileid.u32  }
0x8: {  	[smem:$0x7FF] =	sst s3;
	s4 =	sadd.s32 $0x36E00, s5;
	s7 =	smul.u32 $0x140000, s6  }
0x9: {  	s12 =	sadd.s32 $0x5C00, s5;
	s9 =	smul.u32 $0x14000, s2;
	s10 =	sshll.u32 s2, $0x1  }
0xa: {  	_ =	strace $0x8000004A;
	s26 =	smul.u32 $0x50000, s2;
	s25 =	sor.u32 s6, s10  }
0xb: {  	s6 =	ssub.s32 $0x2, s6;
	s7 =	sadd.s32 s9, s7;
	s11 =	smul.u32 $0x2800, s25  }
0xc: {  	s28 =	sshrl.u32 s6, $0x1;
	s29 =	sshrl.u32 s26, $0x2;
	s9 =	smul.u32 $0x500, s25  }
0xd: {  	s25 =	simm.s32 $0x2780;
	s26 =	simm.s32 $0x0;
	s7 =	sshrl.u32 s7, $0x3  }
0xe: {  	s31 =	ssub.s32 s6, s28;
	s13 =	sadd.s32 s7, s5;
	s30 =	sshrl.u32 s11, $0x3  }
0xf: {  	s5 =	sadd.s32 s29, s1;
	s6 =	sadd.s32 s8, s9;
	s7 =	sadd.s32 s12, s9  }
0x10: {  	s11 =	smax.u32 s31, $0x1;
	s10 =	sadd.s32 $0x280, s30;
	s14 =	sadd.s32 $0xC000, s5  }
0x11: {  	s15 =	sadd.s32 $0x10000, s5;
	s8 =	sadd.s32 s8, s10;
	s9 =	sadd.s32 s12, s10  }
0x12: {  	v0 =	vimm.f32 $0.0e+00;
	s10 =	sadd.s32 $0x5E000, s13;
	s12 =	sadd.s32 $0x4000, s5;
	s13 =	sadd.s32 $0x8000, s5  }
.LBB2_1:
0x13: {  	s28 =	sand.u32 $0xFE00, s3  }
0x14: {  	s29 =	sand.u32 $0x70, s3;
	s30 =	sshrl.u32 s28, $0x2  }
0x15: {  	s28 =	simm.s32 $0x40;
	s30 =	sor.u32 s29, s30;
	s29 =	simm.s32 $0x0  }
.LBB2_2:
0x16: {  	p0 =	sne.s32 s28, $0xFFC0  }
0x17: {  	[tilespmem:s30+$0x2800] =	vst v0;
	s29 =	sadd.s32 $0x10, s29;
	s30 =	smov.u32 s28;
	s28 =	sadd.s32 $0x40, s28  }
.Ltmp0:
0x18: {  	(pc) =	sbr.rel @p0 .LBB2_2-.Ltmp0, $4  }
0x19: {  	_ = 	snop  }
0x1a: {  	s30 =	sand.u32 $0xFE00, s30  }
0x1b: {  	s31 =	sand.u32 $0x70, s29;
	s30 =	sshrl.u32 s30, $0x2  }
0x1c: {  	s30 =	sor.u32 s31, s30  }
0x1d: {  	[tilespmem:s30+$0x2800] =	vst v0  }
0x1e: {  	[spmem:s5] =	stream.linear.scatter [tilespmem:s16], [sflag:$0x3], $0x4000, $0x38;
	[tilespmem:$0x1E800] =	vst v63  }
0x1f: {  	_ =	swait.ge [sflag:s17], $0x4000  }
0x20: {  	[sflag:s17] =	ssyncset.done $0x0  }
0x21: {  	[sflag:s17] =	ssyncadd.s32 $0xFFFFC000  }
0x22: {  	[spmem:s12] =	stream.linear.scatter [tilespmem:s16], [sflag:$0x3], $0x4000, $0x38;
	[tilespmem:$0x1E800] =	vst v63  }
0x23: {  	_ =	swait.ge [sflag:s17], $0x4000  }
0x24: {  	[sflag:s17] =	ssyncset.done $0x0  }
0x25: {  	[sflag:s17] =	ssyncadd.s32 $0xFFFFC000  }
0x26: {  	[spmem:s13] =	stream.linear.scatter [tilespmem:s16], [sflag:$0x3], $0x4000, $0x38;
	[tilespmem:$0x1E800] =	vst v63  }
0x27: {  	_ =	swait.ge [sflag:s17], $0x4000  }
0x28: {  	[sflag:s17] =	ssyncset.done $0x0  }
0x29: {  	[sflag:s17] =	ssyncadd.s32 $0xFFFFC000  }
0x2a: {  	[spmem:s14] =	stream.linear.scatter [tilespmem:s16], [sflag:$0x3], $0x4000, $0x38;
	[tilespmem:$0x1E800] =	vst v63  }
0x2b: {  	_ =	swait.ge [sflag:s17], $0x4000  }
0x2c: {  	[sflag:s17] =	ssyncset.done $0x0  }
0x2d: {  	[sflag:s17] =	ssyncadd.s32 $0xFFFFC000  }
0x2e: {  	[spmem:s15] =	stream.linear.scatter [tilespmem:s16], [sflag:$0x3], $0x4000, $0x38;
	[tilespmem:$0x1E800] =	vst v63  }
0x2f: {  	_ =	swait.ge [sflag:s17], $0x4000  }
0x30: {  	[sflag:s17] =	ssyncset.done $0x0  }
0x31: {  	[sflag:s17] =	ssyncadd.s32 $0xFFFFC000  }
0x32: {  	s28 =	simm.s32 $0x0;
	[bflag:$0x0] =	sbarrier.arrive $0xFFFF  }
0x33: {  	[tilespmem:s28], [sflag:$0x3] =	stream.linear.gather [hbm4b:s6+s28], $0x1400, $0x38;
	[tilespmem:$0x1E800] =	vst v63  }
0x34: {  	_ =	swait.ge [sflag:s17], $0x1400  }
0x35: {  	[sflag:s17] =	ssyncset.done $0x0  }
0x36: {  	[sflag:s17] =	ssyncadd.s32 $0xFFFFEC00  }
0x37: {  	[tilespmem:s18], [sflag:$0x3] =	stream.linear.gather [hbm4b:s7+s28], $0x1400, $0x38;
	[tilespmem:$0x1E800] =	vst v63  }
0x38: {  	_ =	swait.ge [sflag:s17], $0x1400  }
0x39: {  	[sflag:s17] =	ssyncset.done $0x0  }
0x3a: {  	[sflag:s17] =	ssyncadd.s32 $0xFFFFEC00  }
0x3b: {  	[tilespmem:s16], [sflag:$0x1] =	stream.indirect.gather [hbm4b:s4+s19], $0x80, s28, s19, $0xb8;
	[tilespmem:$0x1E800] =	vst v63  }
0x3c: {  	s28 =	simm.s32 $0x80  }
0x3d: {  	[tilespmem:s20], [sflag:$0x2] =	stream.indirect.gather [hbm4b:s4+s19], $0x80, s28, s19, $0xb8;
	[tilespmem:$0x1E800] =	vst v63  }
0x3e: {  	_ =	swait.ge [sflag:s21], $0x4000  }
0x3f: {  	[sflag:s21] =	ssyncset.done $0x0  }
0x40: {  	s28 =	simm.s32 $0x1400;
	[sflag:s21] =	ssyncadd.s32 $0xFFFFC000  }
0x41: {  	[spmem:s1] =	stream.indirect.scatter.add.f32 [tilespmem:s16], [sflag:$0x3], $0x80, s28, s19, $0xb8;
	[tilespmem:$0x1E800] =	vst v63  }
0x42: {  	_ =	swait.ge [sflag:s17], $0x4000  }
0x43: {  	[sflag:s17] =	ssyncset.done $0x0  }
0x44: {  	s28 =	simm.s32 $0x100;
	[sflag:s17] =	ssyncadd.s32 $0xFFFFC000  }
0x45: {  	[tilespmem:s16], [sflag:$0x1] =	stream.indirect.gather [hbm4b:s4+s19], $0x80, s28, s19, $0xb8;
	[tilespmem:$0x1E800] =	vst v63  }
0x46: {  	_ =	swait.ge [sflag:s22], $0x4000  }
0x47: {  	[sflag:s22] =	ssyncset.done $0x0  }
0x48: {  	s28 =	simm.s32 $0x1480;
	[sflag:s22] =	ssyncadd.s32 $0xFFFFC000  }
0x49: {  	[spmem:s1] =	stream.indirect.scatter.add.f32 [tilespmem:s20], [sflag:$0x3], $0x80, s28, s19, $0xb8;
	[tilespmem:$0x1E800] =	vst v63  }
0x4a: {  	_ =	swait.ge [sflag:s17], $0x4000  }
0x4b: {  	s29 =	simm.s32 $0x800;
	s28 =	simm.s32 $0x100;
	[sflag:s17] =	ssyncset.done $0x0  }
.LBB2_4:
0x4c: {  	s30 =	sadd.s32 $0x80, s28  }
0x4d: {  	[sflag:s17] =	ssyncadd.s32 $0xFFFFC000;
	s31 =	smov.u32 s29;
	s0 =	sadd.s32 $0x400, s29  }
0x4e: {  	[tilespmem:s20], [sflag:$0x2] =	stream.indirect.gather [hbm4b:s4+s19], $0x80, s30, s19, $0xb8;
	[tilespmem:$0x1E800] =	vst v63  }
0x4f: {  	p0 =	sne.s32 s29, $0x4800;
	_ =	swait.ge [sflag:s21], $0x4000  }
0x50: {  	[sflag:s21] =	ssyncset.done $0x0  }
0x51: {  	s29 =	sadd.s32 $0x1400, s28;
	[sflag:s21] =	ssyncadd.s32 $0xFFFFC000  }
0x52: {  	[spmem:s1] =	stream.indirect.scatter.add.f32 [tilespmem:s16], [sflag:$0x3], $0x80, s29, s19, $0xb8;
	[tilespmem:$0x1E800] =	vst v63  }
0x53: {  	_ =	swait.ge [sflag:s17], $0x4000  }
0x54: {  	[sflag:s17] =	ssyncset.done $0x0  }
0x55: {  	s29 =	sadd.s32 $0x100, s28;
	[sflag:s17] =	ssyncadd.s32 $0xFFFFC000  }
0x56: {  	[tilespmem:s16], [sflag:$0x1] =	stream.indirect.gather [hbm4b:s4+s19], $0x80, s29, s19, $0xb8;
	[tilespmem:$0x1E800] =	vst v63  }
0x57: {  	_ =	swait.ge [sflag:s22], $0x4000  }
.Ltmp1:
0x58: {  	[sflag:s22] =	ssyncset.done $0x0;
	(pc) =	sbr.rel @p0 .LBB2_4-.Ltmp1, $4  }
0x59: {  	s28 =	sadd.s32 $0x1480, s28;
	[sflag:s22] =	ssyncadd.s32 $0xFFFFC000  }
0x5a: {  	[spmem:s1] =	stream.indirect.scatter.add.f32 [tilespmem:s20], [sflag:$0x3], $0x80, s28, s19, $0xb8;
	[tilespmem:$0x1E800] =	vst v63  }
0x5b: {  	_ =	swait.ge [sflag:s17], $0x4000  }
0x5c: {  	s29 =	smov.u32 s0;
	s28 =	sshra.s32 s31, $0x2;
	[sflag:s17] =	ssyncset.done $0x0  }
0x5d: {  	s0 =	sadd.s32 $0x80, s28;
	[sflag:s17] =	ssyncadd.s32 $0xFFFFC000  }
0x5e: {  	[tilespmem:s20], [sflag:$0x2] =	stream.indirect.gather [hbm4b:s4+s19], $0x80, s0, s19, $0xb8;
	[tilespmem:$0x1E800] =	vst v63  }
0x5f: {  	_ =	swait.ge [sflag:s21], $0x4000  }
0x60: {  	[sflag:s21] =	ssyncset.done $0x0  }
0x61: {  	s30 =	sadd.s32 $0x1400, s28;
	[sflag:s21] =	ssyncadd.s32 $0xFFFFC000  }
0x62: {  	[spmem:s1] =	stream.indirect.scatter.add.f32 [tilespmem:s16], [sflag:$0x3], $0x80, s30, s19, $0xb8;
	[tilespmem:$0x1E800] =	vst v63  }
0x63: {  	_ =	swait.ge [sflag:s17], $0x4000  }
0x64: {  	[sflag:s17] =	ssyncset.done $0x0  }
0x65: {  	s31 =	sadd.s32 $0x100, s28;
	[sflag:s17] =	ssyncadd.s32 $0xFFFFC000  }
0x66: {  	[tilespmem:s16], [sflag:$0x1] =	stream.indirect.gather [hbm4b:s4+s19], $0x80, s31, s19, $0xb8;
	[tilespmem:$0x1E800] =	vst v63  }
0x67: {  	_ =	swait.ge [sflag:s22], $0x4000  }
0x68: {  	[sflag:s22] =	ssyncset.done $0x0  }
0x69: {  	s30 =	sadd.s32 $0x1480, s28;
	[sflag:s22] =	ssyncadd.s32 $0xFFFFC000  }
0x6a: {  	[spmem:s1] =	stream.indirect.scatter.add.f32 [tilespmem:s20], [sflag:$0x3], $0x80, s30, s19, $0xb8;
	[tilespmem:$0x1E800] =	vst v63  }
0x6b: {  	_ =	swait.ge [sflag:s17], $0x4000  }
0x6c: {  	[sflag:s17] =	ssyncset.done $0x0  }
0x6d: {  	[sflag:s17] =	ssyncadd.s32 $0xFFFFC000  }
0x6e: {  	[tilespmem:s20], [sflag:$0x2] =	stream.indirect.gather [hbm4b:s4+s19], $0x80, s23, s19, $0xb8;
	[tilespmem:$0x1E800] =	vst v63  }
0x6f: {  	_ =	swait.ge [sflag:s21], $0x4000  }
0x70: {  	[sflag:s21] =	ssyncset.done $0x0  }
0x71: {  	[sflag:s21] =	ssyncadd.s32 $0xFFFFC000  }
0x72: {  	[spmem:s1] =	stream.indirect.scatter.add.f32 [tilespmem:s16], [sflag:$0x3], $0x80, s24, s19, $0xb8;
	[tilespmem:$0x1E800] =	vst v63  }
0x73: {  	_ =	swait.ge [sflag:s17], $0x4000  }
0x74: {  	[sflag:s17] =	ssyncset.done $0x0  }
0x75: {  	[sflag:s17] =	ssyncadd.s32 $0xFFFFC000  }
0x76: {  	_ =	swait.ge [sflag:s22], $0x4000  }
0x77: {  	[sflag:s22] =	ssyncset.done $0x0  }
0x78: {  	[sflag:s22] =	ssyncadd.s32 $0xFFFFC000  }
0x79: {  	[spmem:s1] =	stream.indirect.scatter.add.f32 [tilespmem:s20], [sflag:$0x3], $0x80, s25, s19, $0xb8;
	[tilespmem:$0x1E800] =	vst v63  }
0x7a: {  	_ =	swait.ge [sflag:s17], $0x4000  }
0x7b: {  	[sflag:s17] =	ssyncset.done $0x0  }
0x7c: {  	s31 =	simm.s32 $0x0;
	[sflag:s17] =	ssyncadd.s32 $0xFFFFC000  }
0x7d: {  	[tilespmem:s31], [sflag:$0x3] =	stream.linear.gather [hbm4b:s8+s31], $0x1400, $0x38;
	[tilespmem:$0x1E800] =	vst v63  }
0x7e: {  	_ =	swait.ge [sflag:s17], $0x1400  }
0x7f: {  	[sflag:s17] =	ssyncset.done $0x0  }
0x80: {  	[sflag:s17] =	ssyncadd.s32 $0xFFFFEC00  }
0x81: {  	[tilespmem:s18], [sflag:$0x3] =	stream.linear.gather [hbm4b:s9+s31], $0x1400, $0x38;
	[tilespmem:$0x1E800] =	vst v63  }
0x82: {  	_ =	swait.ge [sflag:s17], $0x1400  }
0x83: {  	[sflag:s17] =	ssyncset.done $0x0  }
0x84: {  	[sflag:s17] =	ssyncadd.s32 $0xFFFFEC00  }
0x85: {  	[tilespmem:s16], [sflag:$0x1] =	stream.indirect.gather [hbm4b:s4+s19], $0x80, s31, s19, $0xb8;
	[tilespmem:$0x1E800] =	vst v63  }
0x86: {  	s30 =	simm.s32 $0x80  }
0x87: {  	[tilespmem:s20], [sflag:$0x2] =	stream.indirect.gather [hbm4b:s4+s19], $0x80, s30, s19, $0xb8;
	[tilespmem:$0x1E800] =	vst v63  }
0x88: {  	_ =	swait.ge [sflag:s21], $0x4000  }
0x89: {  	[sflag:s21] =	ssyncset.done $0x0  }
0x8a: {  	s31 =	simm.s32 $0x1400;
	[sflag:s21] =	ssyncadd.s32 $0xFFFFC000  }
0x8b: {  	[spmem:s1] =	stream.indirect.scatter.add.f32 [tilespmem:s16], [sflag:$0x3], $0x80, s31, s19, $0xb8;
	[tilespmem:$0x1E800] =	vst v63  }
0x8c: {  	_ =	swait.ge [sflag:s17], $0x4000  }
0x8d: {  	[sflag:s17] =	ssyncset.done $0x0  }
0x8e: {  	s30 =	simm.s32 $0x100;
	[sflag:s17] =	ssyncadd.s32 $0xFFFFC000  }
0x8f: {  	[tilespmem:s16], [sflag:$0x1] =	stream.indirect.gather [hbm4b:s4+s19], $0x80, s30, s19, $0xb8;
	[tilespmem:$0x1E800] =	vst v63  }
0x90: {  	_ =	swait.ge [sflag:s22], $0x4000  }
0x91: {  	[sflag:s22] =	ssyncset.done $0x0  }
0x92: {  	s31 =	simm.s32 $0x1480;
	[sflag:s22] =	ssyncadd.s32 $0xFFFFC000  }
0x93: {  	[spmem:s1] =	stream.indirect.scatter.add.f32 [tilespmem:s20], [sflag:$0x3], $0x80, s31, s19, $0xb8;
	[tilespmem:$0x1E800] =	vst v63  }
0x94: {  	_ =	swait.ge [sflag:s17], $0x4000  }
0x95: {  	s29 =	simm.s32 $0x800;
	s28 =	simm.s32 $0x100;
	[sflag:s17] =	ssyncset.done $0x0  }
.LBB2_6:
0x96: {  	s0 =	sadd.s32 $0x80, s28  }
0x97: {  	[sflag:s17] =	ssyncadd.s32 $0xFFFFC000;
	s30 =	smov.u32 s29;
	s31 =	sadd.s32 $0x400, s29  }
0x98: {  	[tilespmem:s20], [sflag:$0x2] =	stream.indirect.gather [hbm4b:s4+s19], $0x80, s0, s19, $0xb8;
	[tilespmem:$0x1E800] =	vst v63  }
0x99: {  	p0 =	sne.s32 s29, $0x4800;
	_ =	swait.ge [sflag:s21], $0x4000  }
0x9a: {  	[sflag:s21] =	ssyncset.done $0x0  }
0x9b: {  	s0 =	sadd.s32 $0x1400, s28;
	[sflag:s21] =	ssyncadd.s32 $0xFFFFC000  }
0x9c: {  	[spmem:s1] =	stream.indirect.scatter.add.f32 [tilespmem:s16], [sflag:$0x3], $0x80, s0, s19, $0xb8;
	[tilespmem:$0x1E800] =	vst v63  }
0x9d: {  	_ =	swait.ge [sflag:s17], $0x4000  }
0x9e: {  	[sflag:s17] =	ssyncset.done $0x0  }
0x9f: {  	s0 =	sadd.s32 $0x100, s28;
	[sflag:s17] =	ssyncadd.s32 $0xFFFFC000  }
0xa0: {  	[tilespmem:s16], [sflag:$0x1] =	stream.indirect.gather [hbm4b:s4+s19], $0x80, s0, s19, $0xb8;
	[tilespmem:$0x1E800] =	vst v63  }
0xa1: {  	_ =	swait.ge [sflag:s22], $0x4000  }
.Ltmp2:
0xa2: {  	[sflag:s22] =	ssyncset.done $0x0;
	(pc) =	sbr.rel @p0 .LBB2_6-.Ltmp2, $4  }
0xa3: {  	s0 =	sadd.s32 $0x1480, s28;
	[sflag:s22] =	ssyncadd.s32 $0xFFFFC000  }
0xa4: {  	[spmem:s1] =	stream.indirect.scatter.add.f32 [tilespmem:s20], [sflag:$0x3], $0x80, s0, s19, $0xb8;
	[tilespmem:$0x1E800] =	vst v63  }
0xa5: {  	_ =	swait.ge [sflag:s17], $0x4000  }
0xa6: {  	s29 =	smov.u32 s31;
	s28 =	sshra.s32 s30, $0x2;
	[sflag:s17] =	ssyncset.done $0x0  }
0xa7: {  	s0 =	sadd.s32 $0x80, s28;
	[sflag:s17] =	ssyncadd.s32 $0xFFFFC000  }
0xa8: {  	[tilespmem:s20], [sflag:$0x2] =	stream.indirect.gather [hbm4b:s4+s19], $0x80, s0, s19, $0xb8;
	[tilespmem:$0x1E800] =	vst v63  }
0xa9: {  	_ =	swait.ge [sflag:s21], $0x4000  }
0xaa: {  	[sflag:s21] =	ssyncset.done $0x0  }
0xab: {  	s30 =	sadd.s32 $0x1400, s28;
	[sflag:s21] =	ssyncadd.s32 $0xFFFFC000  }
0xac: {  	[spmem:s1] =	stream.indirect.scatter.add.f32 [tilespmem:s16], [sflag:$0x3], $0x80, s30, s19, $0xb8;
	[tilespmem:$0x1E800] =	vst v63  }
0xad: {  	_ =	swait.ge [sflag:s17], $0x4000  }
0xae: {  	[sflag:s17] =	ssyncset.done $0x0  }
0xaf: {  	s31 =	sadd.s32 $0x100, s28;
	[sflag:s17] =	ssyncadd.s32 $0xFFFFC000  }
0xb0: {  	[tilespmem:s16], [sflag:$0x1] =	stream.indirect.gather [hbm4b:s4+s19], $0x80, s31, s19, $0xb8;
	[tilespmem:$0x1E800] =	vst v63  }
0xb1: {  	_ =	swait.ge [sflag:s22], $0x4000  }
0xb2: {  	[sflag:s22] =	ssyncset.done $0x0  }
0xb3: {  	s29 =	sadd.s32 $0x1480, s28;
	[sflag:s22] =	ssyncadd.s32 $0xFFFFC000  }
0xb4: {  	[spmem:s1] =	stream.indirect.scatter.add.f32 [tilespmem:s20], [sflag:$0x3], $0x80, s29, s19, $0xb8;
	[tilespmem:$0x1E800] =	vst v63  }
0xb5: {  	_ =	swait.ge [sflag:s17], $0x4000  }
0xb6: {  	[sflag:s17] =	ssyncset.done $0x0  }
0xb7: {  	[sflag:s17] =	ssyncadd.s32 $0xFFFFC000  }
0xb8: {  	[tilespmem:s20], [sflag:$0x2] =	stream.indirect.gather [hbm4b:s4+s19], $0x80, s23, s19, $0xb8;
	[tilespmem:$0x1E800] =	vst v63  }
0xb9: {  	_ =	swait.ge [sflag:s21], $0x4000  }
0xba: {  	[sflag:s21] =	ssyncset.done $0x0  }
0xbb: {  	[sflag:s21] =	ssyncadd.s32 $0xFFFFC000  }
0xbc: {  	[spmem:s1] =	stream.indirect.scatter.add.f32 [tilespmem:s16], [sflag:$0x3], $0x80, s24, s19, $0xb8;
	[tilespmem:$0x1E800] =	vst v63  }
0xbd: {  	_ =	swait.ge [sflag:s17], $0x4000  }
0xbe: {  	[sflag:s17] =	ssyncset.done $0x0  }
0xbf: {  	[sflag:s17] =	ssyncadd.s32 $0xFFFFC000  }
0xc0: {  	_ =	swait.ge [sflag:s22], $0x4000  }
0xc1: {  	[sflag:s22] =	ssyncset.done $0x0  }
0xc2: {  	[sflag:s22] =	ssyncadd.s32 $0xFFFFC000  }
0xc3: {  	[spmem:s1] =	stream.indirect.scatter.add.f32 [tilespmem:s20], [sflag:$0x3], $0x80, s25, s19, $0xb8;
	[tilespmem:$0x1E800] =	vst v63  }
0xc4: {  	_ =	swait.ge [sflag:s17], $0x4000  }
0xc5: {  	s26 =	sadd.s32 $0x1, s26;
	s30 =	sshll.u32 s2, $0x6;
	[sflag:s17] =	ssyncset.done $0x0  }
0xc6: {  	p0 =	sne.s32 s26, s11;
	s0 =	sor.u32 $0x1C03, s30;
	[sflag:s17] =	ssyncadd.s32 $0xFFFFC000  }
.Ltmp3:
0xc7: {  	s31 =	sshrl.u32 s5, $0x3;
	[bflag:$0x0] =	sbarrier.arrive $0xFFFF;
	(pc) =	sbr.rel @p0 .LBB2_1-.Ltmp3, $4  }
0xc8: {  	[hbm:s10], [sflag:s0] =	dma.local [spmem:s31], $0x2800  }
0xc9: {  	_ =	swait.ge [sflag:s17], $0x2800  }
0xca: {  	[sflag:s17] =	ssyncset.done $0x0  }
0xcb: {  	[sflag:s17] =	ssyncadd.s32 $0xFFFFD800  }
0xcc: {  	_ =	sfence.sel $0x180000  }
0xcd: {  	[bflag:$0x0] =	sbarrier.arrive $0xFFFF  }
0xce: {  	_ =	strace $0x9000004A  }
0xcf: {  	[bflag:$0x2] =	sbarrier.arrive $0xFFFF  }
0xd0: {  	p0 =	sne.s32 s2, $0x0;
	s0 =	rddreg [dreg:$0x3]  }
0xd1: {  	s0 =	sadd.s32 @!p0 $0x100000, s0  }
0xd2: {  	[sflag:s0] =	ssyncadd.tile.s32 @!p0 $0x1;
	_ =	shalt  }
.Lfunc_end2:
_tile_overlayer_lowered:
.L_overlay_start_2:
0xd3: {  	(tag) =	ssettag $0x2  }
0xd4: {  	s0 =	rddreg [dreg:$0x0];
	s2 =	stileid.u32  }
0xd5: {  	s1 =	rddreg [dreg:$0x1];
	p0 =	sne.s32 s2, $0x0  }
0xd6: {  	s3 =	rddreg [dreg:$0x2];
	[bflag:$0x3] =	sbarrier.arrive $0xFFFF;
	s2 =	simm.s32 @!p0 $0x1C03  }
0xd7: {  	[timem:s3], [sflag:s2] =	dma.local @!p0 [hbm:s0], s1  }
0xd8: {  	s0 =	simm.s32 @!p0 $0x3  }
0xd9: {  	_ =	swait.ge @!p0 [sflag:s0], s1  }
0xda: {  	s1 =	ssub.s32 @!p0 $0x0, s1;
	[sflag:s0] =	ssyncset.done @!p0 $0x0  }
0xdb: {  	[sflag:s0] =	ssyncadd.s32 @!p0 s1  }
0xdc: {  	[bflag:$0x3] =	sbarrier.arrive $0xFFFF  }
0xdd: {  	_ =	shalt  }

// kernel: kernel.15.cloned.1.call-start
scs
__scs_entry_jumppad:
0x0: {  	(pc) =	sbr.rel $0x88, $3  }
0x1: {  	(tag) =	ssettag $0x0;
	lr =	simm.s32 $0x1  }
0x2: {  	[smem:$0x3F8A] =	sst lr;
	_ =	strace $0xD0000000  }
0x3: {  	_ = 	snop  }
0x4: {  	_ = 	snop  }
0x5: {  	_ = 	snop  }
0x6: {  	_ = 	snop  }
0x7: {  	_ = 	snop  }
__scs_overlays_trampoline_lowered:
0x8: {  	[smem:$0x3F99] =	sst s0  }
0x9: {  	[smem:$0x3F9A] =	sst s1  }
0xa: {  	[smem:$0x3F9B] =	sst s2  }
0xb: {  	[smem:$0x3F9C] =	sst s3  }
0xc: {  	[smem:$0x3F9D] =	sst s4  }
0xd: {  	[smem:$0x3F9E] =	sst s5  }
0xe: {  	[smem:$0x3F9F] =	sst s6  }
0xf: {  	[smem:$0x3FA0] =	sst s7  }
0x10: {  	[smem:$0x3FA1] =	sst s8  }
0x11: {  	[smem:$0x3FA2] =	sst s9;
	s0 =	simm.s32 @!p0 $0x0  }
0x12: {  	s1 =	sld [smem:$0x3F88];
	s0 =	simm.s32 @p0 $0x1  }
0x13: {  	[smem:$0x3FA3] =	sst s0;
	s0 =	simm.s32 @!p1 $0x0  }
0x14: {  	s2 =	sld [smem:$0x3F87];
	s0 =	simm.s32 @p1 $0x1  }
0x15: {  	[smem:$0x3FA4] =	sst s0;
	s0 =	simm.s32 @!p2 $0x0  }
0x16: {  	s3 =	sld [smem:$0x3FDB];
	s0 =	simm.s32 @p2 $0x1  }
0x17: {  	s4 =	simm.s32 $0x1BF5;
	[smem:$0x3FA6] =	sst s0  }
0x18: {  	s0 =	sld [smem:$0x3F89];
	_ =	swait.ge [sflag:s4], $0x0  }
0x19: {  	s7 =	sld [smem:$0x3F8A]  }
0x1a: {  	s8 =	sadd.s32 $0xFFFFE003, lr  }
0x1b: {  	s9 =	sadd.s32 $0xFFFFFEF7, lr;
	s5 =	simm.s32 $0xFFFFFFFF;
	p2 =	slt.u32 s8, $0xFFFFF086  }
0x1c: {  	p1 =	slt.u32 s9, $0xF7A;
	s5 =	simm.s32 @!p2 $0x0  }
0x1d: {  	s5 =	simm.s32 @p1 $0x1;
	p0 =	seq.s32 s7, s2  }
0x1e: {  	s7 =	smul.u32 @!p0 $0xF7A, s2;
	p2 =	seq.s32 @!p0 s5, $0x0  }
0x1f: {  	s9 =	smul.u32 $0xF7A, s1;
	s8 =	simm.s32 @!p0 $0x1BF5;
	p2 =	por !p2, p0  }
0x20: {  	[sflag:s8] =	ssyncset.s32 @!p0 $0xFFFFF086;
	s6 =	sadd.s32 @!p0 s3, s7;
	s7 =	simm.s32 @!p0 $0x108  }
0x21: {  	s3 =	sadd.s32 s3, s9;
	s6 =	sadd.s32 @!p0 $0x88, s6;
	s7 =	simm.s32 @p2 $0x1082  }
0x22: {  	[simem:s7], [sflag:s8] =	dma.local @!p0 [hbm:s6], $0xF7A  }
0x23: {  	s9 =	sor.u32 $0xD0000000, s2;
	s6 =	simm.s32 $0x108;
	_ =	swait.ge @!p0 [sflag:s8], $0x0  }
0x24: {  	s3 =	sadd.s32 $0x88, s3;
	s6 =	simm.s32 @!p1 $0x1082;
	[sflag:s4] =	ssyncset.s32 $0xFFFFF086  }
0x25: {  	[simem:s6], [sflag:s4] =	dma.local [hbm:s3], $0xF7A  }
0x26: {  	[smem:$0x3F8A] =	sst s1;
	(tag) =	ssettag s2;
	_ =	strace s9  }
0x27: {  	s1 =	sld [smem:$0x3F9A]  }
0x28: {  	s2 =	sld [smem:$0x3F9B]  }
0x29: {  	s4 =	sld [smem:$0x3F9D]  }
0x2a: {  	p0 =	seq.s32 s5, $0x0;
	s5 =	sld [smem:$0x3F9E]  }
0x2b: {  	s6 =	sld [smem:$0x3F9F]  }
0x2c: {  	s7 =	sld [smem:$0x3FA0]  }
0x2d: {  	s3 =	simm.s32 $0x108;
	s8 =	sld [smem:$0x3FA1]  }
0x2e: {  	s3 =	simm.s32 @!p0 $0x1082;
	s9 =	sld [smem:$0x3FA2]  }
0x2f: {  	lr =	sadd.s32 s0, s3;
	s0 =	sld [smem:$0x3F99]  }
0x30: {  	s3 =	sld [smem:$0x3F9C]  }
0x31: {  	[smem:$0x3FA5] =	sst s10  }
0x32: {  	s10 =	sld [smem:$0x3FA3];
	_ =	sdelay $0x3  }
0x33: {  	p0 =	seq.s32 s10, $0x1;
	s10 =	sld [smem:$0x3FA5];
	_ =	sdelay $0x3  }
0x34: {  	[smem:$0x3FA5] =	sst s10  }
0x35: {  	s10 =	sld [smem:$0x3FA4];
	_ =	sdelay $0x3  }
0x36: {  	p1 =	seq.s32 s10, $0x1;
	s10 =	sld [smem:$0x3FA5];
	_ =	sdelay $0x3  }
0x37: {  	[smem:$0x3FA5] =	sst s10  }
0x38: {  	s10 =	sld [smem:$0x3FA6]  }
0x39: {  	_ = 	snop;
	(pc) =	sbr.ind lr, $3  }
0x3a: {  	_ = 	snop  }
0x3b: {  	_ = 	snop  }
0x3c: {  	p2 =	seq.s32 s10, $0x1;
	s10 =	sld [smem:$0x3FA5]  }
0x3d: {  	_ =	shalt  }
0x3e: {  	_ =	shalt  }
0x3f: {  	_ =	shalt  }
0x40: {  	_ =	shalt  }
0x41: {  	_ =	shalt  }
0x42: {  	_ =	shalt  }
0x43: {  	_ =	shalt  }
0x44: {  	_ =	shalt  }
0x45: {  	_ =	shalt  }
0x46: {  	_ =	shalt  }
0x47: {  	_ =	shalt  }
0x48: {  	_ =	shalt  }
0x49: {  	_ =	shalt  }
0x4a: {  	_ =	shalt  }
0x4b: {  	_ =	shalt  }
0x4c: {  	_ =	shalt  }
0x4d: {  	_ =	shalt  }
0x4e: {  	_ =	shalt  }
0x4f: {  	_ =	shalt  }
0x50: {  	_ =	shalt  }
0x51: {  	_ =	shalt  }
0x52: {  	_ =	shalt  }
0x53: {  	_ =	shalt  }
0x54: {  	_ =	shalt  }
0x55: {  	_ =	shalt  }
0x56: {  	_ =	shalt  }
0x57: {  	_ =	shalt  }
0x58: {  	_ =	shalt  }
0x59: {  	_ =	shalt  }
0x5a: {  	_ =	shalt  }
0x5b: {  	_ =	shalt  }
0x5c: {  	_ =	shalt  }
0x5d: {  	_ =	shalt  }
0x5e: {  	_ =	shalt  }
0x5f: {  	_ =	shalt  }
0x60: {  	_ =	shalt  }
0x61: {  	_ =	shalt  }
0x62: {  	_ =	shalt  }
0x63: {  	_ =	shalt  }
0x64: {  	_ =	shalt  }
0x65: {  	_ =	shalt  }
0x66: {  	_ =	shalt  }
0x67: {  	_ =	shalt  }
0x68: {  	_ =	shalt  }
0x69: {  	_ =	shalt  }
0x6a: {  	_ =	shalt  }
0x6b: {  	_ =	shalt  }
0x6c: {  	_ =	shalt  }
0x6d: {  	_ =	shalt  }
0x6e: {  	_ =	shalt  }
0x6f: {  	_ =	shalt  }
0x70: {  	_ =	shalt  }
0x71: {  	_ =	shalt  }
0x72: {  	_ =	shalt  }
0x73: {  	_ =	shalt  }
0x74: {  	_ =	shalt  }
0x75: {  	_ =	shalt  }
0x76: {  	_ =	shalt  }
0x77: {  	_ =	shalt  }
0x78: {  	_ =	shalt  }
0x79: {  	_ =	shalt  }
0x7a: {  	_ =	shalt  }
0x7b: {  	_ =	shalt  }
0x7c: {  	_ =	shalt  }
0x7d: {  	_ =	shalt  }
0x7e: {  	_ =	shalt  }
0x7f: {  	_ =	shalt  }
0x80: {  	_ =	shalt  }
0x81: {  	_ =	shalt  }
0x82: {  	_ =	shalt  }
0x83: {  	_ =	shalt  }
0x84: {  	_ =	shalt  }
0x85: {  	_ =	shalt  }
0x86: {  	_ =	shalt  }
0x87: {  	_ =	shalt  }
.Lfunc_end0:
.L_simem_size_0:
called_computation.2_lowered:
.L_overlay_start_0:
0x88: {  	s2 =	sld [smem:$0x3FD9]  }
0x89: {  	s3 =	sld [smem:$0x3FFE];
	_ =	sdelay $0x1  }
0x8a: {  	s1 =	srdreg.scid  }
0x8b: {  	s0 =	sand.u32 $0x1, s1  }
0x8c: {  	s17 =	sshll.u32 s0, $0xA;
	s2 =	sadd.s32 s3, s2  }
0x8d: {  	s2 =	sadd.s32 s2, s17  }
0x8e: {  	[smem:$0x3FB1] =	sst s2  }
0x8f: {  	_ = 	snop  }
0x90: {  	s2 =	sld [smem:$0x3FD0];
	(tm) =	ssettm $0x1  }
0x91: {  	s18 =	sld [smem:$0x3FFB];
	_ =	sdelay $0x3  }
0x92: {  	_ =	strace s18  }
0x93: {  	s3 =	sld [smem:$0x3FFC];
	_ =	sdelay $0x3  }
0x94: {  	_ =	strace s3  }
0x95: {  	s3 =	sld [smem:$0x3FFD];
	_ =	sdelay $0x3  }
0x96: {  	_ =	strace s3  }
0x97: {  	_ =	strace $0x8FFFFFFF  }
0x98: {  	s19 =	sld [smem:$0x3FDB];
	_ =	sdelay $0x1  }
0x99: {  	s4 =	simm.s32 $_scs_section_size  }
0x9a: {  	s5 =	simm.s32 $_size__tile_overlayer_lowered;
	s6 =	simm.s32 $_tile_overlayer_lowered  }
0x9b: {  	s22 =	simm.s32 $0x1BFF;
	s21 =	sshll.u32 s6, $0x1;
	s3 =	sadd.s32 s4, s19  }
0x9c: {  	s7 =	simm.s32 $0x0;
	s20 =	sshll.u32 s5, $0x1;
	s5 =	sadd.s32 s21, s3  }
0x9d: {  	[timem:s7], [sflag:s22] =	dma.local [hbm:s5], s20  }
0x9e: {  	_ =	swait.ge [sflag:s22], s20  }
0x9f: {  	s4 =	ssub.s32 $0x0, s20;
	[sflag:s22] =	ssyncset.done $0x0  }
0xa0: {  	[sflag:s22] =	ssyncadd.s32 s4;
	_ =	sdelay $0x1  }
0xa1: {  	s23 =	simm.s32 $0x1B8B  }
0xa2: {  	_ =	swait.ge [sflag:s23], $0x1  }
0xa3: {  	[sflag:s23] =	ssyncset.done $0x0  }
0xa4: {  	s25 =	simm.s32 $0x1B8E;
	s24 =	sld [smem:$0x3FFE];
	[sflag:s23] =	ssyncadd.s32 $0xFFFFFFFF  }
0xa5: {  	s26 =	simm.s32 $execute0_lowered;
	[smem:$0x3FD2] =	sst s25  }
0xa6: {  	s5 =	sshll.u32 s26, $0x1;
	_ =	strace $0x8000004C;
	[dreg:$0x1] =	wrdreg $0xFFFFFFFF  }
0xa7: {  	s28 =	simm.s32 $_size_execute0_lowered;
	s3 =	sadd.s32 s3, s5;
	[dreg:$0x0] =	wrdreg $0x0  }
0xa8: {  	s5 =	sshll.u32 s28, $0x1;
	[dreg:$0x2] =	wrdreg s3  }
0xa9: {  	[dreg:$0x3] =	wrdreg s5  }
0xaa: {  	[dreg:$0x4] =	wrdreg $0xC0  }
0xab: {  	_ =	task [dreg:s7], $0x5FFFF  }
0xac: {  	[dreg:$0x1] =	wrdreg $0xFFFFFFFF  }
0xad: {  	[dreg:$0x0] =	wrdreg $0x60  }
0xae: {  	[dreg:$0x2] =	wrdreg s24  }
0xaf: {  	[dreg:$0x3] =	wrdreg s2  }
0xb0: {  	[dreg:$0x4] =	wrdreg $0xA8000  }
0xb1: {  	[dreg:$0x5] =	wrdreg $0x9  }
0xb2: {  	_ =	task.clear_ibuf [dreg:s7], $0x6FFFF;
	_ =	strace $0x9000004C  }
0xb3: {  	s29 =	simm.s32 $0x9;
	_ =	strace $0x8000004E  }
0xb4: {  	_ =	swait.ge [sflag:s29], $0x1  }
0xb5: {  	[sflag:s29] =	ssyncadd.s32 $0xFFFFFFFF  }
0xb6: {  	_ =	strace $0x9000004E  }
0xb7: {  	_ =	sfence  }
0xb8: {  	s30 =	sld [smem:$0x0];
	_ =	sdelay $0x2  }
0xb9: {  	s31 =	sshll.u32 s1, $0xD;
	s1 =	sshrl.u32 s1, $0x2  }
0xba: {  	s3 =	sand.u32 $0x4000, s31;
	s1 =	sadd.s32 s1, s30  }
0xbb: {  	s0 =	sor.u32 s3, s0;
	s1 =	sshll.u32 s1, $0x11  }
0xbc: {  	s0 =	sor.u32 s1, s0  }
0xbd: {  	s0 =	sadd.s32 $0x8F2B, s0  }
0xbe: {  	[sflag:s0] =	ssyncadd.remote.s32 $0x1  }
0xbf: {  	_ =	sfence.sel $0xFFFF  }
0xc0: {  	[dreg:$0x0] =	wrdreg $0xFFFFFFFF;
	(pc) =	sbr.abs _section_cstart, $3  }
0xc1: {  	[dreg:$0x1] =	wrdreg $0xFFFFFFFF  }
0xc2: {  	_ =	task.clear_ibuf [dreg:s7], $0x2FFFF;
	_ =	strace $0x9FFFFFFF  }
0xc3: {  	(tm) =	ssettm $0x7FFFFFFF  }
tec
execute0_lowered:
.L_overlay_start_1:
0x0: {  	(tag) =	ssettag $0x1  }
0x1: {  	s5 =	rddreg [dreg:$0x0]  }
0x2: {  	s8 =	rddreg [dreg:$0x1]  }
0x3: {  	s1 =	rddreg [dreg:$0x2];
	s2 =	srdreg.scid  }
0x4: {  	s3 =	simm.s32 $0x0;
	s16 =	simm.s32 $0x2800;
	s17 =	simm.s32 $0x3  }
0x5: {  	s18 =	simm.s32 $0x1400;
	s19 =	simm.s32 $0x80;
	s20 =	simm.s32 $0x6800  }
0x6: {  	s21 =	simm.s32 $0x1;
	s22 =	simm.s32 $0x2;
	s23 =	simm.s32 $0x1380  }
0x7: {  	s24 =	simm.s32 $0x2700;
	s6 =	sand.u32 $0x1, s2;
	s2 =	stileid.u32  }
0x8: {  	[smem:$0x7FF] =	sst s3;
	s4 =	sadd.s32 $0x36E00, s5;
	s7 =	smul.u32 $0x140000, s6  }
0x9: {  	s12 =	sadd.s32 $0x5C00, s5;
	s9 =	smul.u32 $0x14000, s2;
	s10 =	sshll.u32 s2, $0x1  }
0xa: {  	_ =	strace $0x8000004D;
	s26 =	smul.u32 $0x50000, s2;
	s25 =	sor.u32 s6, s10  }
0xb: {  	s6 =	ssub.s32 $0x2, s6;
	s7 =	sadd.s32 s9, s7;
	s11 =	smul.u32 $0x2800, s25  }
0xc: {  	s28 =	sshrl.u32 s6, $0x1;
	s29 =	sshrl.u32 s26, $0x2;
	s9 =	smul.u32 $0x500, s25  }
0xd: {  	s25 =	simm.s32 $0x2780;
	s26 =	simm.s32 $0x0;
	s7 =	sshrl.u32 s7, $0x3  }
0xe: {  	s31 =	ssub.s32 s6, s28;
	s13 =	sadd.s32 s7, s5;
	s30 =	sshrl.u32 s11, $0x3  }
0xf: {  	s5 =	sadd.s32 s29, s1;
	s6 =	sadd.s32 s8, s9;
	s7 =	sadd.s32 s12, s9  }
0x10: {  	s11 =	smax.u32 s31, $0x1;
	s10 =	sadd.s32 $0x280, s30;
	s14 =	sadd.s32 $0xC000, s5  }
0x11: {  	s15 =	sadd.s32 $0x10000, s5;
	s8 =	sadd.s32 s8, s10;
	s9 =	sadd.s32 s12, s10  }
0x12: {  	v0 =	vimm.f32 $0.0e+00;
	s10 =	sadd.s32 $0x5E000, s13;
	s12 =	sadd.s32 $0x4000, s5;
	s13 =	sadd.s32 $0x8000, s5  }
.LBB2_1:
0x13: {  	s28 =	sand.u32 $0xFE00, s3  }
0x14: {  	s29 =	sand.u32 $0x70, s3;
	s30 =	sshrl.u32 s28, $0x2  }
0x15: {  	s28 =	simm.s32 $0x40;
	s30 =	sor.u32 s29, s30;
	s29 =	simm.s32 $0x0  }
.LBB2_2:
0x16: {  	p0 =	sne.s32 s28, $0xFFC0  }
0x17: {  	[tilespmem:s30+$0x2800] =	vst v0;
	s29 =	sadd.s32 $0x10, s29;
	s30 =	smov.u32 s28;
	s28 =	sadd.s32 $0x40, s28  }
.Ltmp0:
0x18: {  	(pc) =	sbr.rel @p0 .LBB2_2-.Ltmp0, $4  }
0x19: {  	_ = 	snop  }
0x1a: {  	s30 =	sand.u32 $0xFE00, s30  }
0x1b: {  	s31 =	sand.u32 $0x70, s29;
	s30 =	sshrl.u32 s30, $0x2  }
0x1c: {  	s30 =	sor.u32 s31, s30  }
0x1d: {  	[tilespmem:s30+$0x2800] =	vst v0  }
0x1e: {  	[spmem:s5] =	stream.linear.scatter [tilespmem:s16], [sflag:$0x3], $0x4000, $0x38;
	[tilespmem:$0x1E800] =	vst v63  }
0x1f: {  	_ =	swait.ge [sflag:s17], $0x4000  }
0x20: {  	[sflag:s17] =	ssyncset.done $0x0  }
0x21: {  	[sflag:s17] =	ssyncadd.s32 $0xFFFFC000  }
0x22: {  	[spmem:s12] =	stream.linear.scatter [tilespmem:s16], [sflag:$0x3], $0x4000, $0x38;
	[tilespmem:$0x1E800] =	vst v63  }
0x23: {  	_ =	swait.ge [sflag:s17], $0x4000  }
0x24: {  	[sflag:s17] =	ssyncset.done $0x0  }
0x25: {  	[sflag:s17] =	ssyncadd.s32 $0xFFFFC000  }
0x26: {  	[spmem:s13] =	stream.linear.scatter [tilespmem:s16], [sflag:$0x3], $0x4000, $0x38;
	[tilespmem:$0x1E800] =	vst v63  }
0x27: {  	_ =	swait.ge [sflag:s17], $0x4000  }
0x28: {  	[sflag:s17] =	ssyncset.done $0x0  }
0x29: {  	[sflag:s17] =	ssyncadd.s32 $0xFFFFC000  }
0x2a: {  	[spmem:s14] =	stream.linear.scatter [tilespmem:s16], [sflag:$0x3], $0x4000, $0x38;
	[tilespmem:$0x1E800] =	vst v63  }
0x2b: {  	_ =	swait.ge [sflag:s17], $0x4000  }
0x2c: {  	[sflag:s17] =	ssyncset.done $0x0  }
0x2d: {  	[sflag:s17] =	ssyncadd.s32 $0xFFFFC000  }
0x2e: {  	[spmem:s15] =	stream.linear.scatter [tilespmem:s16], [sflag:$0x3], $0x4000, $0x38;
	[tilespmem:$0x1E800] =	vst v63  }
0x2f: {  	_ =	swait.ge [sflag:s17], $0x4000  }
0x30: {  	[sflag:s17] =	ssyncset.done $0x0  }
0x31: {  	[sflag:s17] =	ssyncadd.s32 $0xFFFFC000  }
0x32: {  	s28 =	simm.s32 $0x0;
	[bflag:$0x0] =	sbarrier.arrive $0xFFFF  }
0x33: {  	[tilespmem:s28], [sflag:$0x3] =	stream.linear.gather [hbm4b:s6+s28], $0x1400, $0x38;
	[tilespmem:$0x1E800] =	vst v63  }
0x34: {  	_ =	swait.ge [sflag:s17], $0x1400  }
0x35: {  	[sflag:s17] =	ssyncset.done $0x0  }
0x36: {  	[sflag:s17] =	ssyncadd.s32 $0xFFFFEC00  }
0x37: {  	[tilespmem:s18], [sflag:$0x3] =	stream.linear.gather [hbm4b:s7+s28], $0x1400, $0x38;
	[tilespmem:$0x1E800] =	vst v63  }
0x38: {  	_ =	swait.ge [sflag:s17], $0x1400  }
0x39: {  	[sflag:s17] =	ssyncset.done $0x0  }
0x3a: {  	[sflag:s17] =	ssyncadd.s32 $0xFFFFEC00  }
0x3b: {  	[tilespmem:s16], [sflag:$0x1] =	stream.indirect.gather [hbm4b:s4+s19], $0x80, s28, s19, $0xb8;
	[tilespmem:$0x1E800] =	vst v63  }
0x3c: {  	s28 =	simm.s32 $0x80  }
0x3d: {  	[tilespmem:s20], [sflag:$0x2] =	stream.indirect.gather [hbm4b:s4+s19], $0x80, s28, s19, $0xb8;
	[tilespmem:$0x1E800] =	vst v63  }
0x3e: {  	_ =	swait.ge [sflag:s21], $0x4000  }
0x3f: {  	[sflag:s21] =	ssyncset.done $0x0  }
0x40: {  	s28 =	simm.s32 $0x1400;
	[sflag:s21] =	ssyncadd.s32 $0xFFFFC000  }
0x41: {  	[spmem:s1] =	stream.indirect.scatter.add.f32 [tilespmem:s16], [sflag:$0x3], $0x80, s28, s19, $0xb8;
	[tilespmem:$0x1E800] =	vst v63  }
0x42: {  	_ =	swait.ge [sflag:s17], $0x4000  }
0x43: {  	[sflag:s17] =	ssyncset.done $0x0  }
0x44: {  	s28 =	simm.s32 $0x100;
	[sflag:s17] =	ssyncadd.s32 $0xFFFFC000  }
0x45: {  	[tilespmem:s16], [sflag:$0x1] =	stream.indirect.gather [hbm4b:s4+s19], $0x80, s28, s19, $0xb8;
	[tilespmem:$0x1E800] =	vst v63  }
0x46: {  	_ =	swait.ge [sflag:s22], $0x4000  }
0x47: {  	[sflag:s22] =	ssyncset.done $0x0  }
0x48: {  	s28 =	simm.s32 $0x1480;
	[sflag:s22] =	ssyncadd.s32 $0xFFFFC000  }
0x49: {  	[spmem:s1] =	stream.indirect.scatter.add.f32 [tilespmem:s20], [sflag:$0x3], $0x80, s28, s19, $0xb8;
	[tilespmem:$0x1E800] =	vst v63  }
0x4a: {  	_ =	swait.ge [sflag:s17], $0x4000  }
0x4b: {  	s29 =	simm.s32 $0x800;
	s28 =	simm.s32 $0x100;
	[sflag:s17] =	ssyncset.done $0x0  }
.LBB2_4:
0x4c: {  	s30 =	sadd.s32 $0x80, s28  }
0x4d: {  	[sflag:s17] =	ssyncadd.s32 $0xFFFFC000;
	s31 =	smov.u32 s29;
	s0 =	sadd.s32 $0x400, s29  }
0x4e: {  	[tilespmem:s20], [sflag:$0x2] =	stream.indirect.gather [hbm4b:s4+s19], $0x80, s30, s19, $0xb8;
	[tilespmem:$0x1E800] =	vst v63  }
0x4f: {  	p0 =	sne.s32 s29, $0x4800;
	_ =	swait.ge [sflag:s21], $0x4000  }
0x50: {  	[sflag:s21] =	ssyncset.done $0x0  }
0x51: {  	s29 =	sadd.s32 $0x1400, s28;
	[sflag:s21] =	ssyncadd.s32 $0xFFFFC000  }
0x52: {  	[spmem:s1] =	stream.indirect.scatter.add.f32 [tilespmem:s16], [sflag:$0x3], $0x80, s29, s19, $0xb8;
	[tilespmem:$0x1E800] =	vst v63  }
0x53: {  	_ =	swait.ge [sflag:s17], $0x4000  }
0x54: {  	[sflag:s17] =	ssyncset.done $0x0  }
0x55: {  	s29 =	sadd.s32 $0x100, s28;
	[sflag:s17] =	ssyncadd.s32 $0xFFFFC000  }
0x56: {  	[tilespmem:s16], [sflag:$0x1] =	stream.indirect.gather [hbm4b:s4+s19], $0x80, s29, s19, $0xb8;
	[tilespmem:$0x1E800] =	vst v63  }
0x57: {  	_ =	swait.ge [sflag:s22], $0x4000  }
.Ltmp1:
0x58: {  	[sflag:s22] =	ssyncset.done $0x0;
	(pc) =	sbr.rel @p0 .LBB2_4-.Ltmp1, $4  }
0x59: {  	s28 =	sadd.s32 $0x1480, s28;
	[sflag:s22] =	ssyncadd.s32 $0xFFFFC000  }
0x5a: {  	[spmem:s1] =	stream.indirect.scatter.add.f32 [tilespmem:s20], [sflag:$0x3], $0x80, s28, s19, $0xb8;
	[tilespmem:$0x1E800] =	vst v63  }
0x5b: {  	_ =	swait.ge [sflag:s17], $0x4000  }
0x5c: {  	s29 =	smov.u32 s0;
	s28 =	sshra.s32 s31, $0x2;
	[sflag:s17] =	ssyncset.done $0x0  }
0x5d: {  	s0 =	sadd.s32 $0x80, s28;
	[sflag:s17] =	ssyncadd.s32 $0xFFFFC000  }
0x5e: {  	[tilespmem:s20], [sflag:$0x2] =	stream.indirect.gather [hbm4b:s4+s19], $0x80, s0, s19, $0xb8;
	[tilespmem:$0x1E800] =	vst v63  }
0x5f: {  	_ =	swait.ge [sflag:s21], $0x4000  }
0x60: {  	[sflag:s21] =	ssyncset.done $0x0  }
0x61: {  	s30 =	sadd.s32 $0x1400, s28;
	[sflag:s21] =	ssyncadd.s32 $0xFFFFC000  }
0x62: {  	[spmem:s1] =	stream.indirect.scatter.add.f32 [tilespmem:s16], [sflag:$0x3], $0x80, s30, s19, $0xb8;
	[tilespmem:$0x1E800] =	vst v63  }
0x63: {  	_ =	swait.ge [sflag:s17], $0x4000  }
0x64: {  	[sflag:s17] =	ssyncset.done $0x0  }
0x65: {  	s31 =	sadd.s32 $0x100, s28;
	[sflag:s17] =	ssyncadd.s32 $0xFFFFC000  }
0x66: {  	[tilespmem:s16], [sflag:$0x1] =	stream.indirect.gather [hbm4b:s4+s19], $0x80, s31, s19, $0xb8;
	[tilespmem:$0x1E800] =	vst v63  }
0x67: {  	_ =	swait.ge [sflag:s22], $0x4000  }
0x68: {  	[sflag:s22] =	ssyncset.done $0x0  }
0x69: {  	s30 =	sadd.s32 $0x1480, s28;
	[sflag:s22] =	ssyncadd.s32 $0xFFFFC000  }
0x6a: {  	[spmem:s1] =	stream.indirect.scatter.add.f32 [tilespmem:s20], [sflag:$0x3], $0x80, s30, s19, $0xb8;
	[tilespmem:$0x1E800] =	vst v63  }
0x6b: {  	_ =	swait.ge [sflag:s17], $0x4000  }
0x6c: {  	[sflag:s17] =	ssyncset.done $0x0  }
0x6d: {  	[sflag:s17] =	ssyncadd.s32 $0xFFFFC000  }
0x6e: {  	[tilespmem:s20], [sflag:$0x2] =	stream.indirect.gather [hbm4b:s4+s19], $0x80, s23, s19, $0xb8;
	[tilespmem:$0x1E800] =	vst v63  }
0x6f: {  	_ =	swait.ge [sflag:s21], $0x4000  }
0x70: {  	[sflag:s21] =	ssyncset.done $0x0  }
0x71: {  	[sflag:s21] =	ssyncadd.s32 $0xFFFFC000  }
0x72: {  	[spmem:s1] =	stream.indirect.scatter.add.f32 [tilespmem:s16], [sflag:$0x3], $0x80, s24, s19, $0xb8;
	[tilespmem:$0x1E800] =	vst v63  }
0x73: {  	_ =	swait.ge [sflag:s17], $0x4000  }
0x74: {  	[sflag:s17] =	ssyncset.done $0x0  }
0x75: {  	[sflag:s17] =	ssyncadd.s32 $0xFFFFC000  }
0x76: {  	_ =	swait.ge [sflag:s22], $0x4000  }
0x77: {  	[sflag:s22] =	ssyncset.done $0x0  }
0x78: {  	[sflag:s22] =	ssyncadd.s32 $0xFFFFC000  }
0x79: {  	[spmem:s1] =	stream.indirect.scatter.add.f32 [tilespmem:s20], [sflag:$0x3], $0x80, s25, s19, $0xb8;
	[tilespmem:$0x1E800] =	vst v63  }
0x7a: {  	_ =	swait.ge [sflag:s17], $0x4000  }
0x7b: {  	[sflag:s17] =	ssyncset.done $0x0  }
0x7c: {  	s31 =	simm.s32 $0x0;
	[sflag:s17] =	ssyncadd.s32 $0xFFFFC000  }
0x7d: {  	[tilespmem:s31], [sflag:$0x3] =	stream.linear.gather [hbm4b:s8+s31], $0x1400, $0x38;
	[tilespmem:$0x1E800] =	vst v63  }
0x7e: {  	_ =	swait.ge [sflag:s17], $0x1400  }
0x7f: {  	[sflag:s17] =	ssyncset.done $0x0  }
0x80: {  	[sflag:s17] =	ssyncadd.s32 $0xFFFFEC00  }
0x81: {  	[tilespmem:s18], [sflag:$0x3] =	stream.linear.gather [hbm4b:s9+s31], $0x1400, $0x38;
	[tilespmem:$0x1E800] =	vst v63  }
0x82: {  	_ =	swait.ge [sflag:s17], $0x1400  }
0x83: {  	[sflag:s17] =	ssyncset.done $0x0  }
0x84: {  	[sflag:s17] =	ssyncadd.s32 $0xFFFFEC00  }
0x85: {  	[tilespmem:s16], [sflag:$0x1] =	stream.indirect.gather [hbm4b:s4+s19], $0x80, s31, s19, $0xb8;
	[tilespmem:$0x1E800] =	vst v63  }
0x86: {  	s30 =	simm.s32 $0x80  }
0x87: {  	[tilespmem:s20], [sflag:$0x2] =	stream.indirect.gather [hbm4b:s4+s19], $0x80, s30, s19, $0xb8;
	[tilespmem:$0x1E800] =	vst v63  }
0x88: {  	_ =	swait.ge [sflag:s21], $0x4000  }
0x89: {  	[sflag:s21] =	ssyncset.done $0x0  }
0x8a: {  	s31 =	simm.s32 $0x1400;
	[sflag:s21] =	ssyncadd.s32 $0xFFFFC000  }
0x8b: {  	[spmem:s1] =	stream.indirect.scatter.add.f32 [tilespmem:s16], [sflag:$0x3], $0x80, s31, s19, $0xb8;
	[tilespmem:$0x1E800] =	vst v63  }
0x8c: {  	_ =	swait.ge [sflag:s17], $0x4000  }
0x8d: {  	[sflag:s17] =	ssyncset.done $0x0  }
0x8e: {  	s30 =	simm.s32 $0x100;
	[sflag:s17] =	ssyncadd.s32 $0xFFFFC000  }
0x8f: {  	[tilespmem:s16], [sflag:$0x1] =	stream.indirect.gather [hbm4b:s4+s19], $0x80, s30, s19, $0xb8;
	[tilespmem:$0x1E800] =	vst v63  }
0x90: {  	_ =	swait.ge [sflag:s22], $0x4000  }
0x91: {  	[sflag:s22] =	ssyncset.done $0x0  }
0x92: {  	s31 =	simm.s32 $0x1480;
	[sflag:s22] =	ssyncadd.s32 $0xFFFFC000  }
0x93: {  	[spmem:s1] =	stream.indirect.scatter.add.f32 [tilespmem:s20], [sflag:$0x3], $0x80, s31, s19, $0xb8;
	[tilespmem:$0x1E800] =	vst v63  }
0x94: {  	_ =	swait.ge [sflag:s17], $0x4000  }
0x95: {  	s29 =	simm.s32 $0x800;
	s28 =	simm.s32 $0x100;
	[sflag:s17] =	ssyncset.done $0x0  }
.LBB2_6:
0x96: {  	s0 =	sadd.s32 $0x80, s28  }
0x97: {  	[sflag:s17] =	ssyncadd.s32 $0xFFFFC000;
	s30 =	smov.u32 s29;
	s31 =	sadd.s32 $0x400, s29  }
0x98: {  	[tilespmem:s20], [sflag:$0x2] =	stream.indirect.gather [hbm4b:s4+s19], $0x80, s0, s19, $0xb8;
	[tilespmem:$0x1E800] =	vst v63  }
0x99: {  	p0 =	sne.s32 s29, $0x4800;
	_ =	swait.ge [sflag:s21], $0x4000  }
0x9a: {  	[sflag:s21] =	ssyncset.done $0x0  }
0x9b: {  	s0 =	sadd.s32 $0x1400, s28;
	[sflag:s21] =	ssyncadd.s32 $0xFFFFC000  }
0x9c: {  	[spmem:s1] =	stream.indirect.scatter.add.f32 [tilespmem:s16], [sflag:$0x3], $0x80, s0, s19, $0xb8;
	[tilespmem:$0x1E800] =	vst v63  }
0x9d: {  	_ =	swait.ge [sflag:s17], $0x4000  }
0x9e: {  	[sflag:s17] =	ssyncset.done $0x0  }
0x9f: {  	s0 =	sadd.s32 $0x100, s28;
	[sflag:s17] =	ssyncadd.s32 $0xFFFFC000  }
0xa0: {  	[tilespmem:s16], [sflag:$0x1] =	stream.indirect.gather [hbm4b:s4+s19], $0x80, s0, s19, $0xb8;
	[tilespmem:$0x1E800] =	vst v63  }
0xa1: {  	_ =	swait.ge [sflag:s22], $0x4000  }
.Ltmp2:
0xa2: {  	[sflag:s22] =	ssyncset.done $0x0;
	(pc) =	sbr.rel @p0 .LBB2_6-.Ltmp2, $4  }
0xa3: {  	s0 =	sadd.s32 $0x1480, s28;
	[sflag:s22] =	ssyncadd.s32 $0xFFFFC000  }
0xa4: {  	[spmem:s1] =	stream.indirect.scatter.add.f32 [tilespmem:s20], [sflag:$0x3], $0x80, s0, s19, $0xb8;
	[tilespmem:$0x1E800] =	vst v63  }
0xa5: {  	_ =	swait.ge [sflag:s17], $0x4000  }
0xa6: {  	s29 =	smov.u32 s31;
	s28 =	sshra.s32 s30, $0x2;
	[sflag:s17] =	ssyncset.done $0x0  }
0xa7: {  	s0 =	sadd.s32 $0x80, s28;
	[sflag:s17] =	ssyncadd.s32 $0xFFFFC000  }
0xa8: {  	[tilespmem:s20], [sflag:$0x2] =	stream.indirect.gather [hbm4b:s4+s19], $0x80, s0, s19, $0xb8;
	[tilespmem:$0x1E800] =	vst v63  }
0xa9: {  	_ =	swait.ge [sflag:s21], $0x4000  }
0xaa: {  	[sflag:s21] =	ssyncset.done $0x0  }
0xab: {  	s30 =	sadd.s32 $0x1400, s28;
	[sflag:s21] =	ssyncadd.s32 $0xFFFFC000  }
0xac: {  	[spmem:s1] =	stream.indirect.scatter.add.f32 [tilespmem:s16], [sflag:$0x3], $0x80, s30, s19, $0xb8;
	[tilespmem:$0x1E800] =	vst v63  }
0xad: {  	_ =	swait.ge [sflag:s17], $0x4000  }
0xae: {  	[sflag:s17] =	ssyncset.done $0x0  }
0xaf: {  	s31 =	sadd.s32 $0x100, s28;
	[sflag:s17] =	ssyncadd.s32 $0xFFFFC000  }
0xb0: {  	[tilespmem:s16], [sflag:$0x1] =	stream.indirect.gather [hbm4b:s4+s19], $0x80, s31, s19, $0xb8;
	[tilespmem:$0x1E800] =	vst v63  }
0xb1: {  	_ =	swait.ge [sflag:s22], $0x4000  }
0xb2: {  	[sflag:s22] =	ssyncset.done $0x0  }
0xb3: {  	s29 =	sadd.s32 $0x1480, s28;
	[sflag:s22] =	ssyncadd.s32 $0xFFFFC000  }
0xb4: {  	[spmem:s1] =	stream.indirect.scatter.add.f32 [tilespmem:s20], [sflag:$0x3], $0x80, s29, s19, $0xb8;
	[tilespmem:$0x1E800] =	vst v63  }
0xb5: {  	_ =	swait.ge [sflag:s17], $0x4000  }
0xb6: {  	[sflag:s17] =	ssyncset.done $0x0  }
0xb7: {  	[sflag:s17] =	ssyncadd.s32 $0xFFFFC000  }
0xb8: {  	[tilespmem:s20], [sflag:$0x2] =	stream.indirect.gather [hbm4b:s4+s19], $0x80, s23, s19, $0xb8;
	[tilespmem:$0x1E800] =	vst v63  }
0xb9: {  	_ =	swait.ge [sflag:s21], $0x4000  }
0xba: {  	[sflag:s21] =	ssyncset.done $0x0  }
0xbb: {  	[sflag:s21] =	ssyncadd.s32 $0xFFFFC000  }
0xbc: {  	[spmem:s1] =	stream.indirect.scatter.add.f32 [tilespmem:s16], [sflag:$0x3], $0x80, s24, s19, $0xb8;
	[tilespmem:$0x1E800] =	vst v63  }
0xbd: {  	_ =	swait.ge [sflag:s17], $0x4000  }
0xbe: {  	[sflag:s17] =	ssyncset.done $0x0  }
0xbf: {  	[sflag:s17] =	ssyncadd.s32 $0xFFFFC000  }
0xc0: {  	_ =	swait.ge [sflag:s22], $0x4000  }
0xc1: {  	[sflag:s22] =	ssyncset.done $0x0  }
0xc2: {  	[sflag:s22] =	ssyncadd.s32 $0xFFFFC000  }
0xc3: {  	[spmem:s1] =	stream.indirect.scatter.add.f32 [tilespmem:s20], [sflag:$0x3], $0x80, s25, s19, $0xb8;
	[tilespmem:$0x1E800] =	vst v63  }
0xc4: {  	_ =	swait.ge [sflag:s17], $0x4000  }
0xc5: {  	s26 =	sadd.s32 $0x1, s26;
	s30 =	sshll.u32 s2, $0x6;
	[sflag:s17] =	ssyncset.done $0x0  }
0xc6: {  	p0 =	sne.s32 s26, s11;
	s0 =	sor.u32 $0x1C03, s30;
	[sflag:s17] =	ssyncadd.s32 $0xFFFFC000  }
.Ltmp3:
0xc7: {  	s31 =	sshrl.u32 s5, $0x3;
	[bflag:$0x0] =	sbarrier.arrive $0xFFFF;
	(pc) =	sbr.rel @p0 .LBB2_1-.Ltmp3, $4  }
0xc8: {  	[hbm:s10], [sflag:s0] =	dma.local [spmem:s31], $0x2800  }
0xc9: {  	_ =	swait.ge [sflag:s17], $0x2800  }
0xca: {  	[sflag:s17] =	ssyncset.done $0x0  }
0xcb: {  	[sflag:s17] =	ssyncadd.s32 $0xFFFFD800  }
0xcc: {  	_ =	sfence.sel $0x180000  }
0xcd: {  	[bflag:$0x0] =	sbarrier.arrive $0xFFFF  }
0xce: {  	_ =	strace $0x9000004D  }
0xcf: {  	[bflag:$0x2] =	sbarrier.arrive $0xFFFF  }
0xd0: {  	p0 =	sne.s32 s2, $0x0;
	s0 =	rddreg [dreg:$0x3]  }
0xd1: {  	s0 =	sadd.s32 @!p0 $0x100000, s0  }
0xd2: {  	[sflag:s0] =	ssyncadd.tile.s32 @!p0 $0x1;
	_ =	shalt  }
.Lfunc_end2:
_tile_overlayer_lowered:
.L_overlay_start_2:
0xd3: {  	(tag) =	ssettag $0x2  }
0xd4: {  	s0 =	rddreg [dreg:$0x0];
	s2 =	stileid.u32  }
0xd5: {  	s1 =	rddreg [dreg:$0x1];
	p0 =	sne.s32 s2, $0x0  }
0xd6: {  	s3 =	rddreg [dreg:$0x2];
	[bflag:$0x3] =	sbarrier.arrive $0xFFFF;
	s2 =	simm.s32 @!p0 $0x1C03  }
0xd7: {  	[timem:s3], [sflag:s2] =	dma.local @!p0 [hbm:s0], s1  }
0xd8: {  	s0 =	simm.s32 @!p0 $0x3  }
0xd9: {  	_ =	swait.ge @!p0 [sflag:s0], s1  }
0xda: {  	s1 =	ssub.s32 @!p0 $0x0, s1;
	[sflag:s0] =	ssyncset.done @!p0 $0x0  }
0xdb: {  	[sflag:s0] =	ssyncadd.s32 @!p0 s1  }
0xdc: {  	[bflag:$0x3] =	sbarrier.arrive $0xFFFF  }
0xdd: {  	_ =	shalt  }

// kernel: kernel.9.cloned.1.call-start
scs
__scs_entry_jumppad:
0x0: {  	(pc) =	sbr.rel $0x88, $3  }
0x1: {  	(tag) =	ssettag $0x0;
	lr =	simm.s32 $0x1  }
0x2: {  	[smem:$0x3F8A] =	sst lr;
	_ =	strace $0xD0000000  }
0x3: {  	_ = 	snop  }
0x4: {  	_ = 	snop  }
0x5: {  	_ = 	snop  }
0x6: {  	_ = 	snop  }
0x7: {  	_ = 	snop  }
__scs_overlays_trampoline_lowered:
0x8: {  	[smem:$0x3F99] =	sst s0  }
0x9: {  	[smem:$0x3F9A] =	sst s1  }
0xa: {  	[smem:$0x3F9B] =	sst s2  }
0xb: {  	[smem:$0x3F9C] =	sst s3  }
0xc: {  	[smem:$0x3F9D] =	sst s4  }
0xd: {  	[smem:$0x3F9E] =	sst s5  }
0xe: {  	[smem:$0x3F9F] =	sst s6  }
0xf: {  	[smem:$0x3FA0] =	sst s7  }
0x10: {  	[smem:$0x3FA1] =	sst s8  }
0x11: {  	[smem:$0x3FA2] =	sst s9;
	s0 =	simm.s32 @!p0 $0x0  }
0x12: {  	s1 =	sld [smem:$0x3F88];
	s0 =	simm.s32 @p0 $0x1  }
0x13: {  	[smem:$0x3FA3] =	sst s0;
	s0 =	simm.s32 @!p1 $0x0  }
0x14: {  	s2 =	sld [smem:$0x3F87];
	s0 =	simm.s32 @p1 $0x1  }
0x15: {  	[smem:$0x3FA4] =	sst s0;
	s0 =	simm.s32 @!p2 $0x0  }
0x16: {  	s3 =	sld [smem:$0x3FDB];
	s0 =	simm.s32 @p2 $0x1  }
0x17: {  	s4 =	simm.s32 $0x1BF5;
	[smem:$0x3FA6] =	sst s0  }
0x18: {  	s0 =	sld [smem:$0x3F89];
	_ =	swait.ge [sflag:s4], $0x0  }
0x19: {  	s7 =	sld [smem:$0x3F8A]  }
0x1a: {  	s8 =	sadd.s32 $0xFFFFE003, lr  }
0x1b: {  	s9 =	sadd.s32 $0xFFFFFEF7, lr;
	s5 =	simm.s32 $0xFFFFFFFF;
	p2 =	slt.u32 s8, $0xFFFFF086  }
0x1c: {  	p1 =	slt.u32 s9, $0xF7A;
	s5 =	simm.s32 @!p2 $0x0  }
0x1d: {  	s5 =	simm.s32 @p1 $0x1;
	p0 =	seq.s32 s7, s2  }
0x1e: {  	s7 =	smul.u32 @!p0 $0xF7A, s2;
	p2 =	seq.s32 @!p0 s5, $0x0  }
0x1f: {  	s9 =	smul.u32 $0xF7A, s1;
	s8 =	simm.s32 @!p0 $0x1BF5;
	p2 =	por !p2, p0  }
0x20: {  	[sflag:s8] =	ssyncset.s32 @!p0 $0xFFFFF086;
	s6 =	sadd.s32 @!p0 s3, s7;
	s7 =	simm.s32 @!p0 $0x108  }
0x21: {  	s3 =	sadd.s32 s3, s9;
	s6 =	sadd.s32 @!p0 $0x88, s6;
	s7 =	simm.s32 @p2 $0x1082  }
0x22: {  	[simem:s7], [sflag:s8] =	dma.local @!p0 [hbm:s6], $0xF7A  }
0x23: {  	s9 =	sor.u32 $0xD0000000, s2;
	s6 =	simm.s32 $0x108;
	_ =	swait.ge @!p0 [sflag:s8], $0x0  }
0x24: {  	s3 =	sadd.s32 $0x88, s3;
	s6 =	simm.s32 @!p1 $0x1082;
	[sflag:s4] =	ssyncset.s32 $0xFFFFF086  }
0x25: {  	[simem:s6], [sflag:s4] =	dma.local [hbm:s3], $0xF7A  }
0x26: {  	[smem:$0x3F8A] =	sst s1;
	(tag) =	ssettag s2;
	_ =	strace s9  }
0x27: {  	s1 =	sld [smem:$0x3F9A]  }
0x28: {  	s2 =	sld [smem:$0x3F9B]  }
0x29: {  	s4 =	sld [smem:$0x3F9D]  }
0x2a: {  	p0 =	seq.s32 s5, $0x0;
	s5 =	sld [smem:$0x3F9E]  }
0x2b: {  	s6 =	sld [smem:$0x3F9F]  }
0x2c: {  	s7 =	sld [smem:$0x3FA0]  }
0x2d: {  	s3 =	simm.s32 $0x108;
	s8 =	sld [smem:$0x3FA1]  }
0x2e: {  	s3 =	simm.s32 @!p0 $0x1082;
	s9 =	sld [smem:$0x3FA2]  }
0x2f: {  	lr =	sadd.s32 s0, s3;
	s0 =	sld [smem:$0x3F99]  }
0x30: {  	s3 =	sld [smem:$0x3F9C]  }
0x31: {  	[smem:$0x3FA5] =	sst s10  }
0x32: {  	s10 =	sld [smem:$0x3FA3];
	_ =	sdelay $0x3  }
0x33: {  	p0 =	seq.s32 s10, $0x1;
	s10 =	sld [smem:$0x3FA5];
	_ =	sdelay $0x3  }
0x34: {  	[smem:$0x3FA5] =	sst s10  }
0x35: {  	s10 =	sld [smem:$0x3FA4];
	_ =	sdelay $0x3  }
0x36: {  	p1 =	seq.s32 s10, $0x1;
	s10 =	sld [smem:$0x3FA5];
	_ =	sdelay $0x3  }
0x37: {  	[smem:$0x3FA5] =	sst s10  }
0x38: {  	s10 =	sld [smem:$0x3FA6]  }
0x39: {  	_ = 	snop;
	(pc) =	sbr.ind lr, $3  }
0x3a: {  	_ = 	snop  }
0x3b: {  	_ = 	snop  }
0x3c: {  	p2 =	seq.s32 s10, $0x1;
	s10 =	sld [smem:$0x3FA5]  }
0x3d: {  	_ =	shalt  }
0x3e: {  	_ =	shalt  }
0x3f: {  	_ =	shalt  }
0x40: {  	_ =	shalt  }
0x41: {  	_ =	shalt  }
0x42: {  	_ =	shalt  }
0x43: {  	_ =	shalt  }
0x44: {  	_ =	shalt  }
0x45: {  	_ =	shalt  }
0x46: {  	_ =	shalt  }
0x47: {  	_ =	shalt  }
0x48: {  	_ =	shalt  }
0x49: {  	_ =	shalt  }
0x4a: {  	_ =	shalt  }
0x4b: {  	_ =	shalt  }
0x4c: {  	_ =	shalt  }
0x4d: {  	_ =	shalt  }
0x4e: {  	_ =	shalt  }
0x4f: {  	_ =	shalt  }
0x50: {  	_ =	shalt  }
0x51: {  	_ =	shalt  }
0x52: {  	_ =	shalt  }
0x53: {  	_ =	shalt  }
0x54: {  	_ =	shalt  }
0x55: {  	_ =	shalt  }
0x56: {  	_ =	shalt  }
0x57: {  	_ =	shalt  }
0x58: {  	_ =	shalt  }
0x59: {  	_ =	shalt  }
0x5a: {  	_ =	shalt  }
0x5b: {  	_ =	shalt  }
0x5c: {  	_ =	shalt  }
0x5d: {  	_ =	shalt  }
0x5e: {  	_ =	shalt  }
0x5f: {  	_ =	shalt  }
0x60: {  	_ =	shalt  }
0x61: {  	_ =	shalt  }
0x62: {  	_ =	shalt  }
0x63: {  	_ =	shalt  }
0x64: {  	_ =	shalt  }
0x65: {  	_ =	shalt  }
0x66: {  	_ =	shalt  }
0x67: {  	_ =	shalt  }
0x68: {  	_ =	shalt  }
0x69: {  	_ =	shalt  }
0x6a: {  	_ =	shalt  }
0x6b: {  	_ =	shalt  }
0x6c: {  	_ =	shalt  }
0x6d: {  	_ =	shalt  }
0x6e: {  	_ =	shalt  }
0x6f: {  	_ =	shalt  }
0x70: {  	_ =	shalt  }
0x71: {  	_ =	shalt  }
0x72: {  	_ =	shalt  }
0x73: {  	_ =	shalt  }
0x74: {  	_ =	shalt  }
0x75: {  	_ =	shalt  }
0x76: {  	_ =	shalt  }
0x77: {  	_ =	shalt  }
0x78: {  	_ =	shalt  }
0x79: {  	_ =	shalt  }
0x7a: {  	_ =	shalt  }
0x7b: {  	_ =	shalt  }
0x7c: {  	_ =	shalt  }
0x7d: {  	_ =	shalt  }
0x7e: {  	_ =	shalt  }
0x7f: {  	_ =	shalt  }
0x80: {  	_ =	shalt  }
0x81: {  	_ =	shalt  }
0x82: {  	_ =	shalt  }
0x83: {  	_ =	shalt  }
0x84: {  	_ =	shalt  }
0x85: {  	_ =	shalt  }
0x86: {  	_ =	shalt  }
0x87: {  	_ =	shalt  }
.Lfunc_end0:
.L_simem_size_0:
called_computation_lowered:
.L_overlay_start_0:
0x88: {  	s2 =	sld [smem:$0x3FD9]  }
0x89: {  	s3 =	sld [smem:$0x3FFE];
	_ =	sdelay $0x1  }
0x8a: {  	s1 =	srdreg.scid  }
0x8b: {  	s0 =	sand.u32 $0x1, s1  }
0x8c: {  	s17 =	sshll.u32 s0, $0xA;
	s2 =	sadd.s32 s3, s2  }
0x8d: {  	s2 =	sadd.s32 s2, s17  }
0x8e: {  	[smem:$0x3FB1] =	sst s2  }
0x8f: {  	_ = 	snop  }
0x90: {  	s2 =	sld [smem:$0x3FD0];
	(tm) =	ssettm $0x1  }
0x91: {  	s18 =	sld [smem:$0x3FFB];
	_ =	sdelay $0x3  }
0x92: {  	_ =	strace s18  }
0x93: {  	s3 =	sld [smem:$0x3FFC];
	_ =	sdelay $0x3  }
0x94: {  	_ =	strace s3  }
0x95: {  	s3 =	sld [smem:$0x3FFD];
	_ =	sdelay $0x3  }
0x96: {  	_ =	strace s3  }
0x97: {  	_ =	strace $0x8FFFFFFF  }
0x98: {  	s19 =	sld [smem:$0x3FDB];
	_ =	sdelay $0x1  }
0x99: {  	s4 =	simm.s32 $_scs_section_size  }
0x9a: {  	s5 =	simm.s32 $_size__tile_overlayer_lowered;
	s6 =	simm.s32 $_tile_overlayer_lowered  }
0x9b: {  	s22 =	simm.s32 $0x1BFF;
	s21 =	sshll.u32 s6, $0x1;
	s3 =	sadd.s32 s4, s19  }
0x9c: {  	s7 =	simm.s32 $0x0;
	s20 =	sshll.u32 s5, $0x1;
	s5 =	sadd.s32 s21, s3  }
0x9d: {  	[timem:s7], [sflag:s22] =	dma.local [hbm:s5], s20  }
0x9e: {  	_ =	swait.ge [sflag:s22], s20  }
0x9f: {  	s4 =	ssub.s32 $0x0, s20;
	[sflag:s22] =	ssyncset.done $0x0  }
0xa0: {  	[sflag:s22] =	ssyncadd.s32 s4;
	_ =	sdelay $0x1  }
0xa1: {  	s23 =	simm.s32 $0x1B8B  }
0xa2: {  	_ =	swait.ge [sflag:s23], $0x1  }
0xa3: {  	[sflag:s23] =	ssyncset.done $0x0  }
0xa4: {  	s25 =	simm.s32 $0x1B8E;
	s24 =	sld [smem:$0x3FFE];
	[sflag:s23] =	ssyncadd.s32 $0xFFFFFFFF  }
0xa5: {  	s26 =	simm.s32 $execute0_lowered;
	[smem:$0x3FD2] =	sst s25  }
0xa6: {  	s5 =	sshll.u32 s26, $0x1;
	_ =	strace $0x80000046;
	[dreg:$0x1] =	wrdreg $0xFFFFFFFF  }
0xa7: {  	s28 =	simm.s32 $_size_execute0_lowered;
	s3 =	sadd.s32 s3, s5;
	[dreg:$0x0] =	wrdreg $0x0  }
0xa8: {  	s5 =	sshll.u32 s28, $0x1;
	[dreg:$0x2] =	wrdreg s3  }
0xa9: {  	[dreg:$0x3] =	wrdreg s5  }
0xaa: {  	[dreg:$0x4] =	wrdreg $0xC0  }
0xab: {  	_ =	task [dreg:s7], $0x5FFFF  }
0xac: {  	[dreg:$0x1] =	wrdreg $0xFFFFFFFF  }
0xad: {  	[dreg:$0x0] =	wrdreg $0x60  }
0xae: {  	[dreg:$0x2] =	wrdreg s2  }
0xaf: {  	[dreg:$0x3] =	wrdreg s24  }
0xb0: {  	[dreg:$0x4] =	wrdreg $0x44000  }
0xb1: {  	[dreg:$0x5] =	wrdreg $0x9  }
0xb2: {  	_ =	task.clear_ibuf [dreg:s7], $0x6FFFF;
	_ =	strace $0x90000046  }
0xb3: {  	s29 =	simm.s32 $0x9;
	_ =	strace $0x80000048  }
0xb4: {  	_ =	swait.ge [sflag:s29], $0x1  }
0xb5: {  	[sflag:s29] =	ssyncadd.s32 $0xFFFFFFFF  }
0xb6: {  	_ =	strace $0x90000048  }
0xb7: {  	_ =	sfence  }
0xb8: {  	s30 =	sld [smem:$0x0];
	_ =	sdelay $0x2  }
0xb9: {  	s31 =	sshll.u32 s1, $0xD;
	s1 =	sshrl.u32 s1, $0x2  }
0xba: {  	s3 =	sand.u32 $0x4000, s31;
	s1 =	sadd.s32 s1, s30  }
0xbb: {  	s0 =	sor.u32 s3, s0;
	s1 =	sshll.u32 s1, $0x11  }
0xbc: {  	s0 =	sor.u32 s1, s0  }
0xbd: {  	s0 =	sadd.s32 $0x8F2B, s0  }
0xbe: {  	[sflag:s0] =	ssyncadd.remote.s32 $0x1  }
0xbf: {  	_ =	sfence.sel $0xFFFF  }
0xc0: {  	[dreg:$0x0] =	wrdreg $0xFFFFFFFF;
	(pc) =	sbr.abs _section_cstart, $3  }
0xc1: {  	[dreg:$0x1] =	wrdreg $0xFFFFFFFF  }
0xc2: {  	_ =	task.clear_ibuf [dreg:s7], $0x2FFFF;
	_ =	strace $0x9FFFFFFF  }
0xc3: {  	(tm) =	ssettm $0x7FFFFFFF  }
tec
execute0_lowered:
.L_overlay_start_1:
0x0: {  	(tag) =	ssettag $0x1  }
0x1: {  	s11 =	rddreg [dreg:$0x0]  }
0x2: {  	s4 =	rddreg [dreg:$0x1];
	s0 =	stileid.u32  }
0x3: {  	s1 =	srdreg.scid;
	s2 =	rddreg [dreg:$0x2]  }
0x4: {  	s3 =	simm.s32 $0x0;
	s15 =	simm.s32 $0x80;
	s16 =	simm.s32 $0x100  }
0x5: {  	s17 =	simm.s32 $0x180;
	s18 =	simm.s32 $0x200;
	s19 =	simm.s32 $0x280  }
0x6: {  	s20 =	simm.s32 $0x300;
	s21 =	simm.s32 $0x380;
	s12 =	smul.u32 $0xA00, s0  }
0x7: {  	s7 =	sand.u32 $0x1, s1;
	s1 =	rddreg [dreg:$0x3];
	s6 =	smul.u32 $0x14000, s0  }
0x8: {  	s22 =	simm.s32 $0x0;
	[smem:$0x7FF] =	sst s3;
	s8 =	smul.u32 $0x50000, s0  }
0x9: {  	s5 =	smul.u32 $0x140000, s7;
	_ =	strace $0x80000047;
	s30 =	ssub.s32 $0x2, s7  }
0xa: {  	s14 =	smul.u32 $0x500, s7;
	s13 =	sadd.s32 s12, s4;
	s9 =	sshrl.u32 s30, $0x1  }
0xb: {  	s8 =	sshrl.u32 s8, $0x2;
	s11 =	sadd.s32 s12, s11;
	s5 =	sadd.s32 s6, s5  }
0xc: {  	s6 =	ssub.s32 s30, s9;
	s31 =	sadd.s32 s14, s13;
	s11 =	sadd.s32 s14, s11  }
0xd: {  	s13 =	simm.s32 $0x400;
	s14 =	simm.s32 $0x1;
	s5 =	sshrl.u32 s5, $0x3  }
0xe: {  	s6 =	smax.u32 s6, $0x1;
	s5 =	sadd.s32 s5, s4;
	s4 =	sadd.s32 s8, s2  }
0xf: {  	s12 =	sadd.s32 $0x5C00, s31;
	s5 =	sadd.s32 $0xFC00, s5;
	s7 =	sadd.s32 $0x4000, s4  }
0x10: {  	v0 =	vimm.f32 $0.0e+00;
	v1 =	vimm.f32 $1.000000000e+00;
	s8 =	sadd.s32 $0x8000, s4;
	s9 =	sadd.s32 $0xC000, s4;
	s10 =	sadd.s32 $0x10000, s4  }
.LBB2_1:
0x11: {  	s23 =	sand.u32 $0xFE00, s3  }
0x12: {  	s24 =	sand.u32 $0x70, s3;
	s25 =	sshrl.u32 s23, $0x2  }
0x13: {  	s23 =	simm.s32 $0x40;
	s25 =	sor.u32 s24, s25;
	s24 =	simm.s32 $0x0  }
.LBB2_2:
0x14: {  	p0 =	sne.s32 s23, $0xFFC0  }
0x15: {  	[tilespmem:s25+$0x400] =	vst v0;
	s24 =	sadd.s32 $0x10, s24;
	s25 =	smov.u32 s23;
	s23 =	sadd.s32 $0x40, s23  }
.Ltmp0:
0x16: {  	(pc) =	sbr.rel @p0 .LBB2_2-.Ltmp0, $4  }
0x17: {  	_ = 	snop  }
0x18: {  	s25 =	sand.u32 $0xFE00, s25  }
0x19: {  	s26 =	sand.u32 $0x70, s24;
	s25 =	sshrl.u32 s25, $0x2  }
0x1a: {  	s25 =	sor.u32 s26, s25  }
0x1b: {  	[tilespmem:s25+$0x400] =	vst v0  }
0x1c: {  	[spmem:s4] =	stream.linear.scatter [tilespmem:s13], [sflag:$0x1], $0x4000, $0x38;
	[tilespmem:$0x18400] =	vst v63  }
0x1d: {  	_ =	swait.ge [sflag:s14], $0x4000  }
0x1e: {  	[sflag:s14] =	ssyncset.done $0x0  }
0x1f: {  	[sflag:s14] =	ssyncadd.s32 $0xFFFFC000  }
0x20: {  	[spmem:s7] =	stream.linear.scatter [tilespmem:s13], [sflag:$0x1], $0x4000, $0x38;
	[tilespmem:$0x18400] =	vst v63  }
0x21: {  	_ =	swait.ge [sflag:s14], $0x4000  }
0x22: {  	[sflag:s14] =	ssyncset.done $0x0  }
0x23: {  	[sflag:s14] =	ssyncadd.s32 $0xFFFFC000  }
0x24: {  	[spmem:s8] =	stream.linear.scatter [tilespmem:s13], [sflag:$0x1], $0x4000, $0x38;
	[tilespmem:$0x18400] =	vst v63  }
0x25: {  	_ =	swait.ge [sflag:s14], $0x4000  }
0x26: {  	[sflag:s14] =	ssyncset.done $0x0  }
0x27: {  	[sflag:s14] =	ssyncadd.s32 $0xFFFFC000  }
0x28: {  	[spmem:s9] =	stream.linear.scatter [tilespmem:s13], [sflag:$0x1], $0x4000, $0x38;
	[tilespmem:$0x18400] =	vst v63  }
0x29: {  	_ =	swait.ge [sflag:s14], $0x4000  }
0x2a: {  	[sflag:s14] =	ssyncset.done $0x0  }
0x2b: {  	s23 =	simm.s32 $0x0;
	[sflag:s14] =	ssyncadd.s32 $0xFFFFC000  }
0x2c: {  	[spmem:s10] =	stream.linear.scatter [tilespmem:s13], [sflag:$0x1], $0x4000, $0x38;
	[tilespmem:$0x18400] =	vst v63  }
0x2d: {  	s24 =	sand.u32 $0xFE00, s23;
	_ =	swait.ge [sflag:s14], $0x4000  }
0x2e: {  	s31 =	sand.u32 $0x30, s23;
	s26 =	sshrl.u32 s24, $0x2;
	[sflag:s14] =	ssyncset.done $0x0  }
0x2f: {  	s24 =	simm.s32 $0x80;
	s25 =	sor.u32 s31, s26;
	[sflag:s14] =	ssyncadd.s32 $0xFFFFC000  }
.LBB2_4:
0x30: {  	p0 =	sne.s32 s24, $0xFF80  }
0x31: {  	[tilespmem:s25+$0x400] =	vst v1;
	s23 =	sadd.s32 $0x10, s23;
	s25 =	smov.u32 s24;
	s24 =	sadd.s32 $0x80, s24  }
.Ltmp1:
0x32: {  	(pc) =	sbr.rel @p0 .LBB2_4-.Ltmp1, $4  }
0x33: {  	_ = 	snop  }
0x34: {  	s25 =	sand.u32 $0xFE00, s25  }
0x35: {  	s26 =	sand.u32 $0x30, s23;
	s25 =	sshrl.u32 s25, $0x2  }
0x36: {  	s25 =	sor.u32 s26, s25  }
0x37: {  	[tilespmem:s25+$0x400] =	vst v1  }
0x38: {  	s23 =	simm.s32 $0x0;
	s24 =	sadd.s32 $0x0, s11;
	[bflag:$0x0] =	sbarrier.arrive $0xFFFF  }
0x39: {  	[tilespmem:s23], [sflag:$0x1] =	stream.linear.gather [hbm4b:s24+s23], $0x400, $0x38;
	[tilespmem:$0x18400] =	vst v63  }
0x3a: {  	_ =	swait.ge [sflag:s14], $0x400  }
0x3b: {  	[sflag:s14] =	ssyncset.done $0x0  }
0x3c: {  	[sflag:s14] =	ssyncadd.s32 $0xFFFFFC00  }
0x3d: {  	[spmem:s2] =	stream.indirect.scatter.add.f32 [tilespmem:s13], [sflag:$0x1], $0x80, s23, s15, $0xb8;
	[tilespmem:$0x18400] =	vst v63  }
0x3e: {  	_ =	swait.ge [sflag:s14], $0x4000  }
0x3f: {  	[sflag:s14] =	ssyncset.done $0x0  }
0x40: {  	[sflag:s14] =	ssyncadd.s32 $0xFFFFC000  }
0x41: {  	[spmem:s2] =	stream.indirect.scatter.add.f32 [tilespmem:s13], [sflag:$0x1], $0x80, s15, s15, $0xb8;
	[tilespmem:$0x18400] =	vst v63  }
0x42: {  	_ =	swait.ge [sflag:s14], $0x4000  }
0x43: {  	[sflag:s14] =	ssyncset.done $0x0  }
0x44: {  	[sflag:s14] =	ssyncadd.s32 $0xFFFFC000  }
0x45: {  	[spmem:s2] =	stream.indirect.scatter.add.f32 [tilespmem:s13], [sflag:$0x1], $0x80, s16, s15, $0xb8;
	[tilespmem:$0x18400] =	vst v63  }
0x46: {  	_ =	swait.ge [sflag:s14], $0x4000  }
0x47: {  	[sflag:s14] =	ssyncset.done $0x0  }
0x48: {  	[sflag:s14] =	ssyncadd.s32 $0xFFFFC000  }
0x49: {  	[spmem:s2] =	stream.indirect.scatter.add.f32 [tilespmem:s13], [sflag:$0x1], $0x80, s17, s15, $0xb8;
	[tilespmem:$0x18400] =	vst v63  }
0x4a: {  	_ =	swait.ge [sflag:s14], $0x4000  }
0x4b: {  	[sflag:s14] =	ssyncset.done $0x0  }
0x4c: {  	[sflag:s14] =	ssyncadd.s32 $0xFFFFC000  }
0x4d: {  	[spmem:s2] =	stream.indirect.scatter.add.f32 [tilespmem:s13], [sflag:$0x1], $0x80, s18, s15, $0xb8;
	[tilespmem:$0x18400] =	vst v63  }
0x4e: {  	_ =	swait.ge [sflag:s14], $0x4000  }
0x4f: {  	[sflag:s14] =	ssyncset.done $0x0  }
0x50: {  	[sflag:s14] =	ssyncadd.s32 $0xFFFFC000  }
0x51: {  	[spmem:s2] =	stream.indirect.scatter.add.f32 [tilespmem:s13], [sflag:$0x1], $0x80, s19, s15, $0xb8;
	[tilespmem:$0x18400] =	vst v63  }
0x52: {  	_ =	swait.ge [sflag:s14], $0x4000  }
0x53: {  	[sflag:s14] =	ssyncset.done $0x0  }
0x54: {  	[sflag:s14] =	ssyncadd.s32 $0xFFFFC000  }
0x55: {  	[spmem:s2] =	stream.indirect.scatter.add.f32 [tilespmem:s13], [sflag:$0x1], $0x80, s20, s15, $0xb8;
	[tilespmem:$0x18400] =	vst v63  }
0x56: {  	_ =	swait.ge [sflag:s14], $0x4000  }
0x57: {  	[sflag:s14] =	ssyncset.done $0x0  }
0x58: {  	[sflag:s14] =	ssyncadd.s32 $0xFFFFC000  }
0x59: {  	[spmem:s2] =	stream.indirect.scatter.add.f32 [tilespmem:s13], [sflag:$0x1], $0x80, s21, s15, $0xb8;
	[tilespmem:$0x18400] =	vst v63  }
0x5a: {  	s28 =	simm.s32 $0x100;
	_ =	swait.ge [sflag:s14], $0x4000  }
0x5b: {  	s25 =	simm.s32 $0x80;
	s24 =	simm.s32 $0x80;
	[sflag:s14] =	ssyncset.done $0x0  }
.LBB2_6:
0x5c: {  	s29 =	sadd.s32 s25, s11  }
0x5d: {  	[sflag:s14] =	ssyncadd.s32 $0xFFFFC000;
	s25 =	smov.u32 s28;
	s26 =	sadd.s32 $0x80, s28  }
0x5e: {  	[tilespmem:s23], [sflag:$0x1] =	stream.linear.gather [hbm4b:s29+s23], $0x400, $0x38;
	[tilespmem:$0x18400] =	vst v63  }
0x5f: {  	p0 =	sne.s32 s28, $0x480;
	_ =	swait.ge [sflag:s14], $0x400  }
0x60: {  	[sflag:s14] =	ssyncset.done $0x0  }
0x61: {  	[sflag:s14] =	ssyncadd.s32 $0xFFFFFC00  }
0x62: {  	[spmem:s2] =	stream.indirect.scatter.add.f32 [tilespmem:s13], [sflag:$0x1], $0x80, s23, s15, $0xb8;
	[tilespmem:$0x18400] =	vst v63  }
0x63: {  	_ =	swait.ge [sflag:s14], $0x4000  }
0x64: {  	[sflag:s14] =	ssyncset.done $0x0  }
0x65: {  	[sflag:s14] =	ssyncadd.s32 $0xFFFFC000  }
0x66: {  	[spmem:s2] =	stream.indirect.scatter.add.f32 [tilespmem:s13], [sflag:$0x1], $0x80, s15, s15, $0xb8;
	[tilespmem:$0x18400] =	vst v63  }
0x67: {  	_ =	swait.ge [sflag:s14], $0x4000  }
0x68: {  	[sflag:s14] =	ssyncset.done $0x0  }
0x69: {  	[sflag:s14] =	ssyncadd.s32 $0xFFFFC000  }
0x6a: {  	[spmem:s2] =	stream.indirect.scatter.add.f32 [tilespmem:s13], [sflag:$0x1], $0x80, s16, s15, $0xb8;
	[tilespmem:$0x18400] =	vst v63  }
0x6b: {  	_ =	swait.ge [sflag:s14], $0x4000  }
0x6c: {  	[sflag:s14] =	ssyncset.done $0x0  }
0x6d: {  	[sflag:s14] =	ssyncadd.s32 $0xFFFFC000  }
0x6e: {  	[spmem:s2] =	stream.indirect.scatter.add.f32 [tilespmem:s13], [sflag:$0x1], $0x80, s17, s15, $0xb8;
	[tilespmem:$0x18400] =	vst v63  }
0x6f: {  	_ =	swait.ge [sflag:s14], $0x4000  }
0x70: {  	[sflag:s14] =	ssyncset.done $0x0  }
0x71: {  	[sflag:s14] =	ssyncadd.s32 $0xFFFFC000  }
0x72: {  	[spmem:s2] =	stream.indirect.scatter.add.f32 [tilespmem:s13], [sflag:$0x1], $0x80, s18, s15, $0xb8;
	[tilespmem:$0x18400] =	vst v63  }
0x73: {  	_ =	swait.ge [sflag:s14], $0x4000  }
0x74: {  	[sflag:s14] =	ssyncset.done $0x0  }
0x75: {  	[sflag:s14] =	ssyncadd.s32 $0xFFFFC000  }
0x76: {  	[spmem:s2] =	stream.indirect.scatter.add.f32 [tilespmem:s13], [sflag:$0x1], $0x80, s19, s15, $0xb8;
	[tilespmem:$0x18400] =	vst v63  }
0x77: {  	_ =	swait.ge [sflag:s14], $0x4000  }
0x78: {  	[sflag:s14] =	ssyncset.done $0x0  }
0x79: {  	[sflag:s14] =	ssyncadd.s32 $0xFFFFC000  }
0x7a: {  	[spmem:s2] =	stream.indirect.scatter.add.f32 [tilespmem:s13], [sflag:$0x1], $0x80, s20, s15, $0xb8;
	[tilespmem:$0x18400] =	vst v63  }
0x7b: {  	_ =	swait.ge [sflag:s14], $0x4000  }
.Ltmp2:
0x7c: {  	[sflag:s14] =	ssyncset.done $0x0;
	(pc) =	sbr.rel @p0 .LBB2_6-.Ltmp2, $4  }
0x7d: {  	[sflag:s14] =	ssyncadd.s32 $0xFFFFC000  }
0x7e: {  	[spmem:s2] =	stream.indirect.scatter.add.f32 [tilespmem:s13], [sflag:$0x1], $0x80, s21, s15, $0xb8;
	[tilespmem:$0x18400] =	vst v63  }
0x7f: {  	_ =	swait.ge [sflag:s14], $0x4000  }
0x80: {  	s28 =	smov.u32 s26;
	[sflag:s14] =	ssyncset.done $0x0  }
0x81: {  	s25 =	sadd.s32 s25, s11;
	[sflag:s14] =	ssyncadd.s32 $0xFFFFC000  }
0x82: {  	[tilespmem:s23], [sflag:$0x1] =	stream.linear.gather [hbm4b:s25+s23], $0x400, $0x38;
	[tilespmem:$0x18400] =	vst v63  }
0x83: {  	_ =	swait.ge [sflag:s14], $0x400  }
0x84: {  	[sflag:s14] =	ssyncset.done $0x0  }
0x85: {  	[sflag:s14] =	ssyncadd.s32 $0xFFFFFC00  }
0x86: {  	[spmem:s2] =	stream.indirect.scatter.add.f32 [tilespmem:s13], [sflag:$0x1], $0x80, s23, s15, $0xb8;
	[tilespmem:$0x18400] =	vst v63  }
0x87: {  	_ =	swait.ge [sflag:s14], $0x4000  }
0x88: {  	[sflag:s14] =	ssyncset.done $0x0  }
0x89: {  	[sflag:s14] =	ssyncadd.s32 $0xFFFFC000  }
0x8a: {  	[spmem:s2] =	stream.indirect.scatter.add.f32 [tilespmem:s13], [sflag:$0x1], $0x80, s15, s15, $0xb8;
	[tilespmem:$0x18400] =	vst v63  }
0x8b: {  	_ =	swait.ge [sflag:s14], $0x4000  }
0x8c: {  	[sflag:s14] =	ssyncset.done $0x0  }
0x8d: {  	[sflag:s14] =	ssyncadd.s32 $0xFFFFC000  }
0x8e: {  	[spmem:s2] =	stream.indirect.scatter.add.f32 [tilespmem:s13], [sflag:$0x1], $0x80, s16, s15, $0xb8;
	[tilespmem:$0x18400] =	vst v63  }
0x8f: {  	_ =	swait.ge [sflag:s14], $0x4000  }
0x90: {  	[sflag:s14] =	ssyncset.done $0x0  }
0x91: {  	[sflag:s14] =	ssyncadd.s32 $0xFFFFC000  }
0x92: {  	[spmem:s2] =	stream.indirect.scatter.add.f32 [tilespmem:s13], [sflag:$0x1], $0x80, s17, s15, $0xb8;
	[tilespmem:$0x18400] =	vst v63  }
0x93: {  	_ =	swait.ge [sflag:s14], $0x4000  }
0x94: {  	[sflag:s14] =	ssyncset.done $0x0  }
0x95: {  	[sflag:s14] =	ssyncadd.s32 $0xFFFFC000  }
0x96: {  	[spmem:s2] =	stream.indirect.scatter.add.f32 [tilespmem:s13], [sflag:$0x1], $0x80, s18, s15, $0xb8;
	[tilespmem:$0x18400] =	vst v63  }
0x97: {  	_ =	swait.ge [sflag:s14], $0x4000  }
0x98: {  	[sflag:s14] =	ssyncset.done $0x0  }
0x99: {  	[sflag:s14] =	ssyncadd.s32 $0xFFFFC000  }
0x9a: {  	[spmem:s2] =	stream.indirect.scatter.add.f32 [tilespmem:s13], [sflag:$0x1], $0x80, s19, s15, $0xb8;
	[tilespmem:$0x18400] =	vst v63  }
0x9b: {  	_ =	swait.ge [sflag:s14], $0x4000  }
0x9c: {  	[sflag:s14] =	ssyncset.done $0x0  }
0x9d: {  	[sflag:s14] =	ssyncadd.s32 $0xFFFFC000  }
0x9e: {  	[spmem:s2] =	stream.indirect.scatter.add.f32 [tilespmem:s13], [sflag:$0x1], $0x80, s20, s15, $0xb8;
	[tilespmem:$0x18400] =	vst v63  }
0x9f: {  	_ =	swait.ge [sflag:s14], $0x4000  }
0xa0: {  	[sflag:s14] =	ssyncset.done $0x0  }
0xa1: {  	[sflag:s14] =	ssyncadd.s32 $0xFFFFC000  }
0xa2: {  	[spmem:s2] =	stream.indirect.scatter.add.f32 [tilespmem:s13], [sflag:$0x1], $0x80, s21, s15, $0xb8;
	[tilespmem:$0x18400] =	vst v63  }
0xa3: {  	s31 =	sand.u32 $0xFE00, s23;
	_ =	swait.ge [sflag:s14], $0x4000  }
0xa4: {  	s26 =	sand.u32 $0x30, s23;
	s25 =	sshrl.u32 s31, $0x2;
	[sflag:s14] =	ssyncset.done $0x0  }
0xa5: {  	s26 =	sor.u32 s26, s25;
	[sflag:s14] =	ssyncadd.s32 $0xFFFFC000  }
.LBB2_8:
0xa6: {  	p0 =	sne.s32 s24, $0xFF80  }
0xa7: {  	[tilespmem:s26+$0x400] =	vst v0;
	s23 =	sadd.s32 $0x10, s23;
	s25 =	smov.u32 s24;
	s24 =	sadd.s32 $0x80, s24  }
.Ltmp3:
0xa8: {  	(pc) =	sbr.rel @p0 .LBB2_8-.Ltmp3, $4  }
0xa9: {  	_ = 	snop  }
0xaa: {  	s25 =	sand.u32 $0xFE00, s25  }
0xab: {  	s26 =	sand.u32 $0x30, s23;
	s25 =	sshrl.u32 s25, $0x2  }
0xac: {  	s26 =	sor.u32 s26, s25;
	s25 =	simm.s32 $0x0  }
0xad: {  	s23 =	sand.u32 $0xFE00, s25  }
0xae: {  	s24 =	sand.u32 $0x30, s25;
	s28 =	sshrl.u32 s23, $0x2  }
0xaf: {  	[tilespmem:s26+$0x400] =	vst v0;
	s23 =	simm.s32 $0x80;
	s24 =	sor.u32 s24, s28  }
.LBB2_10:
0xb0: {  	p0 =	sne.s32 s23, $0xFF80  }
0xb1: {  	[tilespmem:s24+$0x440] =	vst v1;
	s25 =	sadd.s32 $0x10, s25;
	s24 =	smov.u32 s23;
	s23 =	sadd.s32 $0x80, s23  }
.Ltmp4:
0xb2: {  	(pc) =	sbr.rel @p0 .LBB2_10-.Ltmp4, $4  }
0xb3: {  	_ = 	snop  }
0xb4: {  	s24 =	sand.u32 $0xFE00, s24  }
0xb5: {  	s26 =	sand.u32 $0x30, s25;
	s24 =	sshrl.u32 s24, $0x2  }
0xb6: {  	s24 =	sor.u32 s26, s24  }
0xb7: {  	[tilespmem:s24+$0x440] =	vst v1;
	s23 =	sadd.s32 $0x0, s12  }
0xb8: {  	[tilespmem:s3], [sflag:$0x1] =	stream.linear.gather [hbm4b:s23+s3], $0x400, $0x38;
	[tilespmem:$0x18400] =	vst v63  }
0xb9: {  	_ =	swait.ge [sflag:s14], $0x400  }
0xba: {  	[sflag:s14] =	ssyncset.done $0x0  }
0xbb: {  	[sflag:s14] =	ssyncadd.s32 $0xFFFFFC00  }
0xbc: {  	[spmem:s2] =	stream.indirect.scatter.add.f32 [tilespmem:s13], [sflag:$0x1], $0x80, s3, s15, $0xb8;
	[tilespmem:$0x18400] =	vst v63  }
0xbd: {  	_ =	swait.ge [sflag:s14], $0x4000  }
0xbe: {  	[sflag:s14] =	ssyncset.done $0x0  }
0xbf: {  	[sflag:s14] =	ssyncadd.s32 $0xFFFFC000  }
0xc0: {  	[spmem:s2] =	stream.indirect.scatter.add.f32 [tilespmem:s13], [sflag:$0x1], $0x80, s15, s15, $0xb8;
	[tilespmem:$0x18400] =	vst v63  }
0xc1: {  	_ =	swait.ge [sflag:s14], $0x4000  }
0xc2: {  	[sflag:s14] =	ssyncset.done $0x0  }
0xc3: {  	[sflag:s14] =	ssyncadd.s32 $0xFFFFC000  }
0xc4: {  	[spmem:s2] =	stream.indirect.scatter.add.f32 [tilespmem:s13], [sflag:$0x1], $0x80, s16, s15, $0xb8;
	[tilespmem:$0x18400] =	vst v63  }
0xc5: {  	_ =	swait.ge [sflag:s14], $0x4000  }
0xc6: {  	[sflag:s14] =	ssyncset.done $0x0  }
0xc7: {  	[sflag:s14] =	ssyncadd.s32 $0xFFFFC000  }
0xc8: {  	[spmem:s2] =	stream.indirect.scatter.add.f32 [tilespmem:s13], [sflag:$0x1], $0x80, s17, s15, $0xb8;
	[tilespmem:$0x18400] =	vst v63  }
0xc9: {  	_ =	swait.ge [sflag:s14], $0x4000  }
0xca: {  	[sflag:s14] =	ssyncset.done $0x0  }
0xcb: {  	[sflag:s14] =	ssyncadd.s32 $0xFFFFC000  }
0xcc: {  	[spmem:s2] =	stream.indirect.scatter.add.f32 [tilespmem:s13], [sflag:$0x1], $0x80, s18, s15, $0xb8;
	[tilespmem:$0x18400] =	vst v63  }
0xcd: {  	_ =	swait.ge [sflag:s14], $0x4000  }
0xce: {  	[sflag:s14] =	ssyncset.done $0x0  }
0xcf: {  	[sflag:s14] =	ssyncadd.s32 $0xFFFFC000  }
0xd0: {  	[spmem:s2] =	stream.indirect.scatter.add.f32 [tilespmem:s13], [sflag:$0x1], $0x80, s19, s15, $0xb8;
	[tilespmem:$0x18400] =	vst v63  }
0xd1: {  	_ =	swait.ge [sflag:s14], $0x4000  }
0xd2: {  	[sflag:s14] =	ssyncset.done $0x0  }
0xd3: {  	[sflag:s14] =	ssyncadd.s32 $0xFFFFC000  }
0xd4: {  	[spmem:s2] =	stream.indirect.scatter.add.f32 [tilespmem:s13], [sflag:$0x1], $0x80, s20, s15, $0xb8;
	[tilespmem:$0x18400] =	vst v63  }
0xd5: {  	_ =	swait.ge [sflag:s14], $0x4000  }
0xd6: {  	[sflag:s14] =	ssyncset.done $0x0  }
0xd7: {  	[sflag:s14] =	ssyncadd.s32 $0xFFFFC000  }
0xd8: {  	[spmem:s2] =	stream.indirect.scatter.add.f32 [tilespmem:s13], [sflag:$0x1], $0x80, s21, s15, $0xb8;
	[tilespmem:$0x18400] =	vst v63  }
0xd9: {  	_ =	swait.ge [sflag:s14], $0x4000  }
0xda: {  	s25 =	simm.s32 $0x100;
	s23 =	simm.s32 $0x80;
	[sflag:s14] =	ssyncset.done $0x0  }
.LBB2_12:
0xdb: {  	s26 =	sadd.s32 s23, s12  }
0xdc: {  	[sflag:s14] =	ssyncadd.s32 $0xFFFFC000;
	s23 =	smov.u32 s25;
	s24 =	sadd.s32 $0x80, s25  }
0xdd: {  	[tilespmem:s3], [sflag:$0x1] =	stream.linear.gather [hbm4b:s26+s3], $0x400, $0x38;
	[tilespmem:$0x18400] =	vst v63  }
0xde: {  	p0 =	sne.s32 s25, $0x480;
	_ =	swait.ge [sflag:s14], $0x400  }
0xdf: {  	[sflag:s14] =	ssyncset.done $0x0  }
0xe0: {  	[sflag:s14] =	ssyncadd.s32 $0xFFFFFC00  }
0xe1: {  	[spmem:s2] =	stream.indirect.scatter.add.f32 [tilespmem:s13], [sflag:$0x1], $0x80, s3, s15, $0xb8;
	[tilespmem:$0x18400] =	vst v63  }
0xe2: {  	_ =	swait.ge [sflag:s14], $0x4000  }
0xe3: {  	[sflag:s14] =	ssyncset.done $0x0  }
0xe4: {  	[sflag:s14] =	ssyncadd.s32 $0xFFFFC000  }
0xe5: {  	[spmem:s2] =	stream.indirect.scatter.add.f32 [tilespmem:s13], [sflag:$0x1], $0x80, s15, s15, $0xb8;
	[tilespmem:$0x18400] =	vst v63  }
0xe6: {  	_ =	swait.ge [sflag:s14], $0x4000  }
0xe7: {  	[sflag:s14] =	ssyncset.done $0x0  }
0xe8: {  	[sflag:s14] =	ssyncadd.s32 $0xFFFFC000  }
0xe9: {  	[spmem:s2] =	stream.indirect.scatter.add.f32 [tilespmem:s13], [sflag:$0x1], $0x80, s16, s15, $0xb8;
	[tilespmem:$0x18400] =	vst v63  }
0xea: {  	_ =	swait.ge [sflag:s14], $0x4000  }
0xeb: {  	[sflag:s14] =	ssyncset.done $0x0  }
0xec: {  	[sflag:s14] =	ssyncadd.s32 $0xFFFFC000  }
0xed: {  	[spmem:s2] =	stream.indirect.scatter.add.f32 [tilespmem:s13], [sflag:$0x1], $0x80, s17, s15, $0xb8;
	[tilespmem:$0x18400] =	vst v63  }
0xee: {  	_ =	swait.ge [sflag:s14], $0x4000  }
0xef: {  	[sflag:s14] =	ssyncset.done $0x0  }
0xf0: {  	[sflag:s14] =	ssyncadd.s32 $0xFFFFC000  }
0xf1: {  	[spmem:s2] =	stream.indirect.scatter.add.f32 [tilespmem:s13], [sflag:$0x1], $0x80, s18, s15, $0xb8;
	[tilespmem:$0x18400] =	vst v63  }
0xf2: {  	_ =	swait.ge [sflag:s14], $0x4000  }
0xf3: {  	[sflag:s14] =	ssyncset.done $0x0  }
0xf4: {  	[sflag:s14] =	ssyncadd.s32 $0xFFFFC000  }
0xf5: {  	[spmem:s2] =	stream.indirect.scatter.add.f32 [tilespmem:s13], [sflag:$0x1], $0x80, s19, s15, $0xb8;
	[tilespmem:$0x18400] =	vst v63  }
0xf6: {  	_ =	swait.ge [sflag:s14], $0x4000  }
0xf7: {  	[sflag:s14] =	ssyncset.done $0x0  }
0xf8: {  	[sflag:s14] =	ssyncadd.s32 $0xFFFFC000  }
0xf9: {  	[spmem:s2] =	stream.indirect.scatter.add.f32 [tilespmem:s13], [sflag:$0x1], $0x80, s20, s15, $0xb8;
	[tilespmem:$0x18400] =	vst v63  }
0xfa: {  	_ =	swait.ge [sflag:s14], $0x4000  }
.Ltmp5:
0xfb: {  	[sflag:s14] =	ssyncset.done $0x0;
	(pc) =	sbr.rel @p0 .LBB2_12-.Ltmp5, $4  }
0xfc: {  	[sflag:s14] =	ssyncadd.s32 $0xFFFFC000  }
0xfd: {  	[spmem:s2] =	stream.indirect.scatter.add.f32 [tilespmem:s13], [sflag:$0x1], $0x80, s21, s15, $0xb8;
	[tilespmem:$0x18400] =	vst v63  }
0xfe: {  	_ =	swait.ge [sflag:s14], $0x4000  }
0xff: {  	s25 =	smov.u32 s24;
	[sflag:s14] =	ssyncset.done $0x0  }
0x100: {  	s23 =	sadd.s32 s23, s12;
	[sflag:s14] =	ssyncadd.s32 $0xFFFFC000  }
0x101: {  	[tilespmem:s3], [sflag:$0x1] =	stream.linear.gather [hbm4b:s23+s3], $0x400, $0x38;
	[tilespmem:$0x18400] =	vst v63  }
0x102: {  	_ =	swait.ge [sflag:s14], $0x400  }
0x103: {  	[sflag:s14] =	ssyncset.done $0x0  }
0x104: {  	[sflag:s14] =	ssyncadd.s32 $0xFFFFFC00  }
0x105: {  	[spmem:s2] =	stream.indirect.scatter.add.f32 [tilespmem:s13], [sflag:$0x1], $0x80, s3, s15, $0xb8;
	[tilespmem:$0x18400] =	vst v63  }
0x106: {  	_ =	swait.ge [sflag:s14], $0x4000  }
0x107: {  	[sflag:s14] =	ssyncset.done $0x0  }
0x108: {  	[sflag:s14] =	ssyncadd.s32 $0xFFFFC000  }
0x109: {  	[spmem:s2] =	stream.indirect.scatter.add.f32 [tilespmem:s13], [sflag:$0x1], $0x80, s15, s15, $0xb8;
	[tilespmem:$0x18400] =	vst v63  }
0x10a: {  	_ =	swait.ge [sflag:s14], $0x4000  }
0x10b: {  	[sflag:s14] =	ssyncset.done $0x0  }
0x10c: {  	[sflag:s14] =	ssyncadd.s32 $0xFFFFC000  }
0x10d: {  	[spmem:s2] =	stream.indirect.scatter.add.f32 [tilespmem:s13], [sflag:$0x1], $0x80, s16, s15, $0xb8;
	[tilespmem:$0x18400] =	vst v63  }
0x10e: {  	_ =	swait.ge [sflag:s14], $0x4000  }
0x10f: {  	[sflag:s14] =	ssyncset.done $0x0  }
0x110: {  	[sflag:s14] =	ssyncadd.s32 $0xFFFFC000  }
0x111: {  	[spmem:s2] =	stream.indirect.scatter.add.f32 [tilespmem:s13], [sflag:$0x1], $0x80, s17, s15, $0xb8;
	[tilespmem:$0x18400] =	vst v63  }
0x112: {  	_ =	swait.ge [sflag:s14], $0x4000  }
0x113: {  	[sflag:s14] =	ssyncset.done $0x0  }
0x114: {  	[sflag:s14] =	ssyncadd.s32 $0xFFFFC000  }
0x115: {  	[spmem:s2] =	stream.indirect.scatter.add.f32 [tilespmem:s13], [sflag:$0x1], $0x80, s18, s15, $0xb8;
	[tilespmem:$0x18400] =	vst v63  }
0x116: {  	_ =	swait.ge [sflag:s14], $0x4000  }
0x117: {  	[sflag:s14] =	ssyncset.done $0x0  }
0x118: {  	[sflag:s14] =	ssyncadd.s32 $0xFFFFC000  }
0x119: {  	[spmem:s2] =	stream.indirect.scatter.add.f32 [tilespmem:s13], [sflag:$0x1], $0x80, s19, s15, $0xb8;
	[tilespmem:$0x18400] =	vst v63  }
0x11a: {  	_ =	swait.ge [sflag:s14], $0x4000  }
0x11b: {  	[sflag:s14] =	ssyncset.done $0x0  }
0x11c: {  	[sflag:s14] =	ssyncadd.s32 $0xFFFFC000  }
0x11d: {  	[spmem:s2] =	stream.indirect.scatter.add.f32 [tilespmem:s13], [sflag:$0x1], $0x80, s20, s15, $0xb8;
	[tilespmem:$0x18400] =	vst v63  }
0x11e: {  	_ =	swait.ge [sflag:s14], $0x4000  }
0x11f: {  	[sflag:s14] =	ssyncset.done $0x0  }
0x120: {  	[sflag:s14] =	ssyncadd.s32 $0xFFFFC000  }
0x121: {  	[spmem:s2] =	stream.indirect.scatter.add.f32 [tilespmem:s13], [sflag:$0x1], $0x80, s21, s15, $0xb8;
	[tilespmem:$0x18400] =	vst v63  }
0x122: {  	_ =	swait.ge [sflag:s14], $0x4000  }
0x123: {  	s31 =	sshll.u32 s0, $0x6;
	s22 =	sadd.s32 $0x1, s22;
	[sflag:s14] =	ssyncset.done $0x0  }
0x124: {  	s24 =	sshrl.u32 s4, $0x3;
	p0 =	sne.s32 s22, s6;
	[sflag:s14] =	ssyncadd.s32 $0xFFFFC000  }
.Ltmp6:
0x125: {  	s23 =	sor.u32 $0x1C01, s31;
	[bflag:$0x0] =	sbarrier.arrive $0xFFFF;
	(pc) =	sbr.rel @p0 .LBB2_1-.Ltmp6, $4  }
0x126: {  	[hbm:s5], [sflag:s23] =	dma.local [spmem:s24], $0x2800  }
0x127: {  	_ =	swait.ge [sflag:s14], $0x2800  }
0x128: {  	[sflag:s14] =	ssyncset.done $0x0  }
0x129: {  	[sflag:s14] =	ssyncadd.s32 $0xFFFFD800  }
0x12a: {  	_ =	sfence.sel $0x180000  }
0x12b: {  	[bflag:$0x0] =	sbarrier.arrive $0xFFFF  }
0x12c: {  	p0 =	sne.s32 s0, $0x0;
	_ =	strace $0x90000047  }
0x12d: {  	s0 =	sadd.s32 @!p0 $0x100000, s1;
	[bflag:$0x2] =	sbarrier.arrive $0xFFFF  }
0x12e: {  	[sflag:s0] =	ssyncadd.tile.s32 @!p0 $0x1;
	_ =	shalt  }
.Lfunc_end2:
_tile_overlayer_lowered:
.L_overlay_start_2:
0x12f: {  	(tag) =	ssettag $0x2  }
0x130: {  	s0 =	rddreg [dreg:$0x0];
	s2 =	stileid.u32  }
0x131: {  	s1 =	rddreg [dreg:$0x1];
	p0 =	sne.s32 s2, $0x0  }
0x132: {  	s3 =	rddreg [dreg:$0x2];
	[bflag:$0x3] =	sbarrier.arrive $0xFFFF;
	s2 =	simm.s32 @!p0 $0x1C01  }
0x133: {  	[timem:s3], [sflag:s2] =	dma.local @!p0 [hbm:s0], s1  }
0x134: {  	s0 =	simm.s32 @!p0 $0x1  }
0x135: {  	_ =	swait.ge @!p0 [sflag:s0], s1  }
0x136: {  	s1 =	ssub.s32 @!p0 $0x0, s1;
	[sflag:s0] =	ssyncset.done @!p0 $0x0  }
0x137: {  	[sflag:s0] =	ssyncadd.s32 @!p0 s1  }
0x138: {  	[bflag:$0x3] =	sbarrier.arrive $0xFFFF  }
0x139: {  	_ =	shalt  }

</sc_bundles>
